<compile_context>
chip_gen: v7x
topology: tpu7x:2x2x1
jax: 0.10.2.dev20260603
libtpu: 0.0.44.dev20260713+nightly
codegen_flags: <defaults>
</compile_context>

<pallas_src>
import jax
import jax.numpy as jnp
from jax import lax
from jax.experimental import pallas as pl
from jax.experimental.pallas import tpu as pltpu
from jax.experimental.pallas import tpu_sc as plsc

N = 10000
D = 128
LAYERS = 2
NC = 2
NS = 16
NW = NC * NS
L = 16
CP = D // NW
SLICE = N * CP
EB = 6400
UNROLL = 8


def _sc_body(xr, rc, w, out, hs, acc, rc0, rc1, w0, w1, sem0, sem1):
    t = lax.axis_index("c") * NS + lax.axis_index("s")
    e2 = rc.shape[0]
    nblk = e2 // EB
    rcb = (rc0, rc1)
    wb = (w0, w1)
    sems = (sem0, sem1)

    def start(bi, ph):
        sl = pl.ds(bi * EB, EB)
        pltpu.async_copy(rc.at[sl], rcb[ph], sems[ph])
        pltpu.async_copy(w.at[sl], wb[ph], sems[ph])

    def drain(ph):
        sl = pl.ds(0, EB)
        pltpu.make_async_copy(rc.at[sl], rcb[ph], sems[ph]).wait()
        pltpu.make_async_copy(w.at[sl], wb[ph], sems[ph]).wait()

    start(0, 0)
    start(1, 1)
    pltpu.sync_copy(xr.at[t], hs)

    @pl.loop(0, SLICE // L, unroll=UNROLL)
    def _zero(i):
        acc[pl.ds(i * L, L)] = jnp.zeros((L,), jnp.float32)

    for layer in range(LAYERS):
        last = layer == LAYERS - 1

        @pl.loop(0, nblk, step=2)
        def _blk(b):
            for ph in range(2):
                drain(ph)

                @pl.loop(0, EB // L, unroll=UNROLL)
                def _grp(g):
                    v = rcb[ph][pl.ds(g * L, L)]
                    wv = wb[ph][pl.ds(g * L, L)]
                    rv4 = v & jnp.int32(0xFFFF)
                    cv4 = lax.shift_right_logical(v, 16)
                    for c in range(CP):
                        g16 = plsc.load_gather(hs, [cv4 + c])
                        plsc.addupdate_scatter(acc, [rv4 + c], g16 * wv)

                nxt = b + ph + 2
                if last:
                    @pl.when(nxt < nblk)
                    def _():
                        start(nxt, ph)
                else:
                    start(lax.rem(nxt, nblk), ph)

        @pl.loop(0, SLICE // L, unroll=UNROLL)
        def _upd(i):
            sl = pl.ds(i * L, L)
            hs[sl] = (hs[sl] + acc[sl]) * 0.5
            if not last:
                acc[sl] = jnp.zeros((L,), jnp.float32)

    pltpu.sync_copy(hs, out.at[t])


def kernel(x, edge_index_in, edge_weight_in, edge_index_out, edge_weight_out):
    rows = jnp.concatenate([edge_index_in[0], edge_index_out[0]])
    cols = jnp.concatenate([edge_index_in[1], edge_index_out[1]])
    w = jnp.concatenate([edge_weight_in, edge_weight_out])

    e2 = rows.shape[0]
    pad = (-e2) % (2 * EB)
    if pad:
        rows = jnp.concatenate([rows, jnp.zeros((pad,), rows.dtype)])
        cols = jnp.concatenate([cols, jnp.zeros((pad,), cols.dtype)])
        w = jnp.concatenate([w, jnp.zeros((pad,), w.dtype)])

    rc = (rows * CP) | lax.shift_left(cols * CP, 16)

    xr = x.reshape(N, NW, CP).transpose(1, 0, 2).reshape(NW, SLICE)

    mesh = plsc.VectorSubcoreMesh(
        core_axis_name="c", subcore_axis_name="s",
        num_cores=NC, num_subcores=NS,
    )
    out_r = pl.kernel(
        _sc_body,
        out_type=jax.ShapeDtypeStruct((NW, SLICE), jnp.float32),
        mesh=mesh,
        compiler_params=pltpu.CompilerParams(needs_layout_passes=False),
        scratch_types=[
            pltpu.VMEM((SLICE,), jnp.float32),
            pltpu.VMEM((SLICE,), jnp.float32),
            pltpu.VMEM((EB,), jnp.int32),
            pltpu.VMEM((EB,), jnp.int32),
            pltpu.VMEM((EB,), jnp.float32),
            pltpu.VMEM((EB,), jnp.float32),
            pltpu.SemaphoreType.DMA,
            pltpu.SemaphoreType.DMA,
        ],
    )(xr, rc, w)

    return out_r.reshape(NW, N, CP).transpose(1, 0, 2).reshape(N, D)

# --- scband reference (transcript-rebuilt; emitter-appended) ---
"""Pipeline reference for scband-in-ggnn-29566554865685 (READ-ONLY COPY).

The authoritative reference and input builder live on the scoring server;
editing this copy changes nothing except your own understanding.
"""

import jax, jax.numpy as jnp
import numpy as np

N = 10000
E = 320000
D = 128
LAYERS = 2


def setup_inputs(seed: int = 0) -> dict:
    key = jax.random.key(seed)
    k1, k2, k3, k4, k5 = jax.random.split(key, 5)
    x = jax.random.normal(k1, (N, D), dtype=jnp.float32)
    edge_index_in = jax.random.randint(k2, (2, E), 0, N, dtype=jnp.int32)
    edge_weight_in = jax.random.uniform(k3, (E,), dtype=jnp.float32)
    edge_index_out = jax.random.randint(k4, (2, E), 0, N, dtype=jnp.int32)
    edge_weight_out = jax.random.uniform(k5, (E,), dtype=jnp.float32)
    return {
        "x": x,
        "edge_index_in": edge_index_in,
        "edge_weight_in": edge_weight_in,
        "edge_index_out": edge_index_out,
        "edge_weight_out": edge_weight_out,
    }


def _spmm(edge_index, edge_weight, h):
    # out[row] += weight * h[col]  == torch.sparse.mm(A, h)
    row = edge_index[0]
    col = edge_index[1]
    gathered = jnp.take(h, col, axis=0) * edge_weight[:, None]
    return jnp.zeros_like(h).at[row].add(gathered)


def reference(x, edge_index_in, edge_weight_in, edge_index_out, edge_weight_out):
    h = x
    for _ in range(LAYERS):
        neighbor_feature = _spmm(edge_index_in, edge_weight_in, h) + _spmm(edge_index_out, edge_weight_out, h)
        agg = jnp.stack((h, neighbor_feature), axis=1)
        h = jnp.mean(agg, axis=1)  # feat_drop(p=0) is identity
    return h

if __name__ == "__main__":
    import jax
    _d = setup_inputs()
    print(jax.jit(kernel)(*tuple(_d.values())))

</pallas_src>

<mosaic_0001>
#map = affine_map<(d0, d1) -> (0, 0)>
#map1 = affine_map<(d0, d1) -> (0)>
module attributes {stable_mosaic.version = 14 : i64} {
  func.func @_sc_body(%arg0: i32, %arg1: i32, %arg2: memref<32x40000xf32, #tpu.memory_space<hbm>>, %arg3: memref<640000xi32, #tpu.memory_space<hbm>>, %arg4: memref<640000xf32, #tpu.memory_space<hbm>>, %arg5: memref<32x40000xf32, #tpu.memory_space<hbm>>, %arg6: memref<40000xf32, #tpu.memory_space<vmem>>, %arg7: memref<40000xf32, #tpu.memory_space<vmem>>, %arg8: memref<6400xi32, #tpu.memory_space<vmem>>, %arg9: memref<6400xi32, #tpu.memory_space<vmem>>, %arg10: memref<6400xf32, #tpu.memory_space<vmem>>, %arg11: memref<6400xf32, #tpu.memory_space<vmem>>, %arg12: memref<!tpu.dma_semaphore, #tpu.memory_space<semaphore_mem>>, %arg13: memref<!tpu.dma_semaphore, #tpu.memory_space<semaphore_mem>>) attributes {dimension_semantics = [#tpu.dimension_semantics<core_parallel>, #tpu.dimension_semantics<subcore_parallel>], iteration_bounds = array<i64: 2, 16>, scalar_prefetch = 0 : i64, scratch_operands = 8 : i64, tpu.core_type = #tpu.core_type<sc_vector_subcore>, window_params = [{transform_indices = #map}, {transform_indices = #map1}, {transform_indices = #map1}, {transform_indices = #map}]} {
    %mul3A = arith.constant 16 : i32
    %mul3A_0 = arith.muli %arg0, %mul3A : i32
    %add3A = arith.addi %mul3A_0, %arg1 : i32
    %dma_start3A = arith.constant 0 : i32
    %dma_start3A_1 = tpu.memref_slice %arg3[%dma_start3A] : memref<640000xi32, #tpu.memory_space<hbm>> -> memref<6400xi32, #tpu.memory_space<hbm>>
    %dma_start3A_2 = arith.constant 0 : i32
    %dma_start3A_3 = tpu.memref_slice %arg3[%dma_start3A_2] : memref<640000xi32, #tpu.memory_space<hbm>> -> memref<6400xi32, #tpu.memory_space<hbm>>
    tpu.enqueue_dma source(%dma_start3A_3 : memref<6400xi32, #tpu.memory_space<hbm>>) target(%arg8 : memref<6400xi32, #tpu.memory_space<vmem>>) target_semaphore(%arg12 : memref<!tpu.dma_semaphore, #tpu.memory_space<semaphore_mem>>)
    %dma_start3A_4 = arith.constant 0 : i32
    %dma_start3A_5 = tpu.memref_slice %arg4[%dma_start3A_4] : memref<640000xf32, #tpu.memory_space<hbm>> -> memref<6400xf32, #tpu.memory_space<hbm>>
    %dma_start3A_6 = arith.constant 0 : i32
    %dma_start3A_7 = tpu.memref_slice %arg4[%dma_start3A_6] : memref<640000xf32, #tpu.memory_space<hbm>> -> memref<6400xf32, #tpu.memory_space<hbm>>
    tpu.enqueue_dma source(%dma_start3A_7 : memref<6400xf32, #tpu.memory_space<hbm>>) target(%arg10 : memref<6400xf32, #tpu.memory_space<vmem>>) target_semaphore(%arg12 : memref<!tpu.dma_semaphore, #tpu.memory_space<semaphore_mem>>)
    %dma_start3A_8 = arith.constant 6400 : i32
    %dma_start3A_9 = tpu.memref_slice %arg3[%dma_start3A_8] : memref<640000xi32, #tpu.memory_space<hbm>> -> memref<6400xi32, #tpu.memory_space<hbm>>
    %dma_start3A_10 = arith.constant 6400 : i32
    %dma_start3A_11 = tpu.memref_slice %arg3[%dma_start3A_10] : memref<640000xi32, #tpu.memory_space<hbm>> -> memref<6400xi32, #tpu.memory_space<hbm>>
    tpu.enqueue_dma source(%dma_start3A_11 : memref<6400xi32, #tpu.memory_space<hbm>>) target(%arg9 : memref<6400xi32, #tpu.memory_space<vmem>>) target_semaphore(%arg13 : memref<!tpu.dma_semaphore, #tpu.memory_space<semaphore_mem>>)
    %dma_start3A_12 = arith.constant 6400 : i32
    %dma_start3A_13 = tpu.memref_slice %arg4[%dma_start3A_12] : memref<640000xf32, #tpu.memory_space<hbm>> -> memref<6400xf32, #tpu.memory_space<hbm>>
    %dma_start3A_14 = arith.constant 6400 : i32
    %dma_start3A_15 = tpu.memref_slice %arg4[%dma_start3A_14] : memref<640000xf32, #tpu.memory_space<hbm>> -> memref<6400xf32, #tpu.memory_space<hbm>>
    tpu.enqueue_dma source(%dma_start3A_15 : memref<6400xf32, #tpu.memory_space<hbm>>) target(%arg11 : memref<6400xf32, #tpu.memory_space<vmem>>) target_semaphore(%arg13 : memref<!tpu.dma_semaphore, #tpu.memory_space<semaphore_mem>>)
    "tpu.region"() ({
      %run_scoped3A = tpu.sem_alloc : memref<!tpu.dma_semaphore, #tpu.memory_space<semaphore_mem>>
      %dma_start3A_245 = arith.constant 0 : i32
      %dma_start3A_246 = tpu.memref_slice %arg2[%add3A, %dma_start3A_245] : memref<32x40000xf32, #tpu.memory_space<hbm>> -> memref<1x40000xf32, #tpu.memory_space<hbm>>
      %dma_start3A_247 = tpu.memref_squeeze %dma_start3A_246 : memref<1x40000xf32, #tpu.memory_space<hbm>> -> memref<40000xf32, #tpu.memory_space<hbm>>
      %dma_start3A_248 = arith.constant 0 : i32
      %dma_start3A_249 = tpu.memref_slice %arg2[%add3A, %dma_start3A_248] : memref<32x40000xf32, #tpu.memory_space<hbm>> -> memref<1x40000xf32, #tpu.memory_space<hbm>>
      %dma_start3A_250 = tpu.memref_squeeze %dma_start3A_249 : memref<1x40000xf32, #tpu.memory_space<hbm>> -> memref<40000xf32, #tpu.memory_space<hbm>>
      tpu.enqueue_dma source(%dma_start3A_250 : memref<40000xf32, #tpu.memory_space<hbm>>) target(%arg6 : memref<40000xf32, #tpu.memory_space<vmem>>) target_semaphore(%run_scoped3A : memref<!tpu.dma_semaphore, #tpu.memory_space<semaphore_mem>>)
      %dma_wait3A = arith.constant 0 : i32
      %dma_wait3A_251 = tpu.memref_slice %arg2[%add3A, %dma_wait3A] : memref<32x40000xf32, #tpu.memory_space<hbm>> -> memref<1x40000xf32, #tpu.memory_space<hbm>>
      %dma_wait3A_252 = tpu.memref_squeeze %dma_wait3A_251 : memref<1x40000xf32, #tpu.memory_space<hbm>> -> memref<40000xf32, #tpu.memory_space<hbm>>
      %dma_wait3A_253 = arith.constant 0 : i32
      %dma_wait3A_254 = tpu.memref_slice %arg2[%add3A, %dma_wait3A_253] : memref<32x40000xf32, #tpu.memory_space<hbm>> -> memref<1x40000xf32, #tpu.memory_space<hbm>>
      %dma_wait3A_255 = tpu.memref_squeeze %dma_wait3A_254 : memref<1x40000xf32, #tpu.memory_space<hbm>> -> memref<40000xf32, #tpu.memory_space<hbm>>
      tpu.wait_dma2 semaphore(%run_scoped3A : memref<!tpu.dma_semaphore, #tpu.memory_space<semaphore_mem>>) src(%dma_wait3A_255 : memref<40000xf32, #tpu.memory_space<hbm>>) dst(%arg6 : memref<40000xf32, #tpu.memory_space<vmem>>)
      tpu.yield
    }) : () -> ()
    %scan3A = arith.constant 0 : i32
    %scan3A_16 = arith.constant 2496 : i32
    %scan3A_17 = arith.addi %scan3A, %scan3A_16 : i32
    %scan3A_18 = arith.constant 8 : i32
    scf.for %scan3A_245 = %scan3A to %scan3A_17 step %scan3A_18  : i32 {
      %mul3A_246 = arith.constant 1 : i32
      %mul3A_247 = arith.muli %scan3A_245, %mul3A_246 : i32
      %add3A_248 = arith.constant 0 : i32
      %add3A_249 = arith.addi %add3A_248, %mul3A_247 : i32
      %broadcast_in_dim3A_250 = arith.constant 0.000000e+00 : f32
      %broadcast_in_dim3A_251 = vector.broadcast %broadcast_in_dim3A_250 : f32 to vector<16xf32>
      %mul3A_252 = arith.constant 16 : i32
      %mul3A_253 = arith.muli %add3A_249, %mul3A_252 : i32
      %swap3A_254 = arith.index_cast %mul3A_253 : i32 to index
      %swap3A_255 = tpu.vector_load %arg7[%swap3A_254] {strides = array<i32>} : memref<40000xf32, #tpu.memory_space<vmem>>, vector<16xf32>,
      tpu.vector_store %arg7[%swap3A_254], %broadcast_in_dim3A_251 {strides = array<i32>} : memref<40000xf32, #tpu.memory_space<vmem>>, vector<16xf32>,
      %scan3A_256 = arith.constant 1 : i32
      %scan3A_257 = arith.addi %scan3A_245, %scan3A_256 : i32
      %mul3A_258 = arith.constant 1 : i32
      %mul3A_259 = arith.muli %scan3A_257, %mul3A_258 : i32
      %add3A_260 = arith.constant 0 : i32
      %add3A_261 = arith.addi %add3A_260, %mul3A_259 : i32
      %broadcast_in_dim3A_262 = arith.constant 0.000000e+00 : f32
      %broadcast_in_dim3A_263 = vector.broadcast %broadcast_in_dim3A_262 : f32 to vector<16xf32>
      %mul3A_264 = arith.constant 16 : i32
      %mul3A_265 = arith.muli %add3A_261, %mul3A_264 : i32
      %swap3A_266 = arith.index_cast %mul3A_265 : i32 to index
      %swap3A_267 = tpu.vector_load %arg7[%swap3A_266] {strides = array<i32>} : memref<40000xf32, #tpu.memory_space<vmem>>, vector<16xf32>,
      tpu.vector_store %arg7[%swap3A_266], %broadcast_in_dim3A_263 {strides = array<i32>} : memref<40000xf32, #tpu.memory_space<vmem>>, vector<16xf32>,
      %scan3A_268 = arith.constant 2 : i32
      %scan3A_269 = arith.addi %scan3A_245, %scan3A_268 : i32
      %mul3A_270 = arith.constant 1 : i32
      %mul3A_271 = arith.muli %scan3A_269, %mul3A_270 : i32
      %add3A_272 = arith.constant 0 : i32
      %add3A_273 = arith.addi %add3A_272, %mul3A_271 : i32
      %broadcast_in_dim3A_274 = arith.constant 0.000000e+00 : f32
      %broadcast_in_dim3A_275 = vector.broadcast %broadcast_in_dim3A_274 : f32 to vector<16xf32>
      %mul3A_276 = arith.constant 16 : i32
      %mul3A_277 = arith.muli %add3A_273, %mul3A_276 : i32
      %swap3A_278 = arith.index_cast %mul3A_277 : i32 to index
      %swap3A_279 = tpu.vector_load %arg7[%swap3A_278] {strides = array<i32>} : memref<40000xf32, #tpu.memory_space<vmem>>, vector<16xf32>,
      tpu.vector_store %arg7[%swap3A_278], %broadcast_in_dim3A_275 {strides = array<i32>} : memref<40000xf32, #tpu.memory_space<vmem>>, vector<16xf32>,
      %scan3A_280 = arith.constant 3 : i32
      %scan3A_281 = arith.addi %scan3A_245, %scan3A_280 : i32
      %mul3A_282 = arith.constant 1 : i32
      %mul3A_283 = arith.muli %scan3A_281, %mul3A_282 : i32
      %add3A_284 = arith.constant 0 : i32
      %add3A_285 = arith.addi %add3A_284, %mul3A_283 : i32
      %broadcast_in_dim3A_286 = arith.constant 0.000000e+00 : f32
      %broadcast_in_dim3A_287 = vector.broadcast %broadcast_in_dim3A_286 : f32 to vector<16xf32>
      %mul3A_288 = arith.constant 16 : i32
      %mul3A_289 = arith.muli %add3A_285, %mul3A_288 : i32
      %swap3A_290 = arith.index_cast %mul3A_289 : i32 to index
      %swap3A_291 = tpu.vector_load %arg7[%swap3A_290] {strides = array<i32>} : memref<40000xf32, #tpu.memory_space<vmem>>, vector<16xf32>,
      tpu.vector_store %arg7[%swap3A_290], %broadcast_in_dim3A_287 {strides = array<i32>} : memref<40000xf32, #tpu.memory_space<vmem>>, vector<16xf32>,
      %scan3A_292 = arith.constant 4 : i32
      %scan3A_293 = arith.addi %scan3A_245, %scan3A_292 : i32
      %mul3A_294 = arith.constant 1 : i32
      %mul3A_295 = arith.muli %scan3A_293, %mul3A_294 : i32
      %add3A_296 = arith.constant 0 : i32
      %add3A_297 = arith.addi %add3A_296, %mul3A_295 : i32
      %broadcast_in_dim3A_298 = arith.constant 0.000000e+00 : f32
      %broadcast_in_dim3A_299 = vector.broadcast %broadcast_in_dim3A_298 : f32 to vector<16xf32>
      %mul3A_300 = arith.constant 16 : i32
      %mul3A_301 = arith.muli %add3A_297, %mul3A_300 : i32
      %swap3A_302 = arith.index_cast %mul3A_301 : i32 to index
      %swap3A_303 = tpu.vector_load %arg7[%swap3A_302] {strides = array<i32>} : memref<40000xf32, #tpu.memory_space<vmem>>, vector<16xf32>,
      tpu.vector_store %arg7[%swap3A_302], %broadcast_in_dim3A_299 {strides = array<i32>} : memref<40000xf32, #tpu.memory_space<vmem>>, vector<16xf32>,
      %scan3A_304 = arith.constant 5 : i32
      %scan3A_305 = arith.addi %scan3A_245, %scan3A_304 : i32
      %mul3A_306 = arith.constant 1 : i32
      %mul3A_307 = arith.muli %scan3A_305, %mul3A_306 : i32
      %add3A_308 = arith.constant 0 : i32
      %add3A_309 = arith.addi %add3A_308, %mul3A_307 : i32
      %broadcast_in_dim3A_310 = arith.constant 0.000000e+00 : f32
      %broadcast_in_dim3A_311 = vector.broadcast %broadcast_in_dim3A_310 : f32 to vector<16xf32>
      %mul3A_312 = arith.constant 16 : i32
      %mul3A_313 = arith.muli %add3A_309, %mul3A_312 : i32
      %swap3A_314 = arith.index_cast %mul3A_313 : i32 to index
      %swap3A_315 = tpu.vector_load %arg7[%swap3A_314] {strides = array<i32>} : memref<40000xf32, #tpu.memory_space<vmem>>, vector<16xf32>,
      tpu.vector_store %arg7[%swap3A_314], %broadcast_in_dim3A_311 {strides = array<i32>} : memref<40000xf32, #tpu.memory_space<vmem>>, vector<16xf32>,
      %scan3A_316 = arith.constant 6 : i32
      %scan3A_317 = arith.addi %scan3A_245, %scan3A_316 : i32
      %mul3A_318 = arith.constant 1 : i32
      %mul3A_319 = arith.muli %scan3A_317, %mul3A_318 : i32
      %add3A_320 = arith.constant 0 : i32
      %add3A_321 = arith.addi %add3A_320, %mul3A_319 : i32
      %broadcast_in_dim3A_322 = arith.constant 0.000000e+00 : f32
      %broadcast_in_dim3A_323 = vector.broadcast %broadcast_in_dim3A_322 : f32 to vector<16xf32>
      %mul3A_324 = arith.constant 16 : i32
      %mul3A_325 = arith.muli %add3A_321, %mul3A_324 : i32
      %swap3A_326 = arith.index_cast %mul3A_325 : i32 to index
      %swap3A_327 = tpu.vector_load %arg7[%swap3A_326] {strides = array<i32>} : memref<40000xf32, #tpu.memory_space<vmem>>, vector<16xf32>,
      tpu.vector_store %arg7[%swap3A_326], %broadcast_in_dim3A_323 {strides = array<i32>} : memref<40000xf32, #tpu.memory_space<vmem>>, vector<16xf32>,
      %scan3A_328 = arith.constant 7 : i32
      %scan3A_329 = arith.addi %scan3A_245, %scan3A_328 : i32
      %mul3A_330 = arith.constant 1 : i32
      %mul3A_331 = arith.muli %scan3A_329, %mul3A_330 : i32
      %add3A_332 = arith.constant 0 : i32
      %add3A_333 = arith.addi %add3A_332, %mul3A_331 : i32
      %broadcast_in_dim3A_334 = arith.constant 0.000000e+00 : f32
      %broadcast_in_dim3A_335 = vector.broadcast %broadcast_in_dim3A_334 : f32 to vector<16xf32>
      %mul3A_336 = arith.constant 16 : i32
      %mul3A_337 = arith.muli %add3A_333, %mul3A_336 : i32
      %swap3A_338 = arith.index_cast %mul3A_337 : i32 to index
      %swap3A_339 = tpu.vector_load %arg7[%swap3A_338] {strides = array<i32>} : memref<40000xf32, #tpu.memory_space<vmem>>, vector<16xf32>,
      tpu.vector_store %arg7[%swap3A_338], %broadcast_in_dim3A_335 {strides = array<i32>} : memref<40000xf32, #tpu.memory_space<vmem>>, vector<16xf32>,
    }
    %scan3A_19 = arith.constant 2496 : i32
    %scan3A_20 = arith.addi %scan3A, %scan3A_19 : i32
    %mul3A_21 = arith.constant 1 : i32
    %mul3A_22 = arith.muli %scan3A_20, %mul3A_21 : i32
    %add3A_23 = arith.constant 0 : i32
    %add3A_24 = arith.addi %add3A_23, %mul3A_22 : i32
    %broadcast_in_dim3A = arith.constant 0.000000e+00 : f32
    %broadcast_in_dim3A_25 = vector.broadcast %broadcast_in_dim3A : f32 to vector<16xf32>
    %mul3A_26 = arith.constant 16 : i32
    %mul3A_27 = arith.muli %add3A_24, %mul3A_26 : i32
    %swap3A = arith.index_cast %mul3A_27 : i32 to index
    %swap3A_28 = tpu.vector_load %arg7[%swap3A] {strides = array<i32>} : memref<40000xf32, #tpu.memory_space<vmem>>, vector<16xf32>,
    tpu.vector_store %arg7[%swap3A], %broadcast_in_dim3A_25 {strides = array<i32>} : memref<40000xf32, #tpu.memory_space<vmem>>, vector<16xf32>,
    %scan3A_29 = arith.constant 2497 : i32
    %scan3A_30 = arith.addi %scan3A, %scan3A_29 : i32
    %mul3A_31 = arith.constant 1 : i32
    %mul3A_32 = arith.muli %scan3A_30, %mul3A_31 : i32
    %add3A_33 = arith.constant 0 : i32
    %add3A_34 = arith.addi %add3A_33, %mul3A_32 : i32
    %broadcast_in_dim3A_35 = arith.constant 0.000000e+00 : f32
    %broadcast_in_dim3A_36 = vector.broadcast %broadcast_in_dim3A_35 : f32 to vector<16xf32>
    %mul3A_37 = arith.constant 16 : i32
    %mul3A_38 = arith.muli %add3A_34, %mul3A_37 : i32
    %swap3A_39 = arith.index_cast %mul3A_38 : i32 to index
    %swap3A_40 = tpu.vector_load %arg7[%swap3A_39] {strides = array<i32>} : memref<40000xf32, #tpu.memory_space<vmem>>, vector<16xf32>,
    tpu.vector_store %arg7[%swap3A_39], %broadcast_in_dim3A_36 {strides = array<i32>} : memref<40000xf32, #tpu.memory_space<vmem>>, vector<16xf32>,
    %scan3A_41 = arith.constant 2498 : i32
    %scan3A_42 = arith.addi %scan3A, %scan3A_41 : i32
    %mul3A_43 = arith.constant 1 : i32
    %mul3A_44 = arith.muli %scan3A_42, %mul3A_43 : i32
    %add3A_45 = arith.constant 0 : i32
    %add3A_46 = arith.addi %add3A_45, %mul3A_44 : i32
    %broadcast_in_dim3A_47 = arith.constant 0.000000e+00 : f32
    %broadcast_in_dim3A_48 = vector.broadcast %broadcast_in_dim3A_47 : f32 to vector<16xf32>
    %mul3A_49 = arith.constant 16 : i32
    %mul3A_50 = arith.muli %add3A_46, %mul3A_49 : i32
    %swap3A_51 = arith.index_cast %mul3A_50 : i32 to index
    %swap3A_52 = tpu.vector_load %arg7[%swap3A_51] {strides = array<i32>} : memref<40000xf32, #tpu.memory_space<vmem>>, vector<16xf32>,
    tpu.vector_store %arg7[%swap3A_51], %broadcast_in_dim3A_48 {strides = array<i32>} : memref<40000xf32, #tpu.memory_space<vmem>>, vector<16xf32>,
    %scan3A_53 = arith.constant 2499 : i32
    %scan3A_54 = arith.addi %scan3A, %scan3A_53 : i32
    %mul3A_55 = arith.constant 1 : i32
    %mul3A_56 = arith.muli %scan3A_54, %mul3A_55 : i32
    %add3A_57 = arith.constant 0 : i32
    %add3A_58 = arith.addi %add3A_57, %mul3A_56 : i32
    %broadcast_in_dim3A_59 = arith.constant 0.000000e+00 : f32
    %broadcast_in_dim3A_60 = vector.broadcast %broadcast_in_dim3A_59 : f32 to vector<16xf32>
    %mul3A_61 = arith.constant 16 : i32
    %mul3A_62 = arith.muli %add3A_58, %mul3A_61 : i32
    %swap3A_63 = arith.index_cast %mul3A_62 : i32 to index
    %swap3A_64 = tpu.vector_load %arg7[%swap3A_63] {strides = array<i32>} : memref<40000xf32, #tpu.memory_space<vmem>>, vector<16xf32>,
    tpu.vector_store %arg7[%swap3A_63], %broadcast_in_dim3A_60 {strides = array<i32>} : memref<40000xf32, #tpu.memory_space<vmem>>, vector<16xf32>,
    %scan3A_65 = arith.constant 2500 : i32
    %scan3A_66 = arith.constant 0 : i32
    %scan3A_67 = arith.constant 50 : i32
    %scan3A_68 = arith.addi %scan3A_66, %scan3A_67 : i32
    %scan3A_69 = arith.constant 1 : i32
    scf.for %scan3A_245 = %scan3A_66 to %scan3A_68 step %scan3A_69  : i32 {
      %mul3A_246 = arith.constant 2 : i32
      %mul3A_247 = arith.muli %scan3A_245, %mul3A_246 : i32
      %add3A_248 = arith.constant 0 : i32
      %add3A_249 = arith.addi %add3A_248, %mul3A_247 : i32
      %dma_wait3A = arith.constant 0 : i32
      %dma_wait3A_250 = tpu.memref_slice %arg3[%dma_wait3A] : memref<640000xi32, #tpu.memory_space<hbm>> -> memref<6400xi32, #tpu.memory_space<hbm>>
      %dma_wait3A_251 = arith.constant 0 : i32
      %dma_wait3A_252 = tpu.memref_slice %arg3[%dma_wait3A_251] : memref<640000xi32, #tpu.memory_space<hbm>> -> memref<6400xi32, #tpu.memory_space<hbm>>
      tpu.wait_dma2 semaphore(%arg12 : memref<!tpu.dma_semaphore, #tpu.memory_space<semaphore_mem>>) src(%dma_wait3A_252 : memref<6400xi32, #tpu.memory_space<hbm>>) dst(%arg8 : memref<6400xi32, #tpu.memory_space<vmem>>)
      %dma_wait3A_253 = arith.constant 0 : i32
      %dma_wait3A_254 = tpu.memref_slice %arg4[%dma_wait3A_253] : memref<640000xf32, #tpu.memory_space<hbm>> -> memref<6400xf32, #tpu.memory_space<hbm>>
      %dma_wait3A_255 = arith.constant 0 : i32
      %dma_wait3A_256 = tpu.memref_slice %arg4[%dma_wait3A_255] : memref<640000xf32, #tpu.memory_space<hbm>> -> memref<6400xf32, #tpu.memory_space<hbm>>
      tpu.wait_dma2 semaphore(%arg12 : memref<!tpu.dma_semaphore, #tpu.memory_space<semaphore_mem>>) src(%dma_wait3A_256 : memref<6400xf32, #tpu.memory_space<hbm>>) dst(%arg10 : memref<6400xf32, #tpu.memory_space<vmem>>)
      %scan3A_257 = arith.constant 0 : i32
      %scan3A_258 = arith.constant 400 : i32
      %scan3A_259 = arith.addi %scan3A_257, %scan3A_258 : i32
      %scan3A_260 = arith.constant 8 : i32
      scf.for %scan3A_298 = %scan3A_257 to %scan3A_259 step %scan3A_260  : i32 {
        %mul3A_299 = arith.constant 1 : i32
        %mul3A_300 = arith.muli %scan3A_298, %mul3A_299 : i32
        %add3A_301 = arith.constant 0 : i32
        %add3A_302 = arith.addi %add3A_301, %mul3A_300 : i32
        %mul3A_303 = arith.constant 16 : i32
        %mul3A_304 = arith.muli %add3A_302, %mul3A_303 : i32
        %get3A_305 = arith.index_cast %mul3A_304 : i32 to index
        %get3A_306 = tpu.vector_load %arg8[%get3A_305] {strides = array<i32>} : memref<6400xi32, #tpu.memory_space<vmem>>, vector<16xi32>,
        %mul3A_307 = arith.constant 16 : i32
        %mul3A_308 = arith.muli %add3A_302, %mul3A_307 : i32
        %get3A_309 = arith.index_cast %mul3A_308 : i32 to index
        %get3A_310 = tpu.vector_load %arg10[%get3A_309] {strides = array<i32>} : memref<6400xf32, #tpu.memory_space<vmem>>, vector<16xf32>,
        %and3A = arith.constant 65535 : i32
        %and3A_311 = vector.broadcast %and3A : i32 to vector<16xi32>
        %and3A_312 = arith.andi %get3A_306, %and3A_311 : vector<16xi32>
        %shift_right_logical3A = arith.constant 16 : i32
        %shift_right_logical3A_313 = vector.broadcast %shift_right_logical3A : i32 to vector<16xi32>
        %shift_right_logical3A_314 = arith.shrui %get3A_306, %shift_right_logical3A_313 : vector<16xi32>
        %add3A_315 = arith.constant 0 : i32
        %add3A_316 = vector.broadcast %add3A_315 : i32 to vector<16xi32>
        %add3A_317 = arith.addi %shift_right_logical3A_314, %add3A_316 : vector<16xi32>
        %gather3A = tpu.vector_load_idx %arg6[%add3A_317] : memref<40000xf32, #tpu.memory_space<vmem>>[vector<16xi32>], vector<16xf32>,
        %add3A_318 = arith.constant 0 : i32
        %add3A_319 = vector.broadcast %add3A_318 : i32 to vector<16xi32>
        %add3A_320 = arith.addi %and3A_312, %add3A_319 : vector<16xi32>
        %mul3A_321 = arith.mulf %gather3A, %get3A_310 : vector<16xf32>
        tpu.vector_store_idx %arg7[%add3A_320], %mul3A_321 {add = true} : memref<40000xf32, #tpu.memory_space<vmem>>[vector<16xi32>], vector<16xf32>,
        %add3A_322 = arith.constant 1 : i32
        %add3A_323 = vector.broadcast %add3A_322 : i32 to vector<16xi32>
        %add3A_324 = arith.addi %shift_right_logical3A_314, %add3A_323 : vector<16xi32>
        %gather3A_325 = tpu.vector_load_idx %arg6[%add3A_324] : memref<40000xf32, #tpu.memory_space<vmem>>[vector<16xi32>], vector<16xf32>,
        %add3A_326 = arith.constant 1 : i32
        %add3A_327 = vector.broadcast %add3A_326 : i32 to vector<16xi32>
        %add3A_328 = arith.addi %and3A_312, %add3A_327 : vector<16xi32>
        %mul3A_329 = arith.mulf %gather3A_325, %get3A_310 : vector<16xf32>
        tpu.vector_store_idx %arg7[%add3A_328], %mul3A_329 {add = true} : memref<40000xf32, #tpu.memory_space<vmem>>[vector<16xi32>], vector<16xf32>,
        %add3A_330 = arith.constant 2 : i32
        %add3A_331 = vector.broadcast %add3A_330 : i32 to vector<16xi32>
        %add3A_332 = arith.addi %shift_right_logical3A_314, %add3A_331 : vector<16xi32>
        %gather3A_333 = tpu.vector_load_idx %arg6[%add3A_332] : memref<40000xf32, #tpu.memory_space<vmem>>[vector<16xi32>], vector<16xf32>,
        %add3A_334 = arith.constant 2 : i32
        %add3A_335 = vector.broadcast %add3A_334 : i32 to vector<16xi32>
        %add3A_336 = arith.addi %and3A_312, %add3A_335 : vector<16xi32>
        %mul3A_337 = arith.mulf %gather3A_333, %get3A_310 : vector<16xf32>
        tpu.vector_store_idx %arg7[%add3A_336], %mul3A_337 {add = true} : memref<40000xf32, #tpu.memory_space<vmem>>[vector<16xi32>], vector<16xf32>,
        %add3A_338 = arith.constant 3 : i32
        %add3A_339 = vector.broadcast %add3A_338 : i32 to vector<16xi32>
        %add3A_340 = arith.addi %shift_right_logical3A_314, %add3A_339 : vector<16xi32>
        %gather3A_341 = tpu.vector_load_idx %arg6[%add3A_340] : memref<40000xf32, #tpu.memory_space<vmem>>[vector<16xi32>], vector<16xf32>,
        %add3A_342 = arith.constant 3 : i32
        %add3A_343 = vector.broadcast %add3A_342 : i32 to vector<16xi32>
        %add3A_344 = arith.addi %and3A_312, %add3A_343 : vector<16xi32>
        %mul3A_345 = arith.mulf %gather3A_341, %get3A_310 : vector<16xf32>
        tpu.vector_store_idx %arg7[%add3A_344], %mul3A_345 {add = true} : memref<40000xf32, #tpu.memory_space<vmem>>[vector<16xi32>], vector<16xf32>,
        %scan3A_346 = arith.constant 1 : i32
        %scan3A_347 = arith.addi %scan3A_298, %scan3A_346 : i32
        %mul3A_348 = arith.constant 1 : i32
        %mul3A_349 = arith.muli %scan3A_347, %mul3A_348 : i32
        %add3A_350 = arith.constant 0 : i32
        %add3A_351 = arith.addi %add3A_350, %mul3A_349 : i32
        %mul3A_352 = arith.constant 16 : i32
        %mul3A_353 = arith.muli %add3A_351, %mul3A_352 : i32
        %get3A_354 = arith.index_cast %mul3A_353 : i32 to index
        %get3A_355 = tpu.vector_load %arg8[%get3A_354] {strides = array<i32>} : memref<6400xi32, #tpu.memory_space<vmem>>, vector<16xi32>,
        %mul3A_356 = arith.constant 16 : i32
        %mul3A_357 = arith.muli %add3A_351, %mul3A_356 : i32
        %get3A_358 = arith.index_cast %mul3A_357 : i32 to index
        %get3A_359 = tpu.vector_load %arg10[%get3A_358] {strides = array<i32>} : memref<6400xf32, #tpu.memory_space<vmem>>, vector<16xf32>,
        %and3A_360 = arith.constant 65535 : i32
        %and3A_361 = vector.broadcast %and3A_360 : i32 to vector<16xi32>
        %and3A_362 = arith.andi %get3A_355, %and3A_361 : vector<16xi32>
        %shift_right_logical3A_363 = arith.constant 16 : i32
        %shift_right_logical3A_364 = vector.broadcast %shift_right_logical3A_363 : i32 to vector<16xi32>
        %shift_right_logical3A_365 = arith.shrui %get3A_355, %shift_right_logical3A_364 : vector<16xi32>
        %add3A_366 = arith.constant 0 : i32
        %add3A_367 = vector.broadcast %add3A_366 : i32 to vector<16xi32>
        %add3A_368 = arith.addi %shift_right_logical3A_365, %add3A_367 : vector<16xi32>
        %gather3A_369 = tpu.vector_load_idx %arg6[%add3A_368] : memref<40000xf32, #tpu.memory_space<vmem>>[vector<16xi32>], vector<16xf32>,
        %add3A_370 = arith.constant 0 : i32
        %add3A_371 = vector.broadcast %add3A_370 : i32 to vector<16xi32>
        %add3A_372 = arith.addi %and3A_362, %add3A_371 : vector<16xi32>
        %mul3A_373 = arith.mulf %gather3A_369, %get3A_359 : vector<16xf32>
        tpu.vector_store_idx %arg7[%add3A_372], %mul3A_373 {add = true} : memref<40000xf32, #tpu.memory_space<vmem>>[vector<16xi32>], vector<16xf32>,
        %add3A_374 = arith.constant 1 : i32
        %add3A_375 = vector.broadcast %add3A_374 : i32 to vector<16xi32>
        %add3A_376 = arith.addi %shift_right_logical3A_365, %add3A_375 : vector<16xi32>
        %gather3A_377 = tpu.vector_load_idx %arg6[%add3A_376] : memref<40000xf32, #tpu.memory_space<vmem>>[vector<16xi32>], vector<16xf32>,
        %add3A_378 = arith.constant 1 : i32
        %add3A_379 = vector.broadcast %add3A_378 : i32 to vector<16xi32>
        %add3A_380 = arith.addi %and3A_362, %add3A_379 : vector<16xi32>
        %mul3A_381 = arith.mulf %gather3A_377, %get3A_359 : vector<16xf32>
        tpu.vector_store_idx %arg7[%add3A_380], %mul3A_381 {add = true} : memref<40000xf32, #tpu.memory_space<vmem>>[vector<16xi32>], vector<16xf32>,
        %add3A_382 = arith.constant 2 : i32
        %add3A_383 = vector.broadcast %add3A_382 : i32 to vector<16xi32>
        %add3A_384 = arith.addi %shift_right_logical3A_365, %add3A_383 : vector<16xi32>
        %gather3A_385 = tpu.vector_load_idx %arg6[%add3A_384] : memref<40000xf32, #tpu.memory_space<vmem>>[vector<16xi32>], vector<16xf32>,
        %add3A_386 = arith.constant 2 : i32
        %add3A_387 = vector.broadcast %add3A_386 : i32 to vector<16xi32>
        %add3A_388 = arith.addi %and3A_362, %add3A_387 : vector<16xi32>
        %mul3A_389 = arith.mulf %gather3A_385, %get3A_359 : vector<16xf32>
        tpu.vector_store_idx %arg7[%add3A_388], %mul3A_389 {add = true} : memref<40000xf32, #tpu.memory_space<vmem>>[vector<16xi32>], vector<16xf32>,
        %add3A_390 = arith.constant 3 : i32
        %add3A_391 = vector.broadcast %add3A_390 : i32 to vector<16xi32>
        %add3A_392 = arith.addi %shift_right_logical3A_365, %add3A_391 : vector<16xi32>
        %gather3A_393 = tpu.vector_load_idx %arg6[%add3A_392] : memref<40000xf32, #tpu.memory_space<vmem>>[vector<16xi32>], vector<16xf32>,
        %add3A_394 = arith.constant 3 : i32
        %add3A_395 = vector.broadcast %add3A_394 : i32 to vector<16xi32>
        %add3A_396 = arith.addi %and3A_362, %add3A_395 : vector<16xi32>
        %mul3A_397 = arith.mulf %gather3A_393, %get3A_359 : vector<16xf32>
        tpu.vector_store_idx %arg7[%add3A_396], %mul3A_397 {add = true} : memref<40000xf32, #tpu.memory_space<vmem>>[vector<16xi32>], vector<16xf32>,
        %scan3A_398 = arith.constant 2 : i32
        %scan3A_399 = arith.addi %scan3A_298, %scan3A_398 : i32
        %mul3A_400 = arith.constant 1 : i32
        %mul3A_401 = arith.muli %scan3A_399, %mul3A_400 : i32
        %add3A_402 = arith.constant 0 : i32
        %add3A_403 = arith.addi %add3A_402, %mul3A_401 : i32
        %mul3A_404 = arith.constant 16 : i32
        %mul3A_405 = arith.muli %add3A_403, %mul3A_404 : i32
        %get3A_406 = arith.index_cast %mul3A_405 : i32 to index
        %get3A_407 = tpu.vector_load %arg8[%get3A_406] {strides = array<i32>} : memref<6400xi32, #tpu.memory_space<vmem>>, vector<16xi32>,
        %mul3A_408 = arith.constant 16 : i32
        %mul3A_409 = arith.muli %add3A_403, %mul3A_408 : i32
        %get3A_410 = arith.index_cast %mul3A_409 : i32 to index
        %get3A_411 = tpu.vector_load %arg10[%get3A_410] {strides = array<i32>} : memref<6400xf32, #tpu.memory_space<vmem>>, vector<16xf32>,
        %and3A_412 = arith.constant 65535 : i32
        %and3A_413 = vector.broadcast %and3A_412 : i32 to vector<16xi32>
        %and3A_414 = arith.andi %get3A_407, %and3A_413 : vector<16xi32>
        %shift_right_logical3A_415 = arith.constant 16 : i32
        %shift_right_logical3A_416 = vector.broadcast %shift_right_logical3A_415 : i32 to vector<16xi32>
        %shift_right_logical3A_417 = arith.shrui %get3A_407, %shift_right_logical3A_416 : vector<16xi32>
        %add3A_418 = arith.constant 0 : i32
        %add3A_419 = vector.broadcast %add3A_418 : i32 to vector<16xi32>
        %add3A_420 = arith.addi %shift_right_logical3A_417, %add3A_419 : vector<16xi32>
        %gather3A_421 = tpu.vector_load_idx %arg6[%add3A_420] : memref<40000xf32, #tpu.memory_space<vmem>>[vector<16xi32>], vector<16xf32>,
        %add3A_422 = arith.constant 0 : i32
        %add3A_423 = vector.broadcast %add3A_422 : i32 to vector<16xi32>
        %add3A_424 = arith.addi %and3A_414, %add3A_423 : vector<16xi32>
        %mul3A_425 = arith.mulf %gather3A_421, %get3A_411 : vector<16xf32>
        tpu.vector_store_idx %arg7[%add3A_424], %mul3A_425 {add = true} : memref<40000xf32, #tpu.memory_space<vmem>>[vector<16xi32>], vector<16xf32>,
        %add3A_426 = arith.constant 1 : i32
        %add3A_427 = vector.broadcast %add3A_426 : i32 to vector<16xi32>
        %add3A_428 = arith.addi %shift_right_logical3A_417, %add3A_427 : vector<16xi32>
        %gather3A_429 = tpu.vector_load_idx %arg6[%add3A_428] : memref<40000xf32, #tpu.memory_space<vmem>>[vector<16xi32>], vector<16xf32>,
        %add3A_430 = arith.constant 1 : i32
        %add3A_431 = vector.broadcast %add3A_430 : i32 to vector<16xi32>
        %add3A_432 = arith.addi %and3A_414, %add3A_431 : vector<16xi32>
        %mul3A_433 = arith.mulf %gather3A_429, %get3A_411 : vector<16xf32>
        tpu.vector_store_idx %arg7[%add3A_432], %mul3A_433 {add = true} : memref<40000xf32, #tpu.memory_space<vmem>>[vector<16xi32>], vector<16xf32>,
        %add3A_434 = arith.constant 2 : i32
        %add3A_435 = vector.broadcast %add3A_434 : i32 to vector<16xi32>
        %add3A_436 = arith.addi %shift_right_logical3A_417, %add3A_435 : vector<16xi32>
        %gather3A_437 = tpu.vector_load_idx %arg6[%add3A_436] : memref<40000xf32, #tpu.memory_space<vmem>>[vector<16xi32>], vector<16xf32>,
        %add3A_438 = arith.constant 2 : i32
        %add3A_439 = vector.broadcast %add3A_438 : i32 to vector<16xi32>
        %add3A_440 = arith.addi %and3A_414, %add3A_439 : vector<16xi32>
        %mul3A_441 = arith.mulf %gather3A_437, %get3A_411 : vector<16xf32>
        tpu.vector_store_idx %arg7[%add3A_440], %mul3A_441 {add = true} : memref<40000xf32, #tpu.memory_space<vmem>>[vector<16xi32>], vector<16xf32>,
        %add3A_442 = arith.constant 3 : i32
        %add3A_443 = vector.broadcast %add3A_442 : i32 to vector<16xi32>
        %add3A_444 = arith.addi %shift_right_logical3A_417, %add3A_443 : vector<16xi32>
        %gather3A_445 = tpu.vector_load_idx %arg6[%add3A_444] : memref<40000xf32, #tpu.memory_space<vmem>>[vector<16xi32>], vector<16xf32>,
        %add3A_446 = arith.constant 3 : i32
        %add3A_447 = vector.broadcast %add3A_446 : i32 to vector<16xi32>
        %add3A_448 = arith.addi %and3A_414, %add3A_447 : vector<16xi32>
        %mul3A_449 = arith.mulf %gather3A_445, %get3A_411 : vector<16xf32>
        tpu.vector_store_idx %arg7[%add3A_448], %mul3A_449 {add = true} : memref<40000xf32, #tpu.memory_space<vmem>>[vector<16xi32>], vector<16xf32>,
        %scan3A_450 = arith.constant 3 : i32
        %scan3A_451 = arith.addi %scan3A_298, %scan3A_450 : i32
        %mul3A_452 = arith.constant 1 : i32
        %mul3A_453 = arith.muli %scan3A_451, %mul3A_452 : i32
        %add3A_454 = arith.constant 0 : i32
        %add3A_455 = arith.addi %add3A_454, %mul3A_453 : i32
        %mul3A_456 = arith.constant 16 : i32
        %mul3A_457 = arith.muli %add3A_455, %mul3A_456 : i32
        %get3A_458 = arith.index_cast %mul3A_457 : i32 to index
        %get3A_459 = tpu.vector_load %arg8[%get3A_458] {strides = array<i32>} : memref<6400xi32, #tpu.memory_space<vmem>>, vector<16xi32>,
        %mul3A_460 = arith.constant 16 : i32
        %mul3A_461 = arith.muli %add3A_455, %mul3A_460 : i32
        %get3A_462 = arith.index_cast %mul3A_461 : i32 to index
        %get3A_463 = tpu.vector_load %arg10[%get3A_462] {strides = array<i32>} : memref<6400xf32, #tpu.memory_space<vmem>>, vector<16xf32>,
        %and3A_464 = arith.constant 65535 : i32
        %and3A_465 = vector.broadcast %and3A_464 : i32 to vector<16xi32>
        %and3A_466 = arith.andi %get3A_459, %and3A_465 : vector<16xi32>
        %shift_right_logical3A_467 = arith.constant 16 : i32
        %shift_right_logical3A_468 = vector.broadcast %shift_right_logical3A_467 : i32 to vector<16xi32>
        %shift_right_logical3A_469 = arith.shrui %get3A_459, %shift_right_logical3A_468 : vector<16xi32>
        %add3A_470 = arith.constant 0 : i32
        %add3A_471 = vector.broadcast %add3A_470 : i32 to vector<16xi32>
        %add3A_472 = arith.addi %shift_right_logical3A_469, %add3A_471 : vector<16xi32>
        %gather3A_473 = tpu.vector_load_idx %arg6[%add3A_472] : memref<40000xf32, #tpu.memory_space<vmem>>[vector<16xi32>], vector<16xf32>,
        %add3A_474 = arith.constant 0 : i32
        %add3A_475 = vector.broadcast %add3A_474 : i32 to vector<16xi32>
        %add3A_476 = arith.addi %and3A_466, %add3A_475 : vector<16xi32>
        %mul3A_477 = arith.mulf %gather3A_473, %get3A_463 : vector<16xf32>
        tpu.vector_store_idx %arg7[%add3A_476], %mul3A_477 {add = true} : memref<40000xf32, #tpu.memory_space<vmem>>[vector<16xi32>], vector<16xf32>,
        %add3A_478 = arith.constant 1 : i32
        %add3A_479 = vector.broadcast %add3A_478 : i32 to vector<16xi32>
        %add3A_480 = arith.addi %shift_right_logical3A_469, %add3A_479 : vector<16xi32>
        %gather3A_481 = tpu.vector_load_idx %arg6[%add3A_480] : memref<40000xf32, #tpu.memory_space<vmem>>[vector<16xi32>], vector<16xf32>,
        %add3A_482 = arith.constant 1 : i32
        %add3A_483 = vector.broadcast %add3A_482 : i32 to vector<16xi32>
        %add3A_484 = arith.addi %and3A_466, %add3A_483 : vector<16xi32>
        %mul3A_485 = arith.mulf %gather3A_481, %get3A_463 : vector<16xf32>
        tpu.vector_store_idx %arg7[%add3A_484], %mul3A_485 {add = true} : memref<40000xf32, #tpu.memory_space<vmem>>[vector<16xi32>], vector<16xf32>,
        %add3A_486 = arith.constant 2 : i32
        %add3A_487 = vector.broadcast %add3A_486 : i32 to vector<16xi32>
        %add3A_488 = arith.addi %shift_right_logical3A_469, %add3A_487 : vector<16xi32>
        %gather3A_489 = tpu.vector_load_idx %arg6[%add3A_488] : memref<40000xf32, #tpu.memory_space<vmem>>[vector<16xi32>], vector<16xf32>,
        %add3A_490 = arith.constant 2 : i32
        %add3A_491 = vector.broadcast %add3A_490 : i32 to vector<16xi32>
        %add3A_492 = arith.addi %and3A_466, %add3A_491 : vector<16xi32>
        %mul3A_493 = arith.mulf %gather3A_489, %get3A_463 : vector<16xf32>
        tpu.vector_store_idx %arg7[%add3A_492], %mul3A_493 {add = true} : memref<40000xf32, #tpu.memory_space<vmem>>[vector<16xi32>], vector<16xf32>,
        %add3A_494 = arith.constant 3 : i32
        %add3A_495 = vector.broadcast %add3A_494 : i32 to vector<16xi32>
        %add3A_496 = arith.addi %shift_right_logical3A_469, %add3A_495 : vector<16xi32>
        %gather3A_497 = tpu.vector_load_idx %arg6[%add3A_496] : memref<40000xf32, #tpu.memory_space<vmem>>[vector<16xi32>], vector<16xf32>,
        %add3A_498 = arith.constant 3 : i32
        %add3A_499 = vector.broadcast %add3A_498 : i32 to vector<16xi32>
        %add3A_500 = arith.addi %and3A_466, %add3A_499 : vector<16xi32>
        %mul3A_501 = arith.mulf %gather3A_497, %get3A_463 : vector<16xf32>
        tpu.vector_store_idx %arg7[%add3A_500], %mul3A_501 {add = true} : memref<40000xf32, #tpu.memory_space<vmem>>[vector<16xi32>], vector<16xf32>,
        %scan3A_502 = arith.constant 4 : i32
        %scan3A_503 = arith.addi %scan3A_298, %scan3A_502 : i32
        %mul3A_504 = arith.constant 1 : i32
        %mul3A_505 = arith.muli %scan3A_503, %mul3A_504 : i32
        %add3A_506 = arith.constant 0 : i32
        %add3A_507 = arith.addi %add3A_506, %mul3A_505 : i32
        %mul3A_508 = arith.constant 16 : i32
        %mul3A_509 = arith.muli %add3A_507, %mul3A_508 : i32
        %get3A_510 = arith.index_cast %mul3A_509 : i32 to index
        %get3A_511 = tpu.vector_load %arg8[%get3A_510] {strides = array<i32>} : memref<6400xi32, #tpu.memory_space<vmem>>, vector<16xi32>,
        %mul3A_512 = arith.constant 16 : i32
        %mul3A_513 = arith.muli %add3A_507, %mul3A_512 : i32
        %get3A_514 = arith.index_cast %mul3A_513 : i32 to index
        %get3A_515 = tpu.vector_load %arg10[%get3A_514] {strides = array<i32>} : memref<6400xf32, #tpu.memory_space<vmem>>, vector<16xf32>,
        %and3A_516 = arith.constant 65535 : i32
        %and3A_517 = vector.broadcast %and3A_516 : i32 to vector<16xi32>
        %and3A_518 = arith.andi %get3A_511, %and3A_517 : vector<16xi32>
        %shift_right_logical3A_519 = arith.constant 16 : i32
        %shift_right_logical3A_520 = vector.broadcast %shift_right_logical3A_519 : i32 to vector<16xi32>
        %shift_right_logical3A_521 = arith.shrui %get3A_511, %shift_right_logical3A_520 : vector<16xi32>
        %add3A_522 = arith.constant 0 : i32
        %add3A_523 = vector.broadcast %add3A_522 : i32 to vector<16xi32>
        %add3A_524 = arith.addi %shift_right_logical3A_521, %add3A_523 : vector<16xi32>
        %gather3A_525 = tpu.vector_load_idx %arg6[%add3A_524] : memref<40000xf32, #tpu.memory_space<vmem>>[vector<16xi32>], vector<16xf32>,
        %add3A_526 = arith.constant 0 : i32
        %add3A_527 = vector.broadcast %add3A_526 : i32 to vector<16xi32>
        %add3A_528 = arith.addi %and3A_518, %add3A_527 : vector<16xi32>
        %mul3A_529 = arith.mulf %gather3A_525, %get3A_515 : vector<16xf32>
        tpu.vector_store_idx %arg7[%add3A_528], %mul3A_529 {add = true} : memref<40000xf32, #tpu.memory_space<vmem>>[vector<16xi32>], vector<16xf32>,
        %add3A_530 = arith.constant 1 : i32
        %add3A_531 = vector.broadcast %add3A_530 : i32 to vector<16xi32>
        %add3A_532 = arith.addi %shift_right_logical3A_521, %add3A_531 : vector<16xi32>
        %gather3A_533 = tpu.vector_load_idx %arg6[%add3A_532] : memref<40000xf32, #tpu.memory_space<vmem>>[vector<16xi32>], vector<16xf32>,
        %add3A_534 = arith.constant 1 : i32
        %add3A_535 = vector.broadcast %add3A_534 : i32 to vector<16xi32>
        %add3A_536 = arith.addi %and3A_518, %add3A_535 : vector<16xi32>
        %mul3A_537 = arith.mulf %gather3A_533, %get3A_515 : vector<16xf32>
        tpu.vector_store_idx %arg7[%add3A_536], %mul3A_537 {add = true} : memref<40000xf32, #tpu.memory_space<vmem>>[vector<16xi32>], vector<16xf32>,
        %add3A_538 = arith.constant 2 : i32
        %add3A_539 = vector.broadcast %add3A_538 : i32 to vector<16xi32>
        %add3A_540 = arith.addi %shift_right_logical3A_521, %add3A_539 : vector<16xi32>
        %gather3A_541 = tpu.vector_load_idx %arg6[%add3A_540] : memref<40000xf32, #tpu.memory_space<vmem>>[vector<16xi32>], vector<16xf32>,
        %add3A_542 = arith.constant 2 : i32
        %add3A_543 = vector.broadcast %add3A_542 : i32 to vector<16xi32>
        %add3A_544 = arith.addi %and3A_518, %add3A_543 : vector<16xi32>
        %mul3A_545 = arith.mulf %gather3A_541, %get3A_515 : vector<16xf32>
        tpu.vector_store_idx %arg7[%add3A_544], %mul3A_545 {add = true} : memref<40000xf32, #tpu.memory_space<vmem>>[vector<16xi32>], vector<16xf32>,
        %add3A_546 = arith.constant 3 : i32
        %add3A_547 = vector.broadcast %add3A_546 : i32 to vector<16xi32>
        %add3A_548 = arith.addi %shift_right_logical3A_521, %add3A_547 : vector<16xi32>
        %gather3A_549 = tpu.vector_load_idx %arg6[%add3A_548] : memref<40000xf32, #tpu.memory_space<vmem>>[vector<16xi32>], vector<16xf32>,
        %add3A_550 = arith.constant 3 : i32
        %add3A_551 = vector.broadcast %add3A_550 : i32 to vector<16xi32>
        %add3A_552 = arith.addi %and3A_518, %add3A_551 : vector<16xi32>
        %mul3A_553 = arith.mulf %gather3A_549, %get3A_515 : vector<16xf32>
        tpu.vector_store_idx %arg7[%add3A_552], %mul3A_553 {add = true} : memref<40000xf32, #tpu.memory_space<vmem>>[vector<16xi32>], vector<16xf32>,
        %scan3A_554 = arith.constant 5 : i32
        %scan3A_555 = arith.addi %scan3A_298, %scan3A_554 : i32
        %mul3A_556 = arith.constant 1 : i32
        %mul3A_557 = arith.muli %scan3A_555, %mul3A_556 : i32
        %add3A_558 = arith.constant 0 : i32
        %add3A_559 = arith.addi %add3A_558, %mul3A_557 : i32
        %mul3A_560 = arith.constant 16 : i32
        %mul3A_561 = arith.muli %add3A_559, %mul3A_560 : i32
        %get3A_562 = arith.index_cast %mul3A_561 : i32 to index
        %get3A_563 = tpu.vector_load %arg8[%get3A_562] {strides = array<i32>} : memref<6400xi32, #tpu.memory_space<vmem>>, vector<16xi32>,
        %mul3A_564 = arith.constant 16 : i32
        %mul3A_565 = arith.muli %add3A_559, %mul3A_564 : i32
        %get3A_566 = arith.index_cast %mul3A_565 : i32 to index
        %get3A_567 = tpu.vector_load %arg10[%get3A_566] {strides = array<i32>} : memref<6400xf32, #tpu.memory_space<vmem>>, vector<16xf32>,
        %and3A_568 = arith.constant 65535 : i32
        %and3A_569 = vector.broadcast %and3A_568 : i32 to vector<16xi32>
        %and3A_570 = arith.andi %get3A_563, %and3A_569 : vector<16xi32>
        %shift_right_logical3A_571 = arith.constant 16 : i32
        %shift_right_logical3A_572 = vector.broadcast %shift_right_logical3A_571 : i32 to vector<16xi32>
        %shift_right_logical3A_573 = arith.shrui %get3A_563, %shift_right_logical3A_572 : vector<16xi32>
        %add3A_574 = arith.constant 0 : i32
        %add3A_575 = vector.broadcast %add3A_574 : i32 to vector<16xi32>
        %add3A_576 = arith.addi %shift_right_logical3A_573, %add3A_575 : vector<16xi32>
        %gather3A_577 = tpu.vector_load_idx %arg6[%add3A_576] : memref<40000xf32, #tpu.memory_space<vmem>>[vector<16xi32>], vector<16xf32>,
        %add3A_578 = arith.constant 0 : i32
        %add3A_579 = vector.broadcast %add3A_578 : i32 to vector<16xi32>
        %add3A_580 = arith.addi %and3A_570, %add3A_579 : vector<16xi32>
        %mul3A_581 = arith.mulf %gather3A_577, %get3A_567 : vector<16xf32>
        tpu.vector_store_idx %arg7[%add3A_580], %mul3A_581 {add = true} : memref<40000xf32, #tpu.memory_space<vmem>>[vector<16xi32>], vector<16xf32>,
        %add3A_582 = arith.constant 1 : i32
        %add3A_583 = vector.broadcast %add3A_582 : i32 to vector<16xi32>
        %add3A_584 = arith.addi %shift_right_logical3A_573, %add3A_583 : vector<16xi32>
        %gather3A_585 = tpu.vector_load_idx %arg6[%add3A_584] : memref<40000xf32, #tpu.memory_space<vmem>>[vector<16xi32>], vector<16xf32>,
        %add3A_586 = arith.constant 1 : i32
        %add3A_587 = vector.broadcast %add3A_586 : i32 to vector<16xi32>
        %add3A_588 = arith.addi %and3A_570, %add3A_587 : vector<16xi32>
        %mul3A_589 = arith.mulf %gather3A_585, %get3A_567 : vector<16xf32>
        tpu.vector_store_idx %arg7[%add3A_588], %mul3A_589 {add = true} : memref<40000xf32, #tpu.memory_space<vmem>>[vector<16xi32>], vector<16xf32>,
        %add3A_590 = arith.constant 2 : i32
        %add3A_591 = vector.broadcast %add3A_590 : i32 to vector<16xi32>
        %add3A_592 = arith.addi %shift_right_logical3A_573, %add3A_591 : vector<16xi32>
        %gather3A_593 = tpu.vector_load_idx %arg6[%add3A_592] : memref<40000xf32, #tpu.memory_space<vmem>>[vector<16xi32>], vector<16xf32>,
        %add3A_594 = arith.constant 2 : i32
        %add3A_595 = vector.broadcast %add3A_594 : i32 to vector<16xi32>
        %add3A_596 = arith.addi %and3A_570, %add3A_595 : vector<16xi32>
        %mul3A_597 = arith.mulf %gather3A_593, %get3A_567 : vector<16xf32>
        tpu.vector_store_idx %arg7[%add3A_596], %mul3A_597 {add = true} : memref<40000xf32, #tpu.memory_space<vmem>>[vector<16xi32>], vector<16xf32>,
        %add3A_598 = arith.constant 3 : i32
        %add3A_599 = vector.broadcast %add3A_598 : i32 to vector<16xi32>
        %add3A_600 = arith.addi %shift_right_logical3A_573, %add3A_599 : vector<16xi32>
        %gather3A_601 = tpu.vector_load_idx %arg6[%add3A_600] : memref<40000xf32, #tpu.memory_space<vmem>>[vector<16xi32>], vector<16xf32>,
        %add3A_602 = arith.constant 3 : i32
        %add3A_603 = vector.broadcast %add3A_602 : i32 to vector<16xi32>
        %add3A_604 = arith.addi %and3A_570, %add3A_603 : vector<16xi32>
        %mul3A_605 = arith.mulf %gather3A_601, %get3A_567 : vector<16xf32>
        tpu.vector_store_idx %arg7[%add3A_604], %mul3A_605 {add = true} : memref<40000xf32, #tpu.memory_space<vmem>>[vector<16xi32>], vector<16xf32>,
        %scan3A_606 = arith.constant 6 : i32
        %scan3A_607 = arith.addi %scan3A_298, %scan3A_606 : i32
        %mul3A_608 = arith.constant 1 : i32
        %mul3A_609 = arith.muli %scan3A_607, %mul3A_608 : i32
        %add3A_610 = arith.constant 0 : i32
        %add3A_611 = arith.addi %add3A_610, %mul3A_609 : i32
        %mul3A_612 = arith.constant 16 : i32
        %mul3A_613 = arith.muli %add3A_611, %mul3A_612 : i32
        %get3A_614 = arith.index_cast %mul3A_613 : i32 to index
        %get3A_615 = tpu.vector_load %arg8[%get3A_614] {strides = array<i32>} : memref<6400xi32, #tpu.memory_space<vmem>>, vector<16xi32>,
        %mul3A_616 = arith.constant 16 : i32
        %mul3A_617 = arith.muli %add3A_611, %mul3A_616 : i32
        %get3A_618 = arith.index_cast %mul3A_617 : i32 to index
        %get3A_619 = tpu.vector_load %arg10[%get3A_618] {strides = array<i32>} : memref<6400xf32, #tpu.memory_space<vmem>>, vector<16xf32>,
        %and3A_620 = arith.constant 65535 : i32
        %and3A_621 = vector.broadcast %and3A_620 : i32 to vector<16xi32>
        %and3A_622 = arith.andi %get3A_615, %and3A_621 : vector<16xi32>
        %shift_right_logical3A_623 = arith.constant 16 : i32
        %shift_right_logical3A_624 = vector.broadcast %shift_right_logical3A_623 : i32 to vector<16xi32>
        %shift_right_logical3A_625 = arith.shrui %get3A_615, %shift_right_logical3A_624 : vector<16xi32>
        %add3A_626 = arith.constant 0 : i32
        %add3A_627 = vector.broadcast %add3A_626 : i32 to vector<16xi32>
        %add3A_628 = arith.addi %shift_right_logical3A_625, %add3A_627 : vector<16xi32>
        %gather3A_629 = tpu.vector_load_idx %arg6[%add3A_628] : memref<40000xf32, #tpu.memory_space<vmem>>[vector<16xi32>], vector<16xf32>,
        %add3A_630 = arith.constant 0 : i32
        %add3A_631 = vector.broadcast %add3A_630 : i32 to vector<16xi32>
        %add3A_632 = arith.addi %and3A_622, %add3A_631 : vector<16xi32>
        %mul3A_633 = arith.mulf %gather3A_629, %get3A_619 : vector<16xf32>
        tpu.vector_store_idx %arg7[%add3A_632], %mul3A_633 {add = true} : memref<40000xf32, #tpu.memory_space<vmem>>[vector<16xi32>], vector<16xf32>,
        %add3A_634 = arith.constant 1 : i32
        %add3A_635 = vector.broadcast %add3A_634 : i32 to vector<16xi32>
        %add3A_636 = arith.addi %shift_right_logical3A_625, %add3A_635 : vector<16xi32>
        %gather3A_637 = tpu.vector_load_idx %arg6[%add3A_636] : memref<40000xf32, #tpu.memory_space<vmem>>[vector<16xi32>], vector<16xf32>,
        %add3A_638 = arith.constant 1 : i32
        %add3A_639 = vector.broadcast %add3A_638 : i32 to vector<16xi32>
        %add3A_640 = arith.addi %and3A_622, %add3A_639 : vector<16xi32>
        %mul3A_641 = arith.mulf %gather3A_637, %get3A_619 : vector<16xf32>
        tpu.vector_store_idx %arg7[%add3A_640], %mul3A_641 {add = true} : memref<40000xf32, #tpu.memory_space<vmem>>[vector<16xi32>], vector<16xf32>,
        %add3A_642 = arith.constant 2 : i32
        %add3A_643 = vector.broadcast %add3A_642 : i32 to vector<16xi32>
        %add3A_644 = arith.addi %shift_right_logical3A_625, %add3A_643 : vector<16xi32>
        %gather3A_645 = tpu.vector_load_idx %arg6[%add3A_644] : memref<40000xf32, #tpu.memory_space<vmem>>[vector<16xi32>], vector<16xf32>,
        %add3A_646 = arith.constant 2 : i32
        %add3A_647 = vector.broadcast %add3A_646 : i32 to vector<16xi32>
        %add3A_648 = arith.addi %and3A_622, %add3A_647 : vector<16xi32>
        %mul3A_649 = arith.mulf %gather3A_645, %get3A_619 : vector<16xf32>
        tpu.vector_store_idx %arg7[%add3A_648], %mul3A_649 {add = true} : memref<40000xf32, #tpu.memory_space<vmem>>[vector<16xi32>], vector<16xf32>,
        %add3A_650 = arith.constant 3 : i32
        %add3A_651 = vector.broadcast %add3A_650 : i32 to vector<16xi32>
        %add3A_652 = arith.addi %shift_right_logical3A_625, %add3A_651 : vector<16xi32>
        %gather3A_653 = tpu.vector_load_idx %arg6[%add3A_652] : memref<40000xf32, #tpu.memory_space<vmem>>[vector<16xi32>], vector<16xf32>,
        %add3A_654 = arith.constant 3 : i32
        %add3A_655 = vector.broadcast %add3A_654 : i32 to vector<16xi32>
        %add3A_656 = arith.addi %and3A_622, %add3A_655 : vector<16xi32>
        %mul3A_657 = arith.mulf %gather3A_653, %get3A_619 : vector<16xf32>
        tpu.vector_store_idx %arg7[%add3A_656], %mul3A_657 {add = true} : memref<40000xf32, #tpu.memory_space<vmem>>[vector<16xi32>], vector<16xf32>,
        %scan3A_658 = arith.constant 7 : i32
        %scan3A_659 = arith.addi %scan3A_298, %scan3A_658 : i32
        %mul3A_660 = arith.constant 1 : i32
        %mul3A_661 = arith.muli %scan3A_659, %mul3A_660 : i32
        %add3A_662 = arith.constant 0 : i32
        %add3A_663 = arith.addi %add3A_662, %mul3A_661 : i32
        %mul3A_664 = arith.constant 16 : i32
        %mul3A_665 = arith.muli %add3A_663, %mul3A_664 : i32
        %get3A_666 = arith.index_cast %mul3A_665 : i32 to index
        %get3A_667 = tpu.vector_load %arg8[%get3A_666] {strides = array<i32>} : memref<6400xi32, #tpu.memory_space<vmem>>, vector<16xi32>,
        %mul3A_668 = arith.constant 16 : i32
        %mul3A_669 = arith.muli %add3A_663, %mul3A_668 : i32
        %get3A_670 = arith.index_cast %mul3A_669 : i32 to index
        %get3A_671 = tpu.vector_load %arg10[%get3A_670] {strides = array<i32>} : memref<6400xf32, #tpu.memory_space<vmem>>, vector<16xf32>,
        %and3A_672 = arith.constant 65535 : i32
        %and3A_673 = vector.broadcast %and3A_672 : i32 to vector<16xi32>
        %and3A_674 = arith.andi %get3A_667, %and3A_673 : vector<16xi32>
        %shift_right_logical3A_675 = arith.constant 16 : i32
        %shift_right_logical3A_676 = vector.broadcast %shift_right_logical3A_675 : i32 to vector<16xi32>
        %shift_right_logical3A_677 = arith.shrui %get3A_667, %shift_right_logical3A_676 : vector<16xi32>
        %add3A_678 = arith.constant 0 : i32
        %add3A_679 = vector.broadcast %add3A_678 : i32 to vector<16xi32>
        %add3A_680 = arith.addi %shift_right_logical3A_677, %add3A_679 : vector<16xi32>
        %gather3A_681 = tpu.vector_load_idx %arg6[%add3A_680] : memref<40000xf32, #tpu.memory_space<vmem>>[vector<16xi32>], vector<16xf32>,
        %add3A_682 = arith.constant 0 : i32
        %add3A_683 = vector.broadcast %add3A_682 : i32 to vector<16xi32>
        %add3A_684 = arith.addi %and3A_674, %add3A_683 : vector<16xi32>
        %mul3A_685 = arith.mulf %gather3A_681, %get3A_671 : vector<16xf32>
        tpu.vector_store_idx %arg7[%add3A_684], %mul3A_685 {add = true} : memref<40000xf32, #tpu.memory_space<vmem>>[vector<16xi32>], vector<16xf32>,
        %add3A_686 = arith.constant 1 : i32
        %add3A_687 = vector.broadcast %add3A_686 : i32 to vector<16xi32>
        %add3A_688 = arith.addi %shift_right_logical3A_677, %add3A_687 : vector<16xi32>
        %gather3A_689 = tpu.vector_load_idx %arg6[%add3A_688] : memref<40000xf32, #tpu.memory_space<vmem>>[vector<16xi32>], vector<16xf32>,
        %add3A_690 = arith.constant 1 : i32
        %add3A_691 = vector.broadcast %add3A_690 : i32 to vector<16xi32>
        %add3A_692 = arith.addi %and3A_674, %add3A_691 : vector<16xi32>
        %mul3A_693 = arith.mulf %gather3A_689, %get3A_671 : vector<16xf32>
        tpu.vector_store_idx %arg7[%add3A_692], %mul3A_693 {add = true} : memref<40000xf32, #tpu.memory_space<vmem>>[vector<16xi32>], vector<16xf32>,
        %add3A_694 = arith.constant 2 : i32
        %add3A_695 = vector.broadcast %add3A_694 : i32 to vector<16xi32>
        %add3A_696 = arith.addi %shift_right_logical3A_677, %add3A_695 : vector<16xi32>
        %gather3A_697 = tpu.vector_load_idx %arg6[%add3A_696] : memref<40000xf32, #tpu.memory_space<vmem>>[vector<16xi32>], vector<16xf32>,
        %add3A_698 = arith.constant 2 : i32
        %add3A_699 = vector.broadcast %add3A_698 : i32 to vector<16xi32>
        %add3A_700 = arith.addi %and3A_674, %add3A_699 : vector<16xi32>
        %mul3A_701 = arith.mulf %gather3A_697, %get3A_671 : vector<16xf32>
        tpu.vector_store_idx %arg7[%add3A_700], %mul3A_701 {add = true} : memref<40000xf32, #tpu.memory_space<vmem>>[vector<16xi32>], vector<16xf32>,
        %add3A_702 = arith.constant 3 : i32
        %add3A_703 = vector.broadcast %add3A_702 : i32 to vector<16xi32>
        %add3A_704 = arith.addi %shift_right_logical3A_677, %add3A_703 : vector<16xi32>
        %gather3A_705 = tpu.vector_load_idx %arg6[%add3A_704] : memref<40000xf32, #tpu.memory_space<vmem>>[vector<16xi32>], vector<16xf32>,
        %add3A_706 = arith.constant 3 : i32
        %add3A_707 = vector.broadcast %add3A_706 : i32 to vector<16xi32>
        %add3A_708 = arith.addi %and3A_674, %add3A_707 : vector<16xi32>
        %mul3A_709 = arith.mulf %gather3A_705, %get3A_671 : vector<16xf32>
        tpu.vector_store_idx %arg7[%add3A_708], %mul3A_709 {add = true} : memref<40000xf32, #tpu.memory_space<vmem>>[vector<16xi32>], vector<16xf32>,
      }
      %scan3A_261 = arith.constant 400 : i32
      %add3A_262 = arith.constant 0 : i32
      %add3A_263 = arith.addi %add3A_249, %add3A_262 : i32
      %add3A_264 = arith.constant 2 : i32
      %add3A_265 = arith.addi %add3A_263, %add3A_264 : i32
      %rem3A = arith.constant 100 : i32
      %rem3A_266 = arith.remsi %add3A_265, %rem3A : i32
      %mul3A_267 = arith.constant 6400 : i32
      %mul3A_268 = arith.muli %rem3A_266, %mul3A_267 : i32
      %dma_start3A_269 = tpu.memref_slice %arg3[%mul3A_268] : memref<640000xi32, #tpu.memory_space<hbm>> -> memref<6400xi32, #tpu.memory_space<hbm>>
      %dma_start3A_270 = tpu.memref_slice %arg3[%mul3A_268] : memref<640000xi32, #tpu.memory_space<hbm>> -> memref<6400xi32, #tpu.memory_space<hbm>>
      tpu.enqueue_dma source(%dma_start3A_270 : memref<6400xi32, #tpu.memory_space<hbm>>) target(%arg8 : memref<6400xi32, #tpu.memory_space<vmem>>) target_semaphore(%arg12 : memref<!tpu.dma_semaphore, #tpu.memory_space<semaphore_mem>>)
      %dma_start3A_271 = tpu.memref_slice %arg4[%mul3A_268] : memref<640000xf32, #tpu.memory_space<hbm>> -> memref<6400xf32, #tpu.memory_space<hbm>>
      %dma_start3A_272 = tpu.memref_slice %arg4[%mul3A_268] : memref<640000xf32, #tpu.memory_space<hbm>> -> memref<6400xf32, #tpu.memory_space<hbm>>
      tpu.enqueue_dma source(%dma_start3A_272 : memref<6400xf32, #tpu.memory_space<hbm>>) target(%arg10 : memref<6400xf32, #tpu.memory_space<vmem>>) target_semaphore(%arg12 : memref<!tpu.dma_semaphore, #tpu.memory_space<semaphore_mem>>)
      %dma_wait3A_273 = arith.constant 0 : i32
      %dma_wait3A_274 = tpu.memref_slice %arg3[%dma_wait3A_273] : memref<640000xi32, #tpu.memory_space<hbm>> -> memref<6400xi32, #tpu.memory_space<hbm>>
      %dma_wait3A_275 = arith.constant 0 : i32
      %dma_wait3A_276 = tpu.memref_slice %arg3[%dma_wait3A_275] : memref<640000xi32, #tpu.memory_space<hbm>> -> memref<6400xi32, #tpu.memory_space<hbm>>
      tpu.wait_dma2 semaphore(%arg13 : memref<!tpu.dma_semaphore, #tpu.memory_space<semaphore_mem>>) src(%dma_wait3A_276 : memref<6400xi32, #tpu.memory_space<hbm>>) dst(%arg9 : memref<6400xi32, #tpu.memory_space<vmem>>)
      %dma_wait3A_277 = arith.constant 0 : i32
      %dma_wait3A_278 = tpu.memref_slice %arg4[%dma_wait3A_277] : memref<640000xf32, #tpu.memory_space<hbm>> -> memref<6400xf32, #tpu.memory_space<hbm>>
      %dma_wait3A_279 = arith.constant 0 : i32
      %dma_wait3A_280 = tpu.memref_slice %arg4[%dma_wait3A_279] : memref<640000xf32, #tpu.memory_space<hbm>> -> memref<6400xf32, #tpu.memory_space<hbm>>
      tpu.wait_dma2 semaphore(%arg13 : memref<!tpu.dma_semaphore, #tpu.memory_space<semaphore_mem>>) src(%dma_wait3A_280 : memref<6400xf32, #tpu.memory_space<hbm>>) dst(%arg11 : memref<6400xf32, #tpu.memory_space<vmem>>)
      %scan3A_281 = arith.constant 0 : i32
      %scan3A_282 = arith.constant 400 : i32
      %scan3A_283 = arith.addi %scan3A_281, %scan3A_282 : i32
      %scan3A_284 = arith.constant 8 : i32
      scf.for %scan3A_298 = %scan3A_281 to %scan3A_283 step %scan3A_284  : i32 {
        %mul3A_299 = arith.constant 1 : i32
        %mul3A_300 = arith.muli %scan3A_298, %mul3A_299 : i32
        %add3A_301 = arith.constant 0 : i32
        %add3A_302 = arith.addi %add3A_301, %mul3A_300 : i32
        %mul3A_303 = arith.constant 16 : i32
        %mul3A_304 = arith.muli %add3A_302, %mul3A_303 : i32
        %get3A_305 = arith.index_cast %mul3A_304 : i32 to index
        %get3A_306 = tpu.vector_load %arg9[%get3A_305] {strides = array<i32>} : memref<6400xi32, #tpu.memory_space<vmem>>, vector<16xi32>,
        %mul3A_307 = arith.constant 16 : i32
        %mul3A_308 = arith.muli %add3A_302, %mul3A_307 : i32
        %get3A_309 = arith.index_cast %mul3A_308 : i32 to index
        %get3A_310 = tpu.vector_load %arg11[%get3A_309] {strides = array<i32>} : memref<6400xf32, #tpu.memory_space<vmem>>, vector<16xf32>,
        %and3A = arith.constant 65535 : i32
        %and3A_311 = vector.broadcast %and3A : i32 to vector<16xi32>
        %and3A_312 = arith.andi %get3A_306, %and3A_311 : vector<16xi32>
        %shift_right_logical3A = arith.constant 16 : i32
        %shift_right_logical3A_313 = vector.broadcast %shift_right_logical3A : i32 to vector<16xi32>
        %shift_right_logical3A_314 = arith.shrui %get3A_306, %shift_right_logical3A_313 : vector<16xi32>
        %add3A_315 = arith.constant 0 : i32
        %add3A_316 = vector.broadcast %add3A_315 : i32 to vector<16xi32>
        %add3A_317 = arith.addi %shift_right_logical3A_314, %add3A_316 : vector<16xi32>
        %gather3A = tpu.vector_load_idx %arg6[%add3A_317] : memref<40000xf32, #tpu.memory_space<vmem>>[vector<16xi32>], vector<16xf32>,
        %add3A_318 = arith.constant 0 : i32
        %add3A_319 = vector.broadcast %add3A_318 : i32 to vector<16xi32>
        %add3A_320 = arith.addi %and3A_312, %add3A_319 : vector<16xi32>
        %mul3A_321 = arith.mulf %gather3A, %get3A_310 : vector<16xf32>
        tpu.vector_store_idx %arg7[%add3A_320], %mul3A_321 {add = true} : memref<40000xf32, #tpu.memory_space<vmem>>[vector<16xi32>], vector<16xf32>,
        %add3A_322 = arith.constant 1 : i32
        %add3A_323 = vector.broadcast %add3A_322 : i32 to vector<16xi32>
        %add3A_324 = arith.addi %shift_right_logical3A_314, %add3A_323 : vector<16xi32>
        %gather3A_325 = tpu.vector_load_idx %arg6[%add3A_324] : memref<40000xf32, #tpu.memory_space<vmem>>[vector<16xi32>], vector<16xf32>,
        %add3A_326 = arith.constant 1 : i32
        %add3A_327 = vector.broadcast %add3A_326 : i32 to vector<16xi32>
        %add3A_328 = arith.addi %and3A_312, %add3A_327 : vector<16xi32>
        %mul3A_329 = arith.mulf %gather3A_325, %get3A_310 : vector<16xf32>
        tpu.vector_store_idx %arg7[%add3A_328], %mul3A_329 {add = true} : memref<40000xf32, #tpu.memory_space<vmem>>[vector<16xi32>], vector<16xf32>,
        %add3A_330 = arith.constant 2 : i32
        %add3A_331 = vector.broadcast %add3A_330 : i32 to vector<16xi32>
        %add3A_332 = arith.addi %shift_right_logical3A_314, %add3A_331 : vector<16xi32>
        %gather3A_333 = tpu.vector_load_idx %arg6[%add3A_332] : memref<40000xf32, #tpu.memory_space<vmem>>[vector<16xi32>], vector<16xf32>,
        %add3A_334 = arith.constant 2 : i32
        %add3A_335 = vector.broadcast %add3A_334 : i32 to vector<16xi32>
        %add3A_336 = arith.addi %and3A_312, %add3A_335 : vector<16xi32>
        %mul3A_337 = arith.mulf %gather3A_333, %get3A_310 : vector<16xf32>
        tpu.vector_store_idx %arg7[%add3A_336], %mul3A_337 {add = true} : memref<40000xf32, #tpu.memory_space<vmem>>[vector<16xi32>], vector<16xf32>,
        %add3A_338 = arith.constant 3 : i32
        %add3A_339 = vector.broadcast %add3A_338 : i32 to vector<16xi32>
        %add3A_340 = arith.addi %shift_right_logical3A_314, %add3A_339 : vector<16xi32>
        %gather3A_341 = tpu.vector_load_idx %arg6[%add3A_340] : memref<40000xf32, #tpu.memory_space<vmem>>[vector<16xi32>], vector<16xf32>,
        %add3A_342 = arith.constant 3 : i32
        %add3A_343 = vector.broadcast %add3A_342 : i32 to vector<16xi32>
        %add3A_344 = arith.addi %and3A_312, %add3A_343 : vector<16xi32>
        %mul3A_345 = arith.mulf %gather3A_341, %get3A_310 : vector<16xf32>
        tpu.vector_store_idx %arg7[%add3A_344], %mul3A_345 {add = true} : memref<40000xf32, #tpu.memory_space<vmem>>[vector<16xi32>], vector<16xf32>,
        %scan3A_346 = arith.constant 1 : i32
        %scan3A_347 = arith.addi %scan3A_298, %scan3A_346 : i32
        %mul3A_348 = arith.constant 1 : i32
        %mul3A_349 = arith.muli %scan3A_347, %mul3A_348 : i32
        %add3A_350 = arith.constant 0 : i32
        %add3A_351 = arith.addi %add3A_350, %mul3A_349 : i32
        %mul3A_352 = arith.constant 16 : i32
        %mul3A_353 = arith.muli %add3A_351, %mul3A_352 : i32
        %get3A_354 = arith.index_cast %mul3A_353 : i32 to index
        %get3A_355 = tpu.vector_load %arg9[%get3A_354] {strides = array<i32>} : memref<6400xi32, #tpu.memory_space<vmem>>, vector<16xi32>,
        %mul3A_356 = arith.constant 16 : i32
        %mul3A_357 = arith.muli %add3A_351, %mul3A_356 : i32
        %get3A_358 = arith.index_cast %mul3A_357 : i32 to index
        %get3A_359 = tpu.vector_load %arg11[%get3A_358] {strides = array<i32>} : memref<6400xf32, #tpu.memory_space<vmem>>, vector<16xf32>,
        %and3A_360 = arith.constant 65535 : i32
        %and3A_361 = vector.broadcast %and3A_360 : i32 to vector<16xi32>
        %and3A_362 = arith.andi %get3A_355, %and3A_361 : vector<16xi32>
        %shift_right_logical3A_363 = arith.constant 16 : i32
        %shift_right_logical3A_364 = vector.broadcast %shift_right_logical3A_363 : i32 to vector<16xi32>
        %shift_right_logical3A_365 = arith.shrui %get3A_355, %shift_right_logical3A_364 : vector<16xi32>
        %add3A_366 = arith.constant 0 : i32
        %add3A_367 = vector.broadcast %add3A_366 : i32 to vector<16xi32>
        %add3A_368 = arith.addi %shift_right_logical3A_365, %add3A_367 : vector<16xi32>
        %gather3A_369 = tpu.vector_load_idx %arg6[%add3A_368] : memref<40000xf32, #tpu.memory_space<vmem>>[vector<16xi32>], vector<16xf32>,
        %add3A_370 = arith.constant 0 : i32
        %add3A_371 = vector.broadcast %add3A_370 : i32 to vector<16xi32>
        %add3A_372 = arith.addi %and3A_362, %add3A_371 : vector<16xi32>
        %mul3A_373 = arith.mulf %gather3A_369, %get3A_359 : vector<16xf32>
        tpu.vector_store_idx %arg7[%add3A_372], %mul3A_373 {add = true} : memref<40000xf32, #tpu.memory_space<vmem>>[vector<16xi32>], vector<16xf32>,
        %add3A_374 = arith.constant 1 : i32
        %add3A_375 = vector.broadcast %add3A_374 : i32 to vector<16xi32>
        %add3A_376 = arith.addi %shift_right_logical3A_365, %add3A_375 : vector<16xi32>
        %gather3A_377 = tpu.vector_load_idx %arg6[%add3A_376] : memref<40000xf32, #tpu.memory_space<vmem>>[vector<16xi32>], vector<16xf32>,
        %add3A_378 = arith.constant 1 : i32
        %add3A_379 = vector.broadcast %add3A_378 : i32 to vector<16xi32>
        %add3A_380 = arith.addi %and3A_362, %add3A_379 : vector<16xi32>
        %mul3A_381 = arith.mulf %gather3A_377, %get3A_359 : vector<16xf32>
        tpu.vector_store_idx %arg7[%add3A_380], %mul3A_381 {add = true} : memref<40000xf32, #tpu.memory_space<vmem>>[vector<16xi32>], vector<16xf32>,
        %add3A_382 = arith.constant 2 : i32
        %add3A_383 = vector.broadcast %add3A_382 : i32 to vector<16xi32>
        %add3A_384 = arith.addi %shift_right_logical3A_365, %add3A_383 : vector<16xi32>
        %gather3A_385 = tpu.vector_load_idx %arg6[%add3A_384] : memref<40000xf32, #tpu.memory_space<vmem>>[vector<16xi32>], vector<16xf32>,
        %add3A_386 = arith.constant 2 : i32
        %add3A_387 = vector.broadcast %add3A_386 : i32 to vector<16xi32>
        %add3A_388 = arith.addi %and3A_362, %add3A_387 : vector<16xi32>
        %mul3A_389 = arith.mulf %gather3A_385, %get3A_359 : vector<16xf32>
        tpu.vector_store_idx %arg7[%add3A_388], %mul3A_389 {add = true} : memref<40000xf32, #tpu.memory_space<vmem>>[vector<16xi32>], vector<16xf32>,
        %add3A_390 = arith.constant 3 : i32
        %add3A_391 = vector.broadcast %add3A_390 : i32 to vector<16xi32>
        %add3A_392 = arith.addi %shift_right_logical3A_365, %add3A_391 : vector<16xi32>
        %gather3A_393 = tpu.vector_load_idx %arg6[%add3A_392] : memref<40000xf32, #tpu.memory_space<vmem>>[vector<16xi32>], vector<16xf32>,
        %add3A_394 = arith.constant 3 : i32
        %add3A_395 = vector.broadcast %add3A_394 : i32 to vector<16xi32>
        %add3A_396 = arith.addi %and3A_362, %add3A_395 : vector<16xi32>
        %mul3A_397 = arith.mulf %gather3A_393, %get3A_359 : vector<16xf32>
        tpu.vector_store_idx %arg7[%add3A_396], %mul3A_397 {add = true} : memref<40000xf32, #tpu.memory_space<vmem>>[vector<16xi32>], vector<16xf32>,
        %scan3A_398 = arith.constant 2 : i32
        %scan3A_399 = arith.addi %scan3A_298, %scan3A_398 : i32
        %mul3A_400 = arith.constant 1 : i32
        %mul3A_401 = arith.muli %scan3A_399, %mul3A_400 : i32
        %add3A_402 = arith.constant 0 : i32
        %add3A_403 = arith.addi %add3A_402, %mul3A_401 : i32
        %mul3A_404 = arith.constant 16 : i32
        %mul3A_405 = arith.muli %add3A_403, %mul3A_404 : i32
        %get3A_406 = arith.index_cast %mul3A_405 : i32 to index
        %get3A_407 = tpu.vector_load %arg9[%get3A_406] {strides = array<i32>} : memref<6400xi32, #tpu.memory_space<vmem>>, vector<16xi32>,
        %mul3A_408 = arith.constant 16 : i32
        %mul3A_409 = arith.muli %add3A_403, %mul3A_408 : i32
        %get3A_410 = arith.index_cast %mul3A_409 : i32 to index
        %get3A_411 = tpu.vector_load %arg11[%get3A_410] {strides = array<i32>} : memref<6400xf32, #tpu.memory_space<vmem>>, vector<16xf32>,
        %and3A_412 = arith.constant 65535 : i32
        %and3A_413 = vector.broadcast %and3A_412 : i32 to vector<16xi32>
        %and3A_414 = arith.andi %get3A_407, %and3A_413 : vector<16xi32>
        %shift_right_logical3A_415 = arith.constant 16 : i32
        %shift_right_logical3A_416 = vector.broadcast %shift_right_logical3A_415 : i32 to vector<16xi32>
        %shift_right_logical3A_417 = arith.shrui %get3A_407, %shift_right_logical3A_416 : vector<16xi32>
        %add3A_418 = arith.constant 0 : i32
        %add3A_419 = vector.broadcast %add3A_418 : i32 to vector<16xi32>
        %add3A_420 = arith.addi %shift_right_logical3A_417, %add3A_419 : vector<16xi32>
        %gather3A_421 = tpu.vector_load_idx %arg6[%add3A_420] : memref<40000xf32, #tpu.memory_space<vmem>>[vector<16xi32>], vector<16xf32>,
        %add3A_422 = arith.constant 0 : i32
        %add3A_423 = vector.broadcast %add3A_422 : i32 to vector<16xi32>
        %add3A_424 = arith.addi %and3A_414, %add3A_423 : vector<16xi32>
        %mul3A_425 = arith.mulf %gather3A_421, %get3A_411 : vector<16xf32>
        tpu.vector_store_idx %arg7[%add3A_424], %mul3A_425 {add = true} : memref<40000xf32, #tpu.memory_space<vmem>>[vector<16xi32>], vector<16xf32>,
        %add3A_426 = arith.constant 1 : i32
        %add3A_427 = vector.broadcast %add3A_426 : i32 to vector<16xi32>
        %add3A_428 = arith.addi %shift_right_logical3A_417, %add3A_427 : vector<16xi32>
        %gather3A_429 = tpu.vector_load_idx %arg6[%add3A_428] : memref<40000xf32, #tpu.memory_space<vmem>>[vector<16xi32>], vector<16xf32>,
        %add3A_430 = arith.constant 1 : i32
        %add3A_431 = vector.broadcast %add3A_430 : i32 to vector<16xi32>
        %add3A_432 = arith.addi %and3A_414, %add3A_431 : vector<16xi32>
        %mul3A_433 = arith.mulf %gather3A_429, %get3A_411 : vector<16xf32>
        tpu.vector_store_idx %arg7[%add3A_432], %mul3A_433 {add = true} : memref<40000xf32, #tpu.memory_space<vmem>>[vector<16xi32>], vector<16xf32>,
        %add3A_434 = arith.constant 2 : i32
        %add3A_435 = vector.broadcast %add3A_434 : i32 to vector<16xi32>
        %add3A_436 = arith.addi %shift_right_logical3A_417, %add3A_435 : vector<16xi32>
        %gather3A_437 = tpu.vector_load_idx %arg6[%add3A_436] : memref<40000xf32, #tpu.memory_space<vmem>>[vector<16xi32>], vector<16xf32>,
        %add3A_438 = arith.constant 2 : i32
        %add3A_439 = vector.broadcast %add3A_438 : i32 to vector<16xi32>
        %add3A_440 = arith.addi %and3A_414, %add3A_439 : vector<16xi32>
        %mul3A_441 = arith.mulf %gather3A_437, %get3A_411 : vector<16xf32>
        tpu.vector_store_idx %arg7[%add3A_440], %mul3A_441 {add = true} : memref<40000xf32, #tpu.memory_space<vmem>>[vector<16xi32>], vector<16xf32>,
        %add3A_442 = arith.constant 3 : i32
        %add3A_443 = vector.broadcast %add3A_442 : i32 to vector<16xi32>
        %add3A_444 = arith.addi %shift_right_logical3A_417, %add3A_443 : vector<16xi32>
        %gather3A_445 = tpu.vector_load_idx %arg6[%add3A_444] : memref<40000xf32, #tpu.memory_space<vmem>>[vector<16xi32>], vector<16xf32>,
        %add3A_446 = arith.constant 3 : i32
        %add3A_447 = vector.broadcast %add3A_446 : i32 to vector<16xi32>
        %add3A_448 = arith.addi %and3A_414, %add3A_447 : vector<16xi32>
        %mul3A_449 = arith.mulf %gather3A_445, %get3A_411 : vector<16xf32>
        tpu.vector_store_idx %arg7[%add3A_448], %mul3A_449 {add = true} : memref<40000xf32, #tpu.memory_space<vmem>>[vector<16xi32>], vector<16xf32>,
        %scan3A_450 = arith.constant 3 : i32
        %scan3A_451 = arith.addi %scan3A_298, %scan3A_450 : i32
        %mul3A_452 = arith.constant 1 : i32
        %mul3A_453 = arith.muli %scan3A_451, %mul3A_452 : i32
        %add3A_454 = arith.constant 0 : i32
        %add3A_455 = arith.addi %add3A_454, %mul3A_453 : i32
        %mul3A_456 = arith.constant 16 : i32
        %mul3A_457 = arith.muli %add3A_455, %mul3A_456 : i32
        %get3A_458 = arith.index_cast %mul3A_457 : i32 to index
        %get3A_459 = tpu.vector_load %arg9[%get3A_458] {strides = array<i32>} : memref<6400xi32, #tpu.memory_space<vmem>>, vector<16xi32>,
        %mul3A_460 = arith.constant 16 : i32
        %mul3A_461 = arith.muli %add3A_455, %mul3A_460 : i32
        %get3A_462 = arith.index_cast %mul3A_461 : i32 to index
        %get3A_463 = tpu.vector_load %arg11[%get3A_462] {strides = array<i32>} : memref<6400xf32, #tpu.memory_space<vmem>>, vector<16xf32>,
        %and3A_464 = arith.constant 65535 : i32
        %and3A_465 = vector.broadcast %and3A_464 : i32 to vector<16xi32>
        %and3A_466 = arith.andi %get3A_459, %and3A_465 : vector<16xi32>
        %shift_right_logical3A_467 = arith.constant 16 : i32
        %shift_right_logical3A_468 = vector.broadcast %shift_right_logical3A_467 : i32 to vector<16xi32>
        %shift_right_logical3A_469 = arith.shrui %get3A_459, %shift_right_logical3A_468 : vector<16xi32>
        %add3A_470 = arith.constant 0 : i32
        %add3A_471 = vector.broadcast %add3A_470 : i32 to vector<16xi32>
        %add3A_472 = arith.addi %shift_right_logical3A_469, %add3A_471 : vector<16xi32>
        %gather3A_473 = tpu.vector_load_idx %arg6[%add3A_472] : memref<40000xf32, #tpu.memory_space<vmem>>[vector<16xi32>], vector<16xf32>,
        %add3A_474 = arith.constant 0 : i32
        %add3A_475 = vector.broadcast %add3A_474 : i32 to vector<16xi32>
        %add3A_476 = arith.addi %and3A_466, %add3A_475 : vector<16xi32>
        %mul3A_477 = arith.mulf %gather3A_473, %get3A_463 : vector<16xf32>
        tpu.vector_store_idx %arg7[%add3A_476], %mul3A_477 {add = true} : memref<40000xf32, #tpu.memory_space<vmem>>[vector<16xi32>], vector<16xf32>,
        %add3A_478 = arith.constant 1 : i32
        %add3A_479 = vector.broadcast %add3A_478 : i32 to vector<16xi32>
        %add3A_480 = arith.addi %shift_right_logical3A_469, %add3A_479 : vector<16xi32>
        %gather3A_481 = tpu.vector_load_idx %arg6[%add3A_480] : memref<40000xf32, #tpu.memory_space<vmem>>[vector<16xi32>], vector<16xf32>,
        %add3A_482 = arith.constant 1 : i32
        %add3A_483 = vector.broadcast %add3A_482 : i32 to vector<16xi32>
        %add3A_484 = arith.addi %and3A_466, %add3A_483 : vector<16xi32>
        %mul3A_485 = arith.mulf %gather3A_481, %get3A_463 : vector<16xf32>
        tpu.vector_store_idx %arg7[%add3A_484], %mul3A_485 {add = true} : memref<40000xf32, #tpu.memory_space<vmem>>[vector<16xi32>], vector<16xf32>,
        %add3A_486 = arith.constant 2 : i32
        %add3A_487 = vector.broadcast %add3A_486 : i32 to vector<16xi32>
        %add3A_488 = arith.addi %shift_right_logical3A_469, %add3A_487 : vector<16xi32>
        %gather3A_489 = tpu.vector_load_idx %arg6[%add3A_488] : memref<40000xf32, #tpu.memory_space<vmem>>[vector<16xi32>], vector<16xf32>,
        %add3A_490 = arith.constant 2 : i32
        %add3A_491 = vector.broadcast %add3A_490 : i32 to vector<16xi32>
        %add3A_492 = arith.addi %and3A_466, %add3A_491 : vector<16xi32>
        %mul3A_493 = arith.mulf %gather3A_489, %get3A_463 : vector<16xf32>
        tpu.vector_store_idx %arg7[%add3A_492], %mul3A_493 {add = true} : memref<40000xf32, #tpu.memory_space<vmem>>[vector<16xi32>], vector<16xf32>,
        %add3A_494 = arith.constant 3 : i32
        %add3A_495 = vector.broadcast %add3A_494 : i32 to vector<16xi32>
        %add3A_496 = arith.addi %shift_right_logical3A_469, %add3A_495 : vector<16xi32>
        %gather3A_497 = tpu.vector_load_idx %arg6[%add3A_496] : memref<40000xf32, #tpu.memory_space<vmem>>[vector<16xi32>], vector<16xf32>,
        %add3A_498 = arith.constant 3 : i32
        %add3A_499 = vector.broadcast %add3A_498 : i32 to vector<16xi32>
        %add3A_500 = arith.addi %and3A_466, %add3A_499 : vector<16xi32>
        %mul3A_501 = arith.mulf %gather3A_497, %get3A_463 : vector<16xf32>
        tpu.vector_store_idx %arg7[%add3A_500], %mul3A_501 {add = true} : memref<40000xf32, #tpu.memory_space<vmem>>[vector<16xi32>], vector<16xf32>,
        %scan3A_502 = arith.constant 4 : i32
        %scan3A_503 = arith.addi %scan3A_298, %scan3A_502 : i32
        %mul3A_504 = arith.constant 1 : i32
        %mul3A_505 = arith.muli %scan3A_503, %mul3A_504 : i32
        %add3A_506 = arith.constant 0 : i32
        %add3A_507 = arith.addi %add3A_506, %mul3A_505 : i32
        %mul3A_508 = arith.constant 16 : i32
        %mul3A_509 = arith.muli %add3A_507, %mul3A_508 : i32
        %get3A_510 = arith.index_cast %mul3A_509 : i32 to index
        %get3A_511 = tpu.vector_load %arg9[%get3A_510] {strides = array<i32>} : memref<6400xi32, #tpu.memory_space<vmem>>, vector<16xi32>,
        %mul3A_512 = arith.constant 16 : i32
        %mul3A_513 = arith.muli %add3A_507, %mul3A_512 : i32
        %get3A_514 = arith.index_cast %mul3A_513 : i32 to index
        %get3A_515 = tpu.vector_load %arg11[%get3A_514] {strides = array<i32>} : memref<6400xf32, #tpu.memory_space<vmem>>, vector<16xf32>,
        %and3A_516 = arith.constant 65535 : i32
        %and3A_517 = vector.broadcast %and3A_516 : i32 to vector<16xi32>
        %and3A_518 = arith.andi %get3A_511, %and3A_517 : vector<16xi32>
        %shift_right_logical3A_519 = arith.constant 16 : i32
        %shift_right_logical3A_520 = vector.broadcast %shift_right_logical3A_519 : i32 to vector<16xi32>
        %shift_right_logical3A_521 = arith.shrui %get3A_511, %shift_right_logical3A_520 : vector<16xi32>
        %add3A_522 = arith.constant 0 : i32
        %add3A_523 = vector.broadcast %add3A_522 : i32 to vector<16xi32>
        %add3A_524 = arith.addi %shift_right_logical3A_521, %add3A_523 : vector<16xi32>
        %gather3A_525 = tpu.vector_load_idx %arg6[%add3A_524] : memref<40000xf32, #tpu.memory_space<vmem>>[vector<16xi32>], vector<16xf32>,
        %add3A_526 = arith.constant 0 : i32
        %add3A_527 = vector.broadcast %add3A_526 : i32 to vector<16xi32>
        %add3A_528 = arith.addi %and3A_518, %add3A_527 : vector<16xi32>
        %mul3A_529 = arith.mulf %gather3A_525, %get3A_515 : vector<16xf32>
        tpu.vector_store_idx %arg7[%add3A_528], %mul3A_529 {add = true} : memref<40000xf32, #tpu.memory_space<vmem>>[vector<16xi32>], vector<16xf32>,
        %add3A_530 = arith.constant 1 : i32
        %add3A_531 = vector.broadcast %add3A_530 : i32 to vector<16xi32>
        %add3A_532 = arith.addi %shift_right_logical3A_521, %add3A_531 : vector<16xi32>
        %gather3A_533 = tpu.vector_load_idx %arg6[%add3A_532] : memref<40000xf32, #tpu.memory_space<vmem>>[vector<16xi32>], vector<16xf32>,
        %add3A_534 = arith.constant 1 : i32
        %add3A_535 = vector.broadcast %add3A_534 : i32 to vector<16xi32>
        %add3A_536 = arith.addi %and3A_518, %add3A_535 : vector<16xi32>
        %mul3A_537 = arith.mulf %gather3A_533, %get3A_515 : vector<16xf32>
        tpu.vector_store_idx %arg7[%add3A_536], %mul3A_537 {add = true} : memref<40000xf32, #tpu.memory_space<vmem>>[vector<16xi32>], vector<16xf32>,
        %add3A_538 = arith.constant 2 : i32
        %add3A_539 = vector.broadcast %add3A_538 : i32 to vector<16xi32>
        %add3A_540 = arith.addi %shift_right_logical3A_521, %add3A_539 : vector<16xi32>
        %gather3A_541 = tpu.vector_load_idx %arg6[%add3A_540] : memref<40000xf32, #tpu.memory_space<vmem>>[vector<16xi32>], vector<16xf32>,
        %add3A_542 = arith.constant 2 : i32
        %add3A_543 = vector.broadcast %add3A_542 : i32 to vector<16xi32>
        %add3A_544 = arith.addi %and3A_518, %add3A_543 : vector<16xi32>
        %mul3A_545 = arith.mulf %gather3A_541, %get3A_515 : vector<16xf32>
        tpu.vector_store_idx %arg7[%add3A_544], %mul3A_545 {add = true} : memref<40000xf32, #tpu.memory_space<vmem>>[vector<16xi32>], vector<16xf32>,
        %add3A_546 = arith.constant 3 : i32
        %add3A_547 = vector.broadcast %add3A_546 : i32 to vector<16xi32>
        %add3A_548 = arith.addi %shift_right_logical3A_521, %add3A_547 : vector<16xi32>
        %gather3A_549 = tpu.vector_load_idx %arg6[%add3A_548] : memref<40000xf32, #tpu.memory_space<vmem>>[vector<16xi32>], vector<16xf32>,
        %add3A_550 = arith.constant 3 : i32
        %add3A_551 = vector.broadcast %add3A_550 : i32 to vector<16xi32>
        %add3A_552 = arith.addi %and3A_518, %add3A_551 : vector<16xi32>
        %mul3A_553 = arith.mulf %gather3A_549, %get3A_515 : vector<16xf32>
        tpu.vector_store_idx %arg7[%add3A_552], %mul3A_553 {add = true} : memref<40000xf32, #tpu.memory_space<vmem>>[vector<16xi32>], vector<16xf32>,
        %scan3A_554 = arith.constant 5 : i32
        %scan3A_555 = arith.addi %scan3A_298, %scan3A_554 : i32
        %mul3A_556 = arith.constant 1 : i32
        %mul3A_557 = arith.muli %scan3A_555, %mul3A_556 : i32
        %add3A_558 = arith.constant 0 : i32
        %add3A_559 = arith.addi %add3A_558, %mul3A_557 : i32
        %mul3A_560 = arith.constant 16 : i32
        %mul3A_561 = arith.muli %add3A_559, %mul3A_560 : i32
        %get3A_562 = arith.index_cast %mul3A_561 : i32 to index
        %get3A_563 = tpu.vector_load %arg9[%get3A_562] {strides = array<i32>} : memref<6400xi32, #tpu.memory_space<vmem>>, vector<16xi32>,
        %mul3A_564 = arith.constant 16 : i32
        %mul3A_565 = arith.muli %add3A_559, %mul3A_564 : i32
        %get3A_566 = arith.index_cast %mul3A_565 : i32 to index
        %get3A_567 = tpu.vector_load %arg11[%get3A_566] {strides = array<i32>} : memref<6400xf32, #tpu.memory_space<vmem>>, vector<16xf32>,
        %and3A_568 = arith.constant 65535 : i32
        %and3A_569 = vector.broadcast %and3A_568 : i32 to vector<16xi32>
        %and3A_570 = arith.andi %get3A_563, %and3A_569 : vector<16xi32>
        %shift_right_logical3A_571 = arith.constant 16 : i32
        %shift_right_logical3A_572 = vector.broadcast %shift_right_logical3A_571 : i32 to vector<16xi32>
        %shift_right_logical3A_573 = arith.shrui %get3A_563, %shift_right_logical3A_572 : vector<16xi32>
        %add3A_574 = arith.constant 0 : i32
        %add3A_575 = vector.broadcast %add3A_574 : i32 to vector<16xi32>
        %add3A_576 = arith.addi %shift_right_logical3A_573, %add3A_575 : vector<16xi32>
        %gather3A_577 = tpu.vector_load_idx %arg6[%add3A_576] : memref<40000xf32, #tpu.memory_space<vmem>>[vector<16xi32>], vector<16xf32>,
        %add3A_578 = arith.constant 0 : i32
        %add3A_579 = vector.broadcast %add3A_578 : i32 to vector<16xi32>
        %add3A_580 = arith.addi %and3A_570, %add3A_579 : vector<16xi32>
        %mul3A_581 = arith.mulf %gather3A_577, %get3A_567 : vector<16xf32>
        tpu.vector_store_idx %arg7[%add3A_580], %mul3A_581 {add = true} : memref<40000xf32, #tpu.memory_space<vmem>>[vector<16xi32>], vector<16xf32>,
        %add3A_582 = arith.constant 1 : i32
        %add3A_583 = vector.broadcast %add3A_582 : i32 to vector<16xi32>
        %add3A_584 = arith.addi %shift_right_logical3A_573, %add3A_583 : vector<16xi32>
        %gather3A_585 = tpu.vector_load_idx %arg6[%add3A_584] : memref<40000xf32, #tpu.memory_space<vmem>>[vector<16xi32>], vector<16xf32>,
        %add3A_586 = arith.constant 1 : i32
        %add3A_587 = vector.broadcast %add3A_586 : i32 to vector<16xi32>
        %add3A_588 = arith.addi %and3A_570, %add3A_587 : vector<16xi32>
        %mul3A_589 = arith.mulf %gather3A_585, %get3A_567 : vector<16xf32>
        tpu.vector_store_idx %arg7[%add3A_588], %mul3A_589 {add = true} : memref<40000xf32, #tpu.memory_space<vmem>>[vector<16xi32>], vector<16xf32>,
        %add3A_590 = arith.constant 2 : i32
        %add3A_591 = vector.broadcast %add3A_590 : i32 to vector<16xi32>
        %add3A_592 = arith.addi %shift_right_logical3A_573, %add3A_591 : vector<16xi32>
        %gather3A_593 = tpu.vector_load_idx %arg6[%add3A_592] : memref<40000xf32, #tpu.memory_space<vmem>>[vector<16xi32>], vector<16xf32>,
        %add3A_594 = arith.constant 2 : i32
        %add3A_595 = vector.broadcast %add3A_594 : i32 to vector<16xi32>
        %add3A_596 = arith.addi %and3A_570, %add3A_595 : vector<16xi32>
        %mul3A_597 = arith.mulf %gather3A_593, %get3A_567 : vector<16xf32>
        tpu.vector_store_idx %arg7[%add3A_596], %mul3A_597 {add = true} : memref<40000xf32, #tpu.memory_space<vmem>>[vector<16xi32>], vector<16xf32>,
        %add3A_598 = arith.constant 3 : i32
        %add3A_599 = vector.broadcast %add3A_598 : i32 to vector<16xi32>
        %add3A_600 = arith.addi %shift_right_logical3A_573, %add3A_599 : vector<16xi32>
        %gather3A_601 = tpu.vector_load_idx %arg6[%add3A_600] : memref<40000xf32, #tpu.memory_space<vmem>>[vector<16xi32>], vector<16xf32>,
        %add3A_602 = arith.constant 3 : i32
        %add3A_603 = vector.broadcast %add3A_602 : i32 to vector<16xi32>
        %add3A_604 = arith.addi %and3A_570, %add3A_603 : vector<16xi32>
        %mul3A_605 = arith.mulf %gather3A_601, %get3A_567 : vector<16xf32>
        tpu.vector_store_idx %arg7[%add3A_604], %mul3A_605 {add = true} : memref<40000xf32, #tpu.memory_space<vmem>>[vector<16xi32>], vector<16xf32>,
        %scan3A_606 = arith.constant 6 : i32
        %scan3A_607 = arith.addi %scan3A_298, %scan3A_606 : i32
        %mul3A_608 = arith.constant 1 : i32
        %mul3A_609 = arith.muli %scan3A_607, %mul3A_608 : i32
        %add3A_610 = arith.constant 0 : i32
        %add3A_611 = arith.addi %add3A_610, %mul3A_609 : i32
        %mul3A_612 = arith.constant 16 : i32
        %mul3A_613 = arith.muli %add3A_611, %mul3A_612 : i32
        %get3A_614 = arith.index_cast %mul3A_613 : i32 to index
        %get3A_615 = tpu.vector_load %arg9[%get3A_614] {strides = array<i32>} : memref<6400xi32, #tpu.memory_space<vmem>>, vector<16xi32>,
        %mul3A_616 = arith.constant 16 : i32
        %mul3A_617 = arith.muli %add3A_611, %mul3A_616 : i32
        %get3A_618 = arith.index_cast %mul3A_617 : i32 to index
        %get3A_619 = tpu.vector_load %arg11[%get3A_618] {strides = array<i32>} : memref<6400xf32, #tpu.memory_space<vmem>>, vector<16xf32>,
        %and3A_620 = arith.constant 65535 : i32
        %and3A_621 = vector.broadcast %and3A_620 : i32 to vector<16xi32>
        %and3A_622 = arith.andi %get3A_615, %and3A_621 : vector<16xi32>
        %shift_right_logical3A_623 = arith.constant 16 : i32
        %shift_right_logical3A_624 = vector.broadcast %shift_right_logical3A_623 : i32 to vector<16xi32>
        %shift_right_logical3A_625 = arith.shrui %get3A_615, %shift_right_logical3A_624 : vector<16xi32>
        %add3A_626 = arith.constant 0 : i32
        %add3A_627 = vector.broadcast %add3A_626 : i32 to vector<16xi32>
        %add3A_628 = arith.addi %shift_right_logical3A_625, %add3A_627 : vector<16xi32>
        %gather3A_629 = tpu.vector_load_idx %arg6[%add3A_628] : memref<40000xf32, #tpu.memory_space<vmem>>[vector<16xi32>], vector<16xf32>,
        %add3A_630 = arith.constant 0 : i32
        %add3A_631 = vector.broadcast %add3A_630 : i32 to vector<16xi32>
        %add3A_632 = arith.addi %and3A_622, %add3A_631 : vector<16xi32>
        %mul3A_633 = arith.mulf %gather3A_629, %get3A_619 : vector<16xf32>
        tpu.vector_store_idx %arg7[%add3A_632], %mul3A_633 {add = true} : memref<40000xf32, #tpu.memory_space<vmem>>[vector<16xi32>], vector<16xf32>,
        %add3A_634 = arith.constant 1 : i32
        %add3A_635 = vector.broadcast %add3A_634 : i32 to vector<16xi32>
        %add3A_636 = arith.addi %shift_right_logical3A_625, %add3A_635 : vector<16xi32>
        %gather3A_637 = tpu.vector_load_idx %arg6[%add3A_636] : memref<40000xf32, #tpu.memory_space<vmem>>[vector<16xi32>], vector<16xf32>,
        %add3A_638 = arith.constant 1 : i32
        %add3A_639 = vector.broadcast %add3A_638 : i32 to vector<16xi32>
        %add3A_640 = arith.addi %and3A_622, %add3A_639 : vector<16xi32>
        %mul3A_641 = arith.mulf %gather3A_637, %get3A_619 : vector<16xf32>
        tpu.vector_store_idx %arg7[%add3A_640], %mul3A_641 {add = true} : memref<40000xf32, #tpu.memory_space<vmem>>[vector<16xi32>], vector<16xf32>,
        %add3A_642 = arith.constant 2 : i32
        %add3A_643 = vector.broadcast %add3A_642 : i32 to vector<16xi32>
        %add3A_644 = arith.addi %shift_right_logical3A_625, %add3A_643 : vector<16xi32>
        %gather3A_645 = tpu.vector_load_idx %arg6[%add3A_644] : memref<40000xf32, #tpu.memory_space<vmem>>[vector<16xi32>], vector<16xf32>,
        %add3A_646 = arith.constant 2 : i32
        %add3A_647 = vector.broadcast %add3A_646 : i32 to vector<16xi32>
        %add3A_648 = arith.addi %and3A_622, %add3A_647 : vector<16xi32>
        %mul3A_649 = arith.mulf %gather3A_645, %get3A_619 : vector<16xf32>
        tpu.vector_store_idx %arg7[%add3A_648], %mul3A_649 {add = true} : memref<40000xf32, #tpu.memory_space<vmem>>[vector<16xi32>], vector<16xf32>,
        %add3A_650 = arith.constant 3 : i32
        %add3A_651 = vector.broadcast %add3A_650 : i32 to vector<16xi32>
        %add3A_652 = arith.addi %shift_right_logical3A_625, %add3A_651 : vector<16xi32>
        %gather3A_653 = tpu.vector_load_idx %arg6[%add3A_652] : memref<40000xf32, #tpu.memory_space<vmem>>[vector<16xi32>], vector<16xf32>,
        %add3A_654 = arith.constant 3 : i32
        %add3A_655 = vector.broadcast %add3A_654 : i32 to vector<16xi32>
        %add3A_656 = arith.addi %and3A_622, %add3A_655 : vector<16xi32>
        %mul3A_657 = arith.mulf %gather3A_653, %get3A_619 : vector<16xf32>
        tpu.vector_store_idx %arg7[%add3A_656], %mul3A_657 {add = true} : memref<40000xf32, #tpu.memory_space<vmem>>[vector<16xi32>], vector<16xf32>,
        %scan3A_658 = arith.constant 7 : i32
        %scan3A_659 = arith.addi %scan3A_298, %scan3A_658 : i32
        %mul3A_660 = arith.constant 1 : i32
        %mul3A_661 = arith.muli %scan3A_659, %mul3A_660 : i32
        %add3A_662 = arith.constant 0 : i32
        %add3A_663 = arith.addi %add3A_662, %mul3A_661 : i32
        %mul3A_664 = arith.constant 16 : i32
        %mul3A_665 = arith.muli %add3A_663, %mul3A_664 : i32
        %get3A_666 = arith.index_cast %mul3A_665 : i32 to index
        %get3A_667 = tpu.vector_load %arg9[%get3A_666] {strides = array<i32>} : memref<6400xi32, #tpu.memory_space<vmem>>, vector<16xi32>,
        %mul3A_668 = arith.constant 16 : i32
        %mul3A_669 = arith.muli %add3A_663, %mul3A_668 : i32
        %get3A_670 = arith.index_cast %mul3A_669 : i32 to index
        %get3A_671 = tpu.vector_load %arg11[%get3A_670] {strides = array<i32>} : memref<6400xf32, #tpu.memory_space<vmem>>, vector<16xf32>,
        %and3A_672 = arith.constant 65535 : i32
        %and3A_673 = vector.broadcast %and3A_672 : i32 to vector<16xi32>
        %and3A_674 = arith.andi %get3A_667, %and3A_673 : vector<16xi32>
        %shift_right_logical3A_675 = arith.constant 16 : i32
        %shift_right_logical3A_676 = vector.broadcast %shift_right_logical3A_675 : i32 to vector<16xi32>
        %shift_right_logical3A_677 = arith.shrui %get3A_667, %shift_right_logical3A_676 : vector<16xi32>
        %add3A_678 = arith.constant 0 : i32
        %add3A_679 = vector.broadcast %add3A_678 : i32 to vector<16xi32>
        %add3A_680 = arith.addi %shift_right_logical3A_677, %add3A_679 : vector<16xi32>
        %gather3A_681 = tpu.vector_load_idx %arg6[%add3A_680] : memref<40000xf32, #tpu.memory_space<vmem>>[vector<16xi32>], vector<16xf32>,
        %add3A_682 = arith.constant 0 : i32
        %add3A_683 = vector.broadcast %add3A_682 : i32 to vector<16xi32>
        %add3A_684 = arith.addi %and3A_674, %add3A_683 : vector<16xi32>
        %mul3A_685 = arith.mulf %gather3A_681, %get3A_671 : vector<16xf32>
        tpu.vector_store_idx %arg7[%add3A_684], %mul3A_685 {add = true} : memref<40000xf32, #tpu.memory_space<vmem>>[vector<16xi32>], vector<16xf32>,
        %add3A_686 = arith.constant 1 : i32
        %add3A_687 = vector.broadcast %add3A_686 : i32 to vector<16xi32>
        %add3A_688 = arith.addi %shift_right_logical3A_677, %add3A_687 : vector<16xi32>
        %gather3A_689 = tpu.vector_load_idx %arg6[%add3A_688] : memref<40000xf32, #tpu.memory_space<vmem>>[vector<16xi32>], vector<16xf32>,
        %add3A_690 = arith.constant 1 : i32
        %add3A_691 = vector.broadcast %add3A_690 : i32 to vector<16xi32>
        %add3A_692 = arith.addi %and3A_674, %add3A_691 : vector<16xi32>
        %mul3A_693 = arith.mulf %gather3A_689, %get3A_671 : vector<16xf32>
        tpu.vector_store_idx %arg7[%add3A_692], %mul3A_693 {add = true} : memref<40000xf32, #tpu.memory_space<vmem>>[vector<16xi32>], vector<16xf32>,
        %add3A_694 = arith.constant 2 : i32
        %add3A_695 = vector.broadcast %add3A_694 : i32 to vector<16xi32>
        %add3A_696 = arith.addi %shift_right_logical3A_677, %add3A_695 : vector<16xi32>
        %gather3A_697 = tpu.vector_load_idx %arg6[%add3A_696] : memref<40000xf32, #tpu.memory_space<vmem>>[vector<16xi32>], vector<16xf32>,
        %add3A_698 = arith.constant 2 : i32
        %add3A_699 = vector.broadcast %add3A_698 : i32 to vector<16xi32>
        %add3A_700 = arith.addi %and3A_674, %add3A_699 : vector<16xi32>
        %mul3A_701 = arith.mulf %gather3A_697, %get3A_671 : vector<16xf32>
        tpu.vector_store_idx %arg7[%add3A_700], %mul3A_701 {add = true} : memref<40000xf32, #tpu.memory_space<vmem>>[vector<16xi32>], vector<16xf32>,
        %add3A_702 = arith.constant 3 : i32
        %add3A_703 = vector.broadcast %add3A_702 : i32 to vector<16xi32>
        %add3A_704 = arith.addi %shift_right_logical3A_677, %add3A_703 : vector<16xi32>
        %gather3A_705 = tpu.vector_load_idx %arg6[%add3A_704] : memref<40000xf32, #tpu.memory_space<vmem>>[vector<16xi32>], vector<16xf32>,
        %add3A_706 = arith.constant 3 : i32
        %add3A_707 = vector.broadcast %add3A_706 : i32 to vector<16xi32>
        %add3A_708 = arith.addi %and3A_674, %add3A_707 : vector<16xi32>
        %mul3A_709 = arith.mulf %gather3A_705, %get3A_671 : vector<16xf32>
        tpu.vector_store_idx %arg7[%add3A_708], %mul3A_709 {add = true} : memref<40000xf32, #tpu.memory_space<vmem>>[vector<16xi32>], vector<16xf32>,
      }
      %scan3A_285 = arith.constant 400 : i32
      %add3A_286 = arith.constant 1 : i32
      %add3A_287 = arith.addi %add3A_249, %add3A_286 : i32
      %add3A_288 = arith.constant 2 : i32
      %add3A_289 = arith.addi %add3A_287, %add3A_288 : i32
      %rem3A_290 = arith.constant 100 : i32
      %rem3A_291 = arith.remsi %add3A_289, %rem3A_290 : i32
      %mul3A_292 = arith.constant 6400 : i32
      %mul3A_293 = arith.muli %rem3A_291, %mul3A_292 : i32
      %dma_start3A_294 = tpu.memref_slice %arg3[%mul3A_293] : memref<640000xi32, #tpu.memory_space<hbm>> -> memref<6400xi32, #tpu.memory_space<hbm>>
      %dma_start3A_295 = tpu.memref_slice %arg3[%mul3A_293] : memref<640000xi32, #tpu.memory_space<hbm>> -> memref<6400xi32, #tpu.memory_space<hbm>>
      tpu.enqueue_dma source(%dma_start3A_295 : memref<6400xi32, #tpu.memory_space<hbm>>) target(%arg9 : memref<6400xi32, #tpu.memory_space<vmem>>) target_semaphore(%arg13 : memref<!tpu.dma_semaphore, #tpu.memory_space<semaphore_mem>>)
      %dma_start3A_296 = tpu.memref_slice %arg4[%mul3A_293] : memref<640000xf32, #tpu.memory_space<hbm>> -> memref<6400xf32, #tpu.memory_space<hbm>>
      %dma_start3A_297 = tpu.memref_slice %arg4[%mul3A_293] : memref<640000xf32, #tpu.memory_space<hbm>> -> memref<6400xf32, #tpu.memory_space<hbm>>
      tpu.enqueue_dma source(%dma_start3A_297 : memref<6400xf32, #tpu.memory_space<hbm>>) target(%arg11 : memref<6400xf32, #tpu.memory_space<vmem>>) target_semaphore(%arg13 : memref<!tpu.dma_semaphore, #tpu.memory_space<semaphore_mem>>)
    }
    %scan3A_70 = arith.constant 50 : i32
    %scan3A_71 = arith.constant 0 : i32
    %scan3A_72 = arith.constant 2496 : i32
    %scan3A_73 = arith.addi %scan3A_71, %scan3A_72 : i32
    %scan3A_74 = arith.constant 8 : i32
    scf.for %scan3A_245 = %scan3A_71 to %scan3A_73 step %scan3A_74  : i32 {
      %mul3A_246 = arith.constant 1 : i32
      %mul3A_247 = arith.muli %scan3A_245, %mul3A_246 : i32
      %add3A_248 = arith.constant 0 : i32
      %add3A_249 = arith.addi %add3A_248, %mul3A_247 : i32
      %mul3A_250 = arith.constant 16 : i32
      %mul3A_251 = arith.muli %add3A_249, %mul3A_250 : i32
      %get3A_252 = arith.index_cast %mul3A_251 : i32 to index
      %get3A_253 = tpu.vector_load %arg6[%get3A_252] {strides = array<i32>} : memref<40000xf32, #tpu.memory_space<vmem>>, vector<16xf32>,
      %get3A_254 = arith.index_cast %mul3A_251 : i32 to index
      %get3A_255 = tpu.vector_load %arg7[%get3A_254] {strides = array<i32>} : memref<40000xf32, #tpu.memory_space<vmem>>, vector<16xf32>,
      %add3A_256 = arith.addf %get3A_253, %get3A_255 : vector<16xf32>
      %mul3A_257 = arith.constant 5.000000e-01 : f32
      %mul3A_258 = vector.broadcast %mul3A_257 : f32 to vector<16xf32>
      %mul3A_259 = arith.mulf %add3A_256, %mul3A_258 : vector<16xf32>
      %swap3A_260 = arith.index_cast %mul3A_251 : i32 to index
      %swap3A_261 = tpu.vector_load %arg6[%swap3A_260] {strides = array<i32>} : memref<40000xf32, #tpu.memory_space<vmem>>, vector<16xf32>,
      tpu.vector_store %arg6[%swap3A_260], %mul3A_259 {strides = array<i32>} : memref<40000xf32, #tpu.memory_space<vmem>>, vector<16xf32>,
      %broadcast_in_dim3A_262 = arith.constant 0.000000e+00 : f32
      %broadcast_in_dim3A_263 = vector.broadcast %broadcast_in_dim3A_262 : f32 to vector<16xf32>
      %swap3A_264 = arith.index_cast %mul3A_251 : i32 to index
      %swap3A_265 = tpu.vector_load %arg7[%swap3A_264] {strides = array<i32>} : memref<40000xf32, #tpu.memory_space<vmem>>, vector<16xf32>,
      tpu.vector_store %arg7[%swap3A_264], %broadcast_in_dim3A_263 {strides = array<i32>} : memref<40000xf32, #tpu.memory_space<vmem>>, vector<16xf32>,
      %scan3A_266 = arith.constant 1 : i32
      %scan3A_267 = arith.addi %scan3A_245, %scan3A_266 : i32
      %mul3A_268 = arith.constant 1 : i32
      %mul3A_269 = arith.muli %scan3A_267, %mul3A_268 : i32
      %add3A_270 = arith.constant 0 : i32
      %add3A_271 = arith.addi %add3A_270, %mul3A_269 : i32
      %mul3A_272 = arith.constant 16 : i32
      %mul3A_273 = arith.muli %add3A_271, %mul3A_272 : i32
      %get3A_274 = arith.index_cast %mul3A_273 : i32 to index
      %get3A_275 = tpu.vector_load %arg6[%get3A_274] {strides = array<i32>} : memref<40000xf32, #tpu.memory_space<vmem>>, vector<16xf32>,
      %get3A_276 = arith.index_cast %mul3A_273 : i32 to index
      %get3A_277 = tpu.vector_load %arg7[%get3A_276] {strides = array<i32>} : memref<40000xf32, #tpu.memory_space<vmem>>, vector<16xf32>,
      %add3A_278 = arith.addf %get3A_275, %get3A_277 : vector<16xf32>
      %mul3A_279 = arith.constant 5.000000e-01 : f32
      %mul3A_280 = vector.broadcast %mul3A_279 : f32 to vector<16xf32>
      %mul3A_281 = arith.mulf %add3A_278, %mul3A_280 : vector<16xf32>
      %swap3A_282 = arith.index_cast %mul3A_273 : i32 to index
      %swap3A_283 = tpu.vector_load %arg6[%swap3A_282] {strides = array<i32>} : memref<40000xf32, #tpu.memory_space<vmem>>, vector<16xf32>,
      tpu.vector_store %arg6[%swap3A_282], %mul3A_281 {strides = array<i32>} : memref<40000xf32, #tpu.memory_space<vmem>>, vector<16xf32>,
      %broadcast_in_dim3A_284 = arith.constant 0.000000e+00 : f32
      %broadcast_in_dim3A_285 = vector.broadcast %broadcast_in_dim3A_284 : f32 to vector<16xf32>
      %swap3A_286 = arith.index_cast %mul3A_273 : i32 to index
      %swap3A_287 = tpu.vector_load %arg7[%swap3A_286] {strides = array<i32>} : memref<40000xf32, #tpu.memory_space<vmem>>, vector<16xf32>,
      tpu.vector_store %arg7[%swap3A_286], %broadcast_in_dim3A_285 {strides = array<i32>} : memref<40000xf32, #tpu.memory_space<vmem>>, vector<16xf32>,
      %scan3A_288 = arith.constant 2 : i32
      %scan3A_289 = arith.addi %scan3A_245, %scan3A_288 : i32
      %mul3A_290 = arith.constant 1 : i32
      %mul3A_291 = arith.muli %scan3A_289, %mul3A_290 : i32
      %add3A_292 = arith.constant 0 : i32
      %add3A_293 = arith.addi %add3A_292, %mul3A_291 : i32
      %mul3A_294 = arith.constant 16 : i32
      %mul3A_295 = arith.muli %add3A_293, %mul3A_294 : i32
      %get3A_296 = arith.index_cast %mul3A_295 : i32 to index
      %get3A_297 = tpu.vector_load %arg6[%get3A_296] {strides = array<i32>} : memref<40000xf32, #tpu.memory_space<vmem>>, vector<16xf32>,
      %get3A_298 = arith.index_cast %mul3A_295 : i32 to index
      %get3A_299 = tpu.vector_load %arg7[%get3A_298] {strides = array<i32>} : memref<40000xf32, #tpu.memory_space<vmem>>, vector<16xf32>,
      %add3A_300 = arith.addf %get3A_297, %get3A_299 : vector<16xf32>
      %mul3A_301 = arith.constant 5.000000e-01 : f32
      %mul3A_302 = vector.broadcast %mul3A_301 : f32 to vector<16xf32>
      %mul3A_303 = arith.mulf %add3A_300, %mul3A_302 : vector<16xf32>
      %swap3A_304 = arith.index_cast %mul3A_295 : i32 to index
      %swap3A_305 = tpu.vector_load %arg6[%swap3A_304] {strides = array<i32>} : memref<40000xf32, #tpu.memory_space<vmem>>, vector<16xf32>,
      tpu.vector_store %arg6[%swap3A_304], %mul3A_303 {strides = array<i32>} : memref<40000xf32, #tpu.memory_space<vmem>>, vector<16xf32>,
      %broadcast_in_dim3A_306 = arith.constant 0.000000e+00 : f32
      %broadcast_in_dim3A_307 = vector.broadcast %broadcast_in_dim3A_306 : f32 to vector<16xf32>
      %swap3A_308 = arith.index_cast %mul3A_295 : i32 to index
      %swap3A_309 = tpu.vector_load %arg7[%swap3A_308] {strides = array<i32>} : memref<40000xf32, #tpu.memory_space<vmem>>, vector<16xf32>,
      tpu.vector_store %arg7[%swap3A_308], %broadcast_in_dim3A_307 {strides = array<i32>} : memref<40000xf32, #tpu.memory_space<vmem>>, vector<16xf32>,
      %scan3A_310 = arith.constant 3 : i32
      %scan3A_311 = arith.addi %scan3A_245, %scan3A_310 : i32
      %mul3A_312 = arith.constant 1 : i32
      %mul3A_313 = arith.muli %scan3A_311, %mul3A_312 : i32
      %add3A_314 = arith.constant 0 : i32
      %add3A_315 = arith.addi %add3A_314, %mul3A_313 : i32
      %mul3A_316 = arith.constant 16 : i32
      %mul3A_317 = arith.muli %add3A_315, %mul3A_316 : i32
      %get3A_318 = arith.index_cast %mul3A_317 : i32 to index
      %get3A_319 = tpu.vector_load %arg6[%get3A_318] {strides = array<i32>} : memref<40000xf32, #tpu.memory_space<vmem>>, vector<16xf32>,
      %get3A_320 = arith.index_cast %mul3A_317 : i32 to index
      %get3A_321 = tpu.vector_load %arg7[%get3A_320] {strides = array<i32>} : memref<40000xf32, #tpu.memory_space<vmem>>, vector<16xf32>,
      %add3A_322 = arith.addf %get3A_319, %get3A_321 : vector<16xf32>
      %mul3A_323 = arith.constant 5.000000e-01 : f32
      %mul3A_324 = vector.broadcast %mul3A_323 : f32 to vector<16xf32>
      %mul3A_325 = arith.mulf %add3A_322, %mul3A_324 : vector<16xf32>
      %swap3A_326 = arith.index_cast %mul3A_317 : i32 to index
      %swap3A_327 = tpu.vector_load %arg6[%swap3A_326] {strides = array<i32>} : memref<40000xf32, #tpu.memory_space<vmem>>, vector<16xf32>,
      tpu.vector_store %arg6[%swap3A_326], %mul3A_325 {strides = array<i32>} : memref<40000xf32, #tpu.memory_space<vmem>>, vector<16xf32>,
      %broadcast_in_dim3A_328 = arith.constant 0.000000e+00 : f32
      %broadcast_in_dim3A_329 = vector.broadcast %broadcast_in_dim3A_328 : f32 to vector<16xf32>
      %swap3A_330 = arith.index_cast %mul3A_317 : i32 to index
      %swap3A_331 = tpu.vector_load %arg7[%swap3A_330] {strides = array<i32>} : memref<40000xf32, #tpu.memory_space<vmem>>, vector<16xf32>,
      tpu.vector_store %arg7[%swap3A_330], %broadcast_in_dim3A_329 {strides = array<i32>} : memref<40000xf32, #tpu.memory_space<vmem>>, vector<16xf32>,
      %scan3A_332 = arith.constant 4 : i32
      %scan3A_333 = arith.addi %scan3A_245, %scan3A_332 : i32
      %mul3A_334 = arith.constant 1 : i32
      %mul3A_335 = arith.muli %scan3A_333, %mul3A_334 : i32
      %add3A_336 = arith.constant 0 : i32
      %add3A_337 = arith.addi %add3A_336, %mul3A_335 : i32
      %mul3A_338 = arith.constant 16 : i32
      %mul3A_339 = arith.muli %add3A_337, %mul3A_338 : i32
      %get3A_340 = arith.index_cast %mul3A_339 : i32 to index
      %get3A_341 = tpu.vector_load %arg6[%get3A_340] {strides = array<i32>} : memref<40000xf32, #tpu.memory_space<vmem>>, vector<16xf32>,
      %get3A_342 = arith.index_cast %mul3A_339 : i32 to index
      %get3A_343 = tpu.vector_load %arg7[%get3A_342] {strides = array<i32>} : memref<40000xf32, #tpu.memory_space<vmem>>, vector<16xf32>,
      %add3A_344 = arith.addf %get3A_341, %get3A_343 : vector<16xf32>
      %mul3A_345 = arith.constant 5.000000e-01 : f32
      %mul3A_346 = vector.broadcast %mul3A_345 : f32 to vector<16xf32>
      %mul3A_347 = arith.mulf %add3A_344, %mul3A_346 : vector<16xf32>
      %swap3A_348 = arith.index_cast %mul3A_339 : i32 to index
      %swap3A_349 = tpu.vector_load %arg6[%swap3A_348] {strides = array<i32>} : memref<40000xf32, #tpu.memory_space<vmem>>, vector<16xf32>,
      tpu.vector_store %arg6[%swap3A_348], %mul3A_347 {strides = array<i32>} : memref<40000xf32, #tpu.memory_space<vmem>>, vector<16xf32>,
      %broadcast_in_dim3A_350 = arith.constant 0.000000e+00 : f32
      %broadcast_in_dim3A_351 = vector.broadcast %broadcast_in_dim3A_350 : f32 to vector<16xf32>
      %swap3A_352 = arith.index_cast %mul3A_339 : i32 to index
      %swap3A_353 = tpu.vector_load %arg7[%swap3A_352] {strides = array<i32>} : memref<40000xf32, #tpu.memory_space<vmem>>, vector<16xf32>,
      tpu.vector_store %arg7[%swap3A_352], %broadcast_in_dim3A_351 {strides = array<i32>} : memref<40000xf32, #tpu.memory_space<vmem>>, vector<16xf32>,
      %scan3A_354 = arith.constant 5 : i32
      %scan3A_355 = arith.addi %scan3A_245, %scan3A_354 : i32
      %mul3A_356 = arith.constant 1 : i32
      %mul3A_357 = arith.muli %scan3A_355, %mul3A_356 : i32
      %add3A_358 = arith.constant 0 : i32
      %add3A_359 = arith.addi %add3A_358, %mul3A_357 : i32
      %mul3A_360 = arith.constant 16 : i32
      %mul3A_361 = arith.muli %add3A_359, %mul3A_360 : i32
      %get3A_362 = arith.index_cast %mul3A_361 : i32 to index
      %get3A_363 = tpu.vector_load %arg6[%get3A_362] {strides = array<i32>} : memref<40000xf32, #tpu.memory_space<vmem>>, vector<16xf32>,
      %get3A_364 = arith.index_cast %mul3A_361 : i32 to index
      %get3A_365 = tpu.vector_load %arg7[%get3A_364] {strides = array<i32>} : memref<40000xf32, #tpu.memory_space<vmem>>, vector<16xf32>,
      %add3A_366 = arith.addf %get3A_363, %get3A_365 : vector<16xf32>
      %mul3A_367 = arith.constant 5.000000e-01 : f32
      %mul3A_368 = vector.broadcast %mul3A_367 : f32 to vector<16xf32>
      %mul3A_369 = arith.mulf %add3A_366, %mul3A_368 : vector<16xf32>
      %swap3A_370 = arith.index_cast %mul3A_361 : i32 to index
      %swap3A_371 = tpu.vector_load %arg6[%swap3A_370] {strides = array<i32>} : memref<40000xf32, #tpu.memory_space<vmem>>, vector<16xf32>,
      tpu.vector_store %arg6[%swap3A_370], %mul3A_369 {strides = array<i32>} : memref<40000xf32, #tpu.memory_space<vmem>>, vector<16xf32>,
      %broadcast_in_dim3A_372 = arith.constant 0.000000e+00 : f32
      %broadcast_in_dim3A_373 = vector.broadcast %broadcast_in_dim3A_372 : f32 to vector<16xf32>
      %swap3A_374 = arith.index_cast %mul3A_361 : i32 to index
      %swap3A_375 = tpu.vector_load %arg7[%swap3A_374] {strides = array<i32>} : memref<40000xf32, #tpu.memory_space<vmem>>, vector<16xf32>,
      tpu.vector_store %arg7[%swap3A_374], %broadcast_in_dim3A_373 {strides = array<i32>} : memref<40000xf32, #tpu.memory_space<vmem>>, vector<16xf32>,
      %scan3A_376 = arith.constant 6 : i32
      %scan3A_377 = arith.addi %scan3A_245, %scan3A_376 : i32
      %mul3A_378 = arith.constant 1 : i32
      %mul3A_379 = arith.muli %scan3A_377, %mul3A_378 : i32
      %add3A_380 = arith.constant 0 : i32
      %add3A_381 = arith.addi %add3A_380, %mul3A_379 : i32
      %mul3A_382 = arith.constant 16 : i32
      %mul3A_383 = arith.muli %add3A_381, %mul3A_382 : i32
      %get3A_384 = arith.index_cast %mul3A_383 : i32 to index
      %get3A_385 = tpu.vector_load %arg6[%get3A_384] {strides = array<i32>} : memref<40000xf32, #tpu.memory_space<vmem>>, vector<16xf32>,
      %get3A_386 = arith.index_cast %mul3A_383 : i32 to index
      %get3A_387 = tpu.vector_load %arg7[%get3A_386] {strides = array<i32>} : memref<40000xf32, #tpu.memory_space<vmem>>, vector<16xf32>,
      %add3A_388 = arith.addf %get3A_385, %get3A_387 : vector<16xf32>
      %mul3A_389 = arith.constant 5.000000e-01 : f32
      %mul3A_390 = vector.broadcast %mul3A_389 : f32 to vector<16xf32>
      %mul3A_391 = arith.mulf %add3A_388, %mul3A_390 : vector<16xf32>
      %swap3A_392 = arith.index_cast %mul3A_383 : i32 to index
      %swap3A_393 = tpu.vector_load %arg6[%swap3A_392] {strides = array<i32>} : memref<40000xf32, #tpu.memory_space<vmem>>, vector<16xf32>,
      tpu.vector_store %arg6[%swap3A_392], %mul3A_391 {strides = array<i32>} : memref<40000xf32, #tpu.memory_space<vmem>>, vector<16xf32>,
      %broadcast_in_dim3A_394 = arith.constant 0.000000e+00 : f32
      %broadcast_in_dim3A_395 = vector.broadcast %broadcast_in_dim3A_394 : f32 to vector<16xf32>
      %swap3A_396 = arith.index_cast %mul3A_383 : i32 to index
      %swap3A_397 = tpu.vector_load %arg7[%swap3A_396] {strides = array<i32>} : memref<40000xf32, #tpu.memory_space<vmem>>, vector<16xf32>,
      tpu.vector_store %arg7[%swap3A_396], %broadcast_in_dim3A_395 {strides = array<i32>} : memref<40000xf32, #tpu.memory_space<vmem>>, vector<16xf32>,
      %scan3A_398 = arith.constant 7 : i32
      %scan3A_399 = arith.addi %scan3A_245, %scan3A_398 : i32
      %mul3A_400 = arith.constant 1 : i32
      %mul3A_401 = arith.muli %scan3A_399, %mul3A_400 : i32
      %add3A_402 = arith.constant 0 : i32
      %add3A_403 = arith.addi %add3A_402, %mul3A_401 : i32
      %mul3A_404 = arith.constant 16 : i32
      %mul3A_405 = arith.muli %add3A_403, %mul3A_404 : i32
      %get3A_406 = arith.index_cast %mul3A_405 : i32 to index
      %get3A_407 = tpu.vector_load %arg6[%get3A_406] {strides = array<i32>} : memref<40000xf32, #tpu.memory_space<vmem>>, vector<16xf32>,
      %get3A_408 = arith.index_cast %mul3A_405 : i32 to index
      %get3A_409 = tpu.vector_load %arg7[%get3A_408] {strides = array<i32>} : memref<40000xf32, #tpu.memory_space<vmem>>, vector<16xf32>,
      %add3A_410 = arith.addf %get3A_407, %get3A_409 : vector<16xf32>
      %mul3A_411 = arith.constant 5.000000e-01 : f32
      %mul3A_412 = vector.broadcast %mul3A_411 : f32 to vector<16xf32>
      %mul3A_413 = arith.mulf %add3A_410, %mul3A_412 : vector<16xf32>
      %swap3A_414 = arith.index_cast %mul3A_405 : i32 to index
      %swap3A_415 = tpu.vector_load %arg6[%swap3A_414] {strides = array<i32>} : memref<40000xf32, #tpu.memory_space<vmem>>, vector<16xf32>,
      tpu.vector_store %arg6[%swap3A_414], %mul3A_413 {strides = array<i32>} : memref<40000xf32, #tpu.memory_space<vmem>>, vector<16xf32>,
      %broadcast_in_dim3A_416 = arith.constant 0.000000e+00 : f32
      %broadcast_in_dim3A_417 = vector.broadcast %broadcast_in_dim3A_416 : f32 to vector<16xf32>
      %swap3A_418 = arith.index_cast %mul3A_405 : i32 to index
      %swap3A_419 = tpu.vector_load %arg7[%swap3A_418] {strides = array<i32>} : memref<40000xf32, #tpu.memory_space<vmem>>, vector<16xf32>,
      tpu.vector_store %arg7[%swap3A_418], %broadcast_in_dim3A_417 {strides = array<i32>} : memref<40000xf32, #tpu.memory_space<vmem>>, vector<16xf32>,
    }
    %scan3A_75 = arith.constant 2496 : i32
    %scan3A_76 = arith.addi %scan3A_71, %scan3A_75 : i32
    %mul3A_77 = arith.constant 1 : i32
    %mul3A_78 = arith.muli %scan3A_76, %mul3A_77 : i32
    %add3A_79 = arith.constant 0 : i32
    %add3A_80 = arith.addi %add3A_79, %mul3A_78 : i32
    %mul3A_81 = arith.constant 16 : i32
    %mul3A_82 = arith.muli %add3A_80, %mul3A_81 : i32
    %get3A = arith.index_cast %mul3A_82 : i32 to index
    %get3A_83 = tpu.vector_load %arg6[%get3A] {strides = array<i32>} : memref<40000xf32, #tpu.memory_space<vmem>>, vector<16xf32>,
    %get3A_84 = arith.index_cast %mul3A_82 : i32 to index
    %get3A_85 = tpu.vector_load %arg7[%get3A_84] {strides = array<i32>} : memref<40000xf32, #tpu.memory_space<vmem>>, vector<16xf32>,
    %add3A_86 = arith.addf %get3A_83, %get3A_85 : vector<16xf32>
    %mul3A_87 = arith.constant 5.000000e-01 : f32
    %mul3A_88 = vector.broadcast %mul3A_87 : f32 to vector<16xf32>
    %mul3A_89 = arith.mulf %add3A_86, %mul3A_88 : vector<16xf32>
    %swap3A_90 = arith.index_cast %mul3A_82 : i32 to index
    %swap3A_91 = tpu.vector_load %arg6[%swap3A_90] {strides = array<i32>} : memref<40000xf32, #tpu.memory_space<vmem>>, vector<16xf32>,
    tpu.vector_store %arg6[%swap3A_90], %mul3A_89 {strides = array<i32>} : memref<40000xf32, #tpu.memory_space<vmem>>, vector<16xf32>,
    %broadcast_in_dim3A_92 = arith.constant 0.000000e+00 : f32
    %broadcast_in_dim3A_93 = vector.broadcast %broadcast_in_dim3A_92 : f32 to vector<16xf32>
    %swap3A_94 = arith.index_cast %mul3A_82 : i32 to index
    %swap3A_95 = tpu.vector_load %arg7[%swap3A_94] {strides = array<i32>} : memref<40000xf32, #tpu.memory_space<vmem>>, vector<16xf32>,
    tpu.vector_store %arg7[%swap3A_94], %broadcast_in_dim3A_93 {strides = array<i32>} : memref<40000xf32, #tpu.memory_space<vmem>>, vector<16xf32>,
    %scan3A_96 = arith.constant 2497 : i32
    %scan3A_97 = arith.addi %scan3A_71, %scan3A_96 : i32
    %mul3A_98 = arith.constant 1 : i32
    %mul3A_99 = arith.muli %scan3A_97, %mul3A_98 : i32
    %add3A_100 = arith.constant 0 : i32
    %add3A_101 = arith.addi %add3A_100, %mul3A_99 : i32
    %mul3A_102 = arith.constant 16 : i32
    %mul3A_103 = arith.muli %add3A_101, %mul3A_102 : i32
    %get3A_104 = arith.index_cast %mul3A_103 : i32 to index
    %get3A_105 = tpu.vector_load %arg6[%get3A_104] {strides = array<i32>} : memref<40000xf32, #tpu.memory_space<vmem>>, vector<16xf32>,
    %get3A_106 = arith.index_cast %mul3A_103 : i32 to index
    %get3A_107 = tpu.vector_load %arg7[%get3A_106] {strides = array<i32>} : memref<40000xf32, #tpu.memory_space<vmem>>, vector<16xf32>,
    %add3A_108 = arith.addf %get3A_105, %get3A_107 : vector<16xf32>
    %mul3A_109 = arith.constant 5.000000e-01 : f32
    %mul3A_110 = vector.broadcast %mul3A_109 : f32 to vector<16xf32>
    %mul3A_111 = arith.mulf %add3A_108, %mul3A_110 : vector<16xf32>
    %swap3A_112 = arith.index_cast %mul3A_103 : i32 to index
    %swap3A_113 = tpu.vector_load %arg6[%swap3A_112] {strides = array<i32>} : memref<40000xf32, #tpu.memory_space<vmem>>, vector<16xf32>,
    tpu.vector_store %arg6[%swap3A_112], %mul3A_111 {strides = array<i32>} : memref<40000xf32, #tpu.memory_space<vmem>>, vector<16xf32>,
    %broadcast_in_dim3A_114 = arith.constant 0.000000e+00 : f32
    %broadcast_in_dim3A_115 = vector.broadcast %broadcast_in_dim3A_114 : f32 to vector<16xf32>
    %swap3A_116 = arith.index_cast %mul3A_103 : i32 to index
    %swap3A_117 = tpu.vector_load %arg7[%swap3A_116] {strides = array<i32>} : memref<40000xf32, #tpu.memory_space<vmem>>, vector<16xf32>,
    tpu.vector_store %arg7[%swap3A_116], %broadcast_in_dim3A_115 {strides = array<i32>} : memref<40000xf32, #tpu.memory_space<vmem>>, vector<16xf32>,
    %scan3A_118 = arith.constant 2498 : i32
    %scan3A_119 = arith.addi %scan3A_71, %scan3A_118 : i32
    %mul3A_120 = arith.constant 1 : i32
    %mul3A_121 = arith.muli %scan3A_119, %mul3A_120 : i32
    %add3A_122 = arith.constant 0 : i32
    %add3A_123 = arith.addi %add3A_122, %mul3A_121 : i32
    %mul3A_124 = arith.constant 16 : i32
    %mul3A_125 = arith.muli %add3A_123, %mul3A_124 : i32
    %get3A_126 = arith.index_cast %mul3A_125 : i32 to index
    %get3A_127 = tpu.vector_load %arg6[%get3A_126] {strides = array<i32>} : memref<40000xf32, #tpu.memory_space<vmem>>, vector<16xf32>,
    %get3A_128 = arith.index_cast %mul3A_125 : i32 to index
    %get3A_129 = tpu.vector_load %arg7[%get3A_128] {strides = array<i32>} : memref<40000xf32, #tpu.memory_space<vmem>>, vector<16xf32>,
    %add3A_130 = arith.addf %get3A_127, %get3A_129 : vector<16xf32>
    %mul3A_131 = arith.constant 5.000000e-01 : f32
    %mul3A_132 = vector.broadcast %mul3A_131 : f32 to vector<16xf32>
    %mul3A_133 = arith.mulf %add3A_130, %mul3A_132 : vector<16xf32>
    %swap3A_134 = arith.index_cast %mul3A_125 : i32 to index
    %swap3A_135 = tpu.vector_load %arg6[%swap3A_134] {strides = array<i32>} : memref<40000xf32, #tpu.memory_space<vmem>>, vector<16xf32>,
    tpu.vector_store %arg6[%swap3A_134], %mul3A_133 {strides = array<i32>} : memref<40000xf32, #tpu.memory_space<vmem>>, vector<16xf32>,
    %broadcast_in_dim3A_136 = arith.constant 0.000000e+00 : f32
    %broadcast_in_dim3A_137 = vector.broadcast %broadcast_in_dim3A_136 : f32 to vector<16xf32>
    %swap3A_138 = arith.index_cast %mul3A_125 : i32 to index
    %swap3A_139 = tpu.vector_load %arg7[%swap3A_138] {strides = array<i32>} : memref<40000xf32, #tpu.memory_space<vmem>>, vector<16xf32>,
    tpu.vector_store %arg7[%swap3A_138], %broadcast_in_dim3A_137 {strides = array<i32>} : memref<40000xf32, #tpu.memory_space<vmem>>, vector<16xf32>,
    %scan3A_140 = arith.constant 2499 : i32
    %scan3A_141 = arith.addi %scan3A_71, %scan3A_140 : i32
    %mul3A_142 = arith.constant 1 : i32
    %mul3A_143 = arith.muli %scan3A_141, %mul3A_142 : i32
    %add3A_144 = arith.constant 0 : i32
    %add3A_145 = arith.addi %add3A_144, %mul3A_143 : i32
    %mul3A_146 = arith.constant 16 : i32
    %mul3A_147 = arith.muli %add3A_145, %mul3A_146 : i32
    %get3A_148 = arith.index_cast %mul3A_147 : i32 to index
    %get3A_149 = tpu.vector_load %arg6[%get3A_148] {strides = array<i32>} : memref<40000xf32, #tpu.memory_space<vmem>>, vector<16xf32>,
    %get3A_150 = arith.index_cast %mul3A_147 : i32 to index
    %get3A_151 = tpu.vector_load %arg7[%get3A_150] {strides = array<i32>} : memref<40000xf32, #tpu.memory_space<vmem>>, vector<16xf32>,
    %add3A_152 = arith.addf %get3A_149, %get3A_151 : vector<16xf32>
    %mul3A_153 = arith.constant 5.000000e-01 : f32
    %mul3A_154 = vector.broadcast %mul3A_153 : f32 to vector<16xf32>
    %mul3A_155 = arith.mulf %add3A_152, %mul3A_154 : vector<16xf32>
    %swap3A_156 = arith.index_cast %mul3A_147 : i32 to index
    %swap3A_157 = tpu.vector_load %arg6[%swap3A_156] {strides = array<i32>} : memref<40000xf32, #tpu.memory_space<vmem>>, vector<16xf32>,
    tpu.vector_store %arg6[%swap3A_156], %mul3A_155 {strides = array<i32>} : memref<40000xf32, #tpu.memory_space<vmem>>, vector<16xf32>,
    %broadcast_in_dim3A_158 = arith.constant 0.000000e+00 : f32
    %broadcast_in_dim3A_159 = vector.broadcast %broadcast_in_dim3A_158 : f32 to vector<16xf32>
    %swap3A_160 = arith.index_cast %mul3A_147 : i32 to index
    %swap3A_161 = tpu.vector_load %arg7[%swap3A_160] {strides = array<i32>} : memref<40000xf32, #tpu.memory_space<vmem>>, vector<16xf32>,
    tpu.vector_store %arg7[%swap3A_160], %broadcast_in_dim3A_159 {strides = array<i32>} : memref<40000xf32, #tpu.memory_space<vmem>>, vector<16xf32>,
    %scan3A_162 = arith.constant 2500 : i32
    %scan3A_163 = arith.constant 0 : i32
    %scan3A_164 = arith.constant 50 : i32
    %scan3A_165 = arith.addi %scan3A_163, %scan3A_164 : i32
    %scan3A_166 = arith.constant 1 : i32
    scf.for %scan3A_245 = %scan3A_163 to %scan3A_165 step %scan3A_166  : i32 {
      %mul3A_246 = arith.constant 2 : i32
      %mul3A_247 = arith.muli %scan3A_245, %mul3A_246 : i32
      %add3A_248 = arith.constant 0 : i32
      %add3A_249 = arith.addi %add3A_248, %mul3A_247 : i32
      %dma_wait3A = arith.constant 0 : i32
      %dma_wait3A_250 = tpu.memref_slice %arg3[%dma_wait3A] : memref<640000xi32, #tpu.memory_space<hbm>> -> memref<6400xi32, #tpu.memory_space<hbm>>
      %dma_wait3A_251 = arith.constant 0 : i32
      %dma_wait3A_252 = tpu.memref_slice %arg3[%dma_wait3A_251] : memref<640000xi32, #tpu.memory_space<hbm>> -> memref<6400xi32, #tpu.memory_space<hbm>>
      tpu.wait_dma2 semaphore(%arg12 : memref<!tpu.dma_semaphore, #tpu.memory_space<semaphore_mem>>) src(%dma_wait3A_252 : memref<6400xi32, #tpu.memory_space<hbm>>) dst(%arg8 : memref<6400xi32, #tpu.memory_space<vmem>>)
      %dma_wait3A_253 = arith.constant 0 : i32
      %dma_wait3A_254 = tpu.memref_slice %arg4[%dma_wait3A_253] : memref<640000xf32, #tpu.memory_space<hbm>> -> memref<6400xf32, #tpu.memory_space<hbm>>
      %dma_wait3A_255 = arith.constant 0 : i32
      %dma_wait3A_256 = tpu.memref_slice %arg4[%dma_wait3A_255] : memref<640000xf32, #tpu.memory_space<hbm>> -> memref<6400xf32, #tpu.memory_space<hbm>>
      tpu.wait_dma2 semaphore(%arg12 : memref<!tpu.dma_semaphore, #tpu.memory_space<semaphore_mem>>) src(%dma_wait3A_256 : memref<6400xf32, #tpu.memory_space<hbm>>) dst(%arg10 : memref<6400xf32, #tpu.memory_space<vmem>>)
      %scan3A_257 = arith.constant 0 : i32
      %scan3A_258 = arith.constant 400 : i32
      %scan3A_259 = arith.addi %scan3A_257, %scan3A_258 : i32
      %scan3A_260 = arith.constant 8 : i32
      scf.for %scan3A_290 = %scan3A_257 to %scan3A_259 step %scan3A_260  : i32 {
        %mul3A_291 = arith.constant 1 : i32
        %mul3A_292 = arith.muli %scan3A_290, %mul3A_291 : i32
        %add3A_293 = arith.constant 0 : i32
        %add3A_294 = arith.addi %add3A_293, %mul3A_292 : i32
        %mul3A_295 = arith.constant 16 : i32
        %mul3A_296 = arith.muli %add3A_294, %mul3A_295 : i32
        %get3A_297 = arith.index_cast %mul3A_296 : i32 to index
        %get3A_298 = tpu.vector_load %arg8[%get3A_297] {strides = array<i32>} : memref<6400xi32, #tpu.memory_space<vmem>>, vector<16xi32>,
        %mul3A_299 = arith.constant 16 : i32
        %mul3A_300 = arith.muli %add3A_294, %mul3A_299 : i32
        %get3A_301 = arith.index_cast %mul3A_300 : i32 to index
        %get3A_302 = tpu.vector_load %arg10[%get3A_301] {strides = array<i32>} : memref<6400xf32, #tpu.memory_space<vmem>>, vector<16xf32>,
        %and3A = arith.constant 65535 : i32
        %and3A_303 = vector.broadcast %and3A : i32 to vector<16xi32>
        %and3A_304 = arith.andi %get3A_298, %and3A_303 : vector<16xi32>
        %shift_right_logical3A = arith.constant 16 : i32
        %shift_right_logical3A_305 = vector.broadcast %shift_right_logical3A : i32 to vector<16xi32>
        %shift_right_logical3A_306 = arith.shrui %get3A_298, %shift_right_logical3A_305 : vector<16xi32>
        %add3A_307 = arith.constant 0 : i32
        %add3A_308 = vector.broadcast %add3A_307 : i32 to vector<16xi32>
        %add3A_309 = arith.addi %shift_right_logical3A_306, %add3A_308 : vector<16xi32>
        %gather3A = tpu.vector_load_idx %arg6[%add3A_309] : memref<40000xf32, #tpu.memory_space<vmem>>[vector<16xi32>], vector<16xf32>,
        %add3A_310 = arith.constant 0 : i32
        %add3A_311 = vector.broadcast %add3A_310 : i32 to vector<16xi32>
        %add3A_312 = arith.addi %and3A_304, %add3A_311 : vector<16xi32>
        %mul3A_313 = arith.mulf %gather3A, %get3A_302 : vector<16xf32>
        tpu.vector_store_idx %arg7[%add3A_312], %mul3A_313 {add = true} : memref<40000xf32, #tpu.memory_space<vmem>>[vector<16xi32>], vector<16xf32>,
        %add3A_314 = arith.constant 1 : i32
        %add3A_315 = vector.broadcast %add3A_314 : i32 to vector<16xi32>
        %add3A_316 = arith.addi %shift_right_logical3A_306, %add3A_315 : vector<16xi32>
        %gather3A_317 = tpu.vector_load_idx %arg6[%add3A_316] : memref<40000xf32, #tpu.memory_space<vmem>>[vector<16xi32>], vector<16xf32>,
        %add3A_318 = arith.constant 1 : i32
        %add3A_319 = vector.broadcast %add3A_318 : i32 to vector<16xi32>
        %add3A_320 = arith.addi %and3A_304, %add3A_319 : vector<16xi32>
        %mul3A_321 = arith.mulf %gather3A_317, %get3A_302 : vector<16xf32>
        tpu.vector_store_idx %arg7[%add3A_320], %mul3A_321 {add = true} : memref<40000xf32, #tpu.memory_space<vmem>>[vector<16xi32>], vector<16xf32>,
        %add3A_322 = arith.constant 2 : i32
        %add3A_323 = vector.broadcast %add3A_322 : i32 to vector<16xi32>
        %add3A_324 = arith.addi %shift_right_logical3A_306, %add3A_323 : vector<16xi32>
        %gather3A_325 = tpu.vector_load_idx %arg6[%add3A_324] : memref<40000xf32, #tpu.memory_space<vmem>>[vector<16xi32>], vector<16xf32>,
        %add3A_326 = arith.constant 2 : i32
        %add3A_327 = vector.broadcast %add3A_326 : i32 to vector<16xi32>
        %add3A_328 = arith.addi %and3A_304, %add3A_327 : vector<16xi32>
        %mul3A_329 = arith.mulf %gather3A_325, %get3A_302 : vector<16xf32>
        tpu.vector_store_idx %arg7[%add3A_328], %mul3A_329 {add = true} : memref<40000xf32, #tpu.memory_space<vmem>>[vector<16xi32>], vector<16xf32>,
        %add3A_330 = arith.constant 3 : i32
        %add3A_331 = vector.broadcast %add3A_330 : i32 to vector<16xi32>
        %add3A_332 = arith.addi %shift_right_logical3A_306, %add3A_331 : vector<16xi32>
        %gather3A_333 = tpu.vector_load_idx %arg6[%add3A_332] : memref<40000xf32, #tpu.memory_space<vmem>>[vector<16xi32>], vector<16xf32>,
        %add3A_334 = arith.constant 3 : i32
        %add3A_335 = vector.broadcast %add3A_334 : i32 to vector<16xi32>
        %add3A_336 = arith.addi %and3A_304, %add3A_335 : vector<16xi32>
        %mul3A_337 = arith.mulf %gather3A_333, %get3A_302 : vector<16xf32>
        tpu.vector_store_idx %arg7[%add3A_336], %mul3A_337 {add = true} : memref<40000xf32, #tpu.memory_space<vmem>>[vector<16xi32>], vector<16xf32>,
        %scan3A_338 = arith.constant 1 : i32
        %scan3A_339 = arith.addi %scan3A_290, %scan3A_338 : i32
        %mul3A_340 = arith.constant 1 : i32
        %mul3A_341 = arith.muli %scan3A_339, %mul3A_340 : i32
        %add3A_342 = arith.constant 0 : i32
        %add3A_343 = arith.addi %add3A_342, %mul3A_341 : i32
        %mul3A_344 = arith.constant 16 : i32
        %mul3A_345 = arith.muli %add3A_343, %mul3A_344 : i32
        %get3A_346 = arith.index_cast %mul3A_345 : i32 to index
        %get3A_347 = tpu.vector_load %arg8[%get3A_346] {strides = array<i32>} : memref<6400xi32, #tpu.memory_space<vmem>>, vector<16xi32>,
        %mul3A_348 = arith.constant 16 : i32
        %mul3A_349 = arith.muli %add3A_343, %mul3A_348 : i32
        %get3A_350 = arith.index_cast %mul3A_349 : i32 to index
        %get3A_351 = tpu.vector_load %arg10[%get3A_350] {strides = array<i32>} : memref<6400xf32, #tpu.memory_space<vmem>>, vector<16xf32>,
        %and3A_352 = arith.constant 65535 : i32
        %and3A_353 = vector.broadcast %and3A_352 : i32 to vector<16xi32>
        %and3A_354 = arith.andi %get3A_347, %and3A_353 : vector<16xi32>
        %shift_right_logical3A_355 = arith.constant 16 : i32
        %shift_right_logical3A_356 = vector.broadcast %shift_right_logical3A_355 : i32 to vector<16xi32>
        %shift_right_logical3A_357 = arith.shrui %get3A_347, %shift_right_logical3A_356 : vector<16xi32>
        %add3A_358 = arith.constant 0 : i32
        %add3A_359 = vector.broadcast %add3A_358 : i32 to vector<16xi32>
        %add3A_360 = arith.addi %shift_right_logical3A_357, %add3A_359 : vector<16xi32>
        %gather3A_361 = tpu.vector_load_idx %arg6[%add3A_360] : memref<40000xf32, #tpu.memory_space<vmem>>[vector<16xi32>], vector<16xf32>,
        %add3A_362 = arith.constant 0 : i32
        %add3A_363 = vector.broadcast %add3A_362 : i32 to vector<16xi32>
        %add3A_364 = arith.addi %and3A_354, %add3A_363 : vector<16xi32>
        %mul3A_365 = arith.mulf %gather3A_361, %get3A_351 : vector<16xf32>
        tpu.vector_store_idx %arg7[%add3A_364], %mul3A_365 {add = true} : memref<40000xf32, #tpu.memory_space<vmem>>[vector<16xi32>], vector<16xf32>,
        %add3A_366 = arith.constant 1 : i32
        %add3A_367 = vector.broadcast %add3A_366 : i32 to vector<16xi32>
        %add3A_368 = arith.addi %shift_right_logical3A_357, %add3A_367 : vector<16xi32>
        %gather3A_369 = tpu.vector_load_idx %arg6[%add3A_368] : memref<40000xf32, #tpu.memory_space<vmem>>[vector<16xi32>], vector<16xf32>,
        %add3A_370 = arith.constant 1 : i32
        %add3A_371 = vector.broadcast %add3A_370 : i32 to vector<16xi32>
        %add3A_372 = arith.addi %and3A_354, %add3A_371 : vector<16xi32>
        %mul3A_373 = arith.mulf %gather3A_369, %get3A_351 : vector<16xf32>
        tpu.vector_store_idx %arg7[%add3A_372], %mul3A_373 {add = true} : memref<40000xf32, #tpu.memory_space<vmem>>[vector<16xi32>], vector<16xf32>,
        %add3A_374 = arith.constant 2 : i32
        %add3A_375 = vector.broadcast %add3A_374 : i32 to vector<16xi32>
        %add3A_376 = arith.addi %shift_right_logical3A_357, %add3A_375 : vector<16xi32>
        %gather3A_377 = tpu.vector_load_idx %arg6[%add3A_376] : memref<40000xf32, #tpu.memory_space<vmem>>[vector<16xi32>], vector<16xf32>,
        %add3A_378 = arith.constant 2 : i32
        %add3A_379 = vector.broadcast %add3A_378 : i32 to vector<16xi32>
        %add3A_380 = arith.addi %and3A_354, %add3A_379 : vector<16xi32>
        %mul3A_381 = arith.mulf %gather3A_377, %get3A_351 : vector<16xf32>
        tpu.vector_store_idx %arg7[%add3A_380], %mul3A_381 {add = true} : memref<40000xf32, #tpu.memory_space<vmem>>[vector<16xi32>], vector<16xf32>,
        %add3A_382 = arith.constant 3 : i32
        %add3A_383 = vector.broadcast %add3A_382 : i32 to vector<16xi32>
        %add3A_384 = arith.addi %shift_right_logical3A_357, %add3A_383 : vector<16xi32>
        %gather3A_385 = tpu.vector_load_idx %arg6[%add3A_384] : memref<40000xf32, #tpu.memory_space<vmem>>[vector<16xi32>], vector<16xf32>,
        %add3A_386 = arith.constant 3 : i32
        %add3A_387 = vector.broadcast %add3A_386 : i32 to vector<16xi32>
        %add3A_388 = arith.addi %and3A_354, %add3A_387 : vector<16xi32>
        %mul3A_389 = arith.mulf %gather3A_385, %get3A_351 : vector<16xf32>
        tpu.vector_store_idx %arg7[%add3A_388], %mul3A_389 {add = true} : memref<40000xf32, #tpu.memory_space<vmem>>[vector<16xi32>], vector<16xf32>,
        %scan3A_390 = arith.constant 2 : i32
        %scan3A_391 = arith.addi %scan3A_290, %scan3A_390 : i32
        %mul3A_392 = arith.constant 1 : i32
        %mul3A_393 = arith.muli %scan3A_391, %mul3A_392 : i32
        %add3A_394 = arith.constant 0 : i32
        %add3A_395 = arith.addi %add3A_394, %mul3A_393 : i32
        %mul3A_396 = arith.constant 16 : i32
        %mul3A_397 = arith.muli %add3A_395, %mul3A_396 : i32
        %get3A_398 = arith.index_cast %mul3A_397 : i32 to index
        %get3A_399 = tpu.vector_load %arg8[%get3A_398] {strides = array<i32>} : memref<6400xi32, #tpu.memory_space<vmem>>, vector<16xi32>,
        %mul3A_400 = arith.constant 16 : i32
        %mul3A_401 = arith.muli %add3A_395, %mul3A_400 : i32
        %get3A_402 = arith.index_cast %mul3A_401 : i32 to index
        %get3A_403 = tpu.vector_load %arg10[%get3A_402] {strides = array<i32>} : memref<6400xf32, #tpu.memory_space<vmem>>, vector<16xf32>,
        %and3A_404 = arith.constant 65535 : i32
        %and3A_405 = vector.broadcast %and3A_404 : i32 to vector<16xi32>
        %and3A_406 = arith.andi %get3A_399, %and3A_405 : vector<16xi32>
        %shift_right_logical3A_407 = arith.constant 16 : i32
        %shift_right_logical3A_408 = vector.broadcast %shift_right_logical3A_407 : i32 to vector<16xi32>
        %shift_right_logical3A_409 = arith.shrui %get3A_399, %shift_right_logical3A_408 : vector<16xi32>
        %add3A_410 = arith.constant 0 : i32
        %add3A_411 = vector.broadcast %add3A_410 : i32 to vector<16xi32>
        %add3A_412 = arith.addi %shift_right_logical3A_409, %add3A_411 : vector<16xi32>
        %gather3A_413 = tpu.vector_load_idx %arg6[%add3A_412] : memref<40000xf32, #tpu.memory_space<vmem>>[vector<16xi32>], vector<16xf32>,
        %add3A_414 = arith.constant 0 : i32
        %add3A_415 = vector.broadcast %add3A_414 : i32 to vector<16xi32>
        %add3A_416 = arith.addi %and3A_406, %add3A_415 : vector<16xi32>
        %mul3A_417 = arith.mulf %gather3A_413, %get3A_403 : vector<16xf32>
        tpu.vector_store_idx %arg7[%add3A_416], %mul3A_417 {add = true} : memref<40000xf32, #tpu.memory_space<vmem>>[vector<16xi32>], vector<16xf32>,
        %add3A_418 = arith.constant 1 : i32
        %add3A_419 = vector.broadcast %add3A_418 : i32 to vector<16xi32>
        %add3A_420 = arith.addi %shift_right_logical3A_409, %add3A_419 : vector<16xi32>
        %gather3A_421 = tpu.vector_load_idx %arg6[%add3A_420] : memref<40000xf32, #tpu.memory_space<vmem>>[vector<16xi32>], vector<16xf32>,
        %add3A_422 = arith.constant 1 : i32
        %add3A_423 = vector.broadcast %add3A_422 : i32 to vector<16xi32>
        %add3A_424 = arith.addi %and3A_406, %add3A_423 : vector<16xi32>
        %mul3A_425 = arith.mulf %gather3A_421, %get3A_403 : vector<16xf32>
        tpu.vector_store_idx %arg7[%add3A_424], %mul3A_425 {add = true} : memref<40000xf32, #tpu.memory_space<vmem>>[vector<16xi32>], vector<16xf32>,
        %add3A_426 = arith.constant 2 : i32
        %add3A_427 = vector.broadcast %add3A_426 : i32 to vector<16xi32>
        %add3A_428 = arith.addi %shift_right_logical3A_409, %add3A_427 : vector<16xi32>
        %gather3A_429 = tpu.vector_load_idx %arg6[%add3A_428] : memref<40000xf32, #tpu.memory_space<vmem>>[vector<16xi32>], vector<16xf32>,
        %add3A_430 = arith.constant 2 : i32
        %add3A_431 = vector.broadcast %add3A_430 : i32 to vector<16xi32>
        %add3A_432 = arith.addi %and3A_406, %add3A_431 : vector<16xi32>
        %mul3A_433 = arith.mulf %gather3A_429, %get3A_403 : vector<16xf32>
        tpu.vector_store_idx %arg7[%add3A_432], %mul3A_433 {add = true} : memref<40000xf32, #tpu.memory_space<vmem>>[vector<16xi32>], vector<16xf32>,
        %add3A_434 = arith.constant 3 : i32
        %add3A_435 = vector.broadcast %add3A_434 : i32 to vector<16xi32>
        %add3A_436 = arith.addi %shift_right_logical3A_409, %add3A_435 : vector<16xi32>
        %gather3A_437 = tpu.vector_load_idx %arg6[%add3A_436] : memref<40000xf32, #tpu.memory_space<vmem>>[vector<16xi32>], vector<16xf32>,
        %add3A_438 = arith.constant 3 : i32
        %add3A_439 = vector.broadcast %add3A_438 : i32 to vector<16xi32>
        %add3A_440 = arith.addi %and3A_406, %add3A_439 : vector<16xi32>
        %mul3A_441 = arith.mulf %gather3A_437, %get3A_403 : vector<16xf32>
        tpu.vector_store_idx %arg7[%add3A_440], %mul3A_441 {add = true} : memref<40000xf32, #tpu.memory_space<vmem>>[vector<16xi32>], vector<16xf32>,
        %scan3A_442 = arith.constant 3 : i32
        %scan3A_443 = arith.addi %scan3A_290, %scan3A_442 : i32
        %mul3A_444 = arith.constant 1 : i32
        %mul3A_445 = arith.muli %scan3A_443, %mul3A_444 : i32
        %add3A_446 = arith.constant 0 : i32
        %add3A_447 = arith.addi %add3A_446, %mul3A_445 : i32
        %mul3A_448 = arith.constant 16 : i32
        %mul3A_449 = arith.muli %add3A_447, %mul3A_448 : i32
        %get3A_450 = arith.index_cast %mul3A_449 : i32 to index
        %get3A_451 = tpu.vector_load %arg8[%get3A_450] {strides = array<i32>} : memref<6400xi32, #tpu.memory_space<vmem>>, vector<16xi32>,
        %mul3A_452 = arith.constant 16 : i32
        %mul3A_453 = arith.muli %add3A_447, %mul3A_452 : i32
        %get3A_454 = arith.index_cast %mul3A_453 : i32 to index
        %get3A_455 = tpu.vector_load %arg10[%get3A_454] {strides = array<i32>} : memref<6400xf32, #tpu.memory_space<vmem>>, vector<16xf32>,
        %and3A_456 = arith.constant 65535 : i32
        %and3A_457 = vector.broadcast %and3A_456 : i32 to vector<16xi32>
        %and3A_458 = arith.andi %get3A_451, %and3A_457 : vector<16xi32>
        %shift_right_logical3A_459 = arith.constant 16 : i32
        %shift_right_logical3A_460 = vector.broadcast %shift_right_logical3A_459 : i32 to vector<16xi32>
        %shift_right_logical3A_461 = arith.shrui %get3A_451, %shift_right_logical3A_460 : vector<16xi32>
        %add3A_462 = arith.constant 0 : i32
        %add3A_463 = vector.broadcast %add3A_462 : i32 to vector<16xi32>
        %add3A_464 = arith.addi %shift_right_logical3A_461, %add3A_463 : vector<16xi32>
        %gather3A_465 = tpu.vector_load_idx %arg6[%add3A_464] : memref<40000xf32, #tpu.memory_space<vmem>>[vector<16xi32>], vector<16xf32>,
        %add3A_466 = arith.constant 0 : i32
        %add3A_467 = vector.broadcast %add3A_466 : i32 to vector<16xi32>
        %add3A_468 = arith.addi %and3A_458, %add3A_467 : vector<16xi32>
        %mul3A_469 = arith.mulf %gather3A_465, %get3A_455 : vector<16xf32>
        tpu.vector_store_idx %arg7[%add3A_468], %mul3A_469 {add = true} : memref<40000xf32, #tpu.memory_space<vmem>>[vector<16xi32>], vector<16xf32>,
        %add3A_470 = arith.constant 1 : i32
        %add3A_471 = vector.broadcast %add3A_470 : i32 to vector<16xi32>
        %add3A_472 = arith.addi %shift_right_logical3A_461, %add3A_471 : vector<16xi32>
        %gather3A_473 = tpu.vector_load_idx %arg6[%add3A_472] : memref<40000xf32, #tpu.memory_space<vmem>>[vector<16xi32>], vector<16xf32>,
        %add3A_474 = arith.constant 1 : i32
        %add3A_475 = vector.broadcast %add3A_474 : i32 to vector<16xi32>
        %add3A_476 = arith.addi %and3A_458, %add3A_475 : vector<16xi32>
        %mul3A_477 = arith.mulf %gather3A_473, %get3A_455 : vector<16xf32>
        tpu.vector_store_idx %arg7[%add3A_476], %mul3A_477 {add = true} : memref<40000xf32, #tpu.memory_space<vmem>>[vector<16xi32>], vector<16xf32>,
        %add3A_478 = arith.constant 2 : i32
        %add3A_479 = vector.broadcast %add3A_478 : i32 to vector<16xi32>
        %add3A_480 = arith.addi %shift_right_logical3A_461, %add3A_479 : vector<16xi32>
        %gather3A_481 = tpu.vector_load_idx %arg6[%add3A_480] : memref<40000xf32, #tpu.memory_space<vmem>>[vector<16xi32>], vector<16xf32>,
        %add3A_482 = arith.constant 2 : i32
        %add3A_483 = vector.broadcast %add3A_482 : i32 to vector<16xi32>
        %add3A_484 = arith.addi %and3A_458, %add3A_483 : vector<16xi32>
        %mul3A_485 = arith.mulf %gather3A_481, %get3A_455 : vector<16xf32>
        tpu.vector_store_idx %arg7[%add3A_484], %mul3A_485 {add = true} : memref<40000xf32, #tpu.memory_space<vmem>>[vector<16xi32>], vector<16xf32>,
        %add3A_486 = arith.constant 3 : i32
        %add3A_487 = vector.broadcast %add3A_486 : i32 to vector<16xi32>
        %add3A_488 = arith.addi %shift_right_logical3A_461, %add3A_487 : vector<16xi32>
        %gather3A_489 = tpu.vector_load_idx %arg6[%add3A_488] : memref<40000xf32, #tpu.memory_space<vmem>>[vector<16xi32>], vector<16xf32>,
        %add3A_490 = arith.constant 3 : i32
        %add3A_491 = vector.broadcast %add3A_490 : i32 to vector<16xi32>
        %add3A_492 = arith.addi %and3A_458, %add3A_491 : vector<16xi32>
        %mul3A_493 = arith.mulf %gather3A_489, %get3A_455 : vector<16xf32>
        tpu.vector_store_idx %arg7[%add3A_492], %mul3A_493 {add = true} : memref<40000xf32, #tpu.memory_space<vmem>>[vector<16xi32>], vector<16xf32>,
        %scan3A_494 = arith.constant 4 : i32
        %scan3A_495 = arith.addi %scan3A_290, %scan3A_494 : i32
        %mul3A_496 = arith.constant 1 : i32
        %mul3A_497 = arith.muli %scan3A_495, %mul3A_496 : i32
        %add3A_498 = arith.constant 0 : i32
        %add3A_499 = arith.addi %add3A_498, %mul3A_497 : i32
        %mul3A_500 = arith.constant 16 : i32
        %mul3A_501 = arith.muli %add3A_499, %mul3A_500 : i32
        %get3A_502 = arith.index_cast %mul3A_501 : i32 to index
        %get3A_503 = tpu.vector_load %arg8[%get3A_502] {strides = array<i32>} : memref<6400xi32, #tpu.memory_space<vmem>>, vector<16xi32>,
        %mul3A_504 = arith.constant 16 : i32
        %mul3A_505 = arith.muli %add3A_499, %mul3A_504 : i32
        %get3A_506 = arith.index_cast %mul3A_505 : i32 to index
        %get3A_507 = tpu.vector_load %arg10[%get3A_506] {strides = array<i32>} : memref<6400xf32, #tpu.memory_space<vmem>>, vector<16xf32>,
        %and3A_508 = arith.constant 65535 : i32
        %and3A_509 = vector.broadcast %and3A_508 : i32 to vector<16xi32>
        %and3A_510 = arith.andi %get3A_503, %and3A_509 : vector<16xi32>
        %shift_right_logical3A_511 = arith.constant 16 : i32
        %shift_right_logical3A_512 = vector.broadcast %shift_right_logical3A_511 : i32 to vector<16xi32>
        %shift_right_logical3A_513 = arith.shrui %get3A_503, %shift_right_logical3A_512 : vector<16xi32>
        %add3A_514 = arith.constant 0 : i32
        %add3A_515 = vector.broadcast %add3A_514 : i32 to vector<16xi32>
        %add3A_516 = arith.addi %shift_right_logical3A_513, %add3A_515 : vector<16xi32>
        %gather3A_517 = tpu.vector_load_idx %arg6[%add3A_516] : memref<40000xf32, #tpu.memory_space<vmem>>[vector<16xi32>], vector<16xf32>,
        %add3A_518 = arith.constant 0 : i32
        %add3A_519 = vector.broadcast %add3A_518 : i32 to vector<16xi32>
        %add3A_520 = arith.addi %and3A_510, %add3A_519 : vector<16xi32>
        %mul3A_521 = arith.mulf %gather3A_517, %get3A_507 : vector<16xf32>
        tpu.vector_store_idx %arg7[%add3A_520], %mul3A_521 {add = true} : memref<40000xf32, #tpu.memory_space<vmem>>[vector<16xi32>], vector<16xf32>,
        %add3A_522 = arith.constant 1 : i32
        %add3A_523 = vector.broadcast %add3A_522 : i32 to vector<16xi32>
        %add3A_524 = arith.addi %shift_right_logical3A_513, %add3A_523 : vector<16xi32>
        %gather3A_525 = tpu.vector_load_idx %arg6[%add3A_524] : memref<40000xf32, #tpu.memory_space<vmem>>[vector<16xi32>], vector<16xf32>,
        %add3A_526 = arith.constant 1 : i32
        %add3A_527 = vector.broadcast %add3A_526 : i32 to vector<16xi32>
        %add3A_528 = arith.addi %and3A_510, %add3A_527 : vector<16xi32>
        %mul3A_529 = arith.mulf %gather3A_525, %get3A_507 : vector<16xf32>
        tpu.vector_store_idx %arg7[%add3A_528], %mul3A_529 {add = true} : memref<40000xf32, #tpu.memory_space<vmem>>[vector<16xi32>], vector<16xf32>,
        %add3A_530 = arith.constant 2 : i32
        %add3A_531 = vector.broadcast %add3A_530 : i32 to vector<16xi32>
        %add3A_532 = arith.addi %shift_right_logical3A_513, %add3A_531 : vector<16xi32>
        %gather3A_533 = tpu.vector_load_idx %arg6[%add3A_532] : memref<40000xf32, #tpu.memory_space<vmem>>[vector<16xi32>], vector<16xf32>,
        %add3A_534 = arith.constant 2 : i32
        %add3A_535 = vector.broadcast %add3A_534 : i32 to vector<16xi32>
        %add3A_536 = arith.addi %and3A_510, %add3A_535 : vector<16xi32>
        %mul3A_537 = arith.mulf %gather3A_533, %get3A_507 : vector<16xf32>
        tpu.vector_store_idx %arg7[%add3A_536], %mul3A_537 {add = true} : memref<40000xf32, #tpu.memory_space<vmem>>[vector<16xi32>], vector<16xf32>,
        %add3A_538 = arith.constant 3 : i32
        %add3A_539 = vector.broadcast %add3A_538 : i32 to vector<16xi32>
        %add3A_540 = arith.addi %shift_right_logical3A_513, %add3A_539 : vector<16xi32>
        %gather3A_541 = tpu.vector_load_idx %arg6[%add3A_540] : memref<40000xf32, #tpu.memory_space<vmem>>[vector<16xi32>], vector<16xf32>,
        %add3A_542 = arith.constant 3 : i32
        %add3A_543 = vector.broadcast %add3A_542 : i32 to vector<16xi32>
        %add3A_544 = arith.addi %and3A_510, %add3A_543 : vector<16xi32>
        %mul3A_545 = arith.mulf %gather3A_541, %get3A_507 : vector<16xf32>
        tpu.vector_store_idx %arg7[%add3A_544], %mul3A_545 {add = true} : memref<40000xf32, #tpu.memory_space<vmem>>[vector<16xi32>], vector<16xf32>,
        %scan3A_546 = arith.constant 5 : i32
        %scan3A_547 = arith.addi %scan3A_290, %scan3A_546 : i32
        %mul3A_548 = arith.constant 1 : i32
        %mul3A_549 = arith.muli %scan3A_547, %mul3A_548 : i32
        %add3A_550 = arith.constant 0 : i32
        %add3A_551 = arith.addi %add3A_550, %mul3A_549 : i32
        %mul3A_552 = arith.constant 16 : i32
        %mul3A_553 = arith.muli %add3A_551, %mul3A_552 : i32
        %get3A_554 = arith.index_cast %mul3A_553 : i32 to index
        %get3A_555 = tpu.vector_load %arg8[%get3A_554] {strides = array<i32>} : memref<6400xi32, #tpu.memory_space<vmem>>, vector<16xi32>,
        %mul3A_556 = arith.constant 16 : i32
        %mul3A_557 = arith.muli %add3A_551, %mul3A_556 : i32
        %get3A_558 = arith.index_cast %mul3A_557 : i32 to index
        %get3A_559 = tpu.vector_load %arg10[%get3A_558] {strides = array<i32>} : memref<6400xf32, #tpu.memory_space<vmem>>, vector<16xf32>,
        %and3A_560 = arith.constant 65535 : i32
        %and3A_561 = vector.broadcast %and3A_560 : i32 to vector<16xi32>
        %and3A_562 = arith.andi %get3A_555, %and3A_561 : vector<16xi32>
        %shift_right_logical3A_563 = arith.constant 16 : i32
        %shift_right_logical3A_564 = vector.broadcast %shift_right_logical3A_563 : i32 to vector<16xi32>
        %shift_right_logical3A_565 = arith.shrui %get3A_555, %shift_right_logical3A_564 : vector<16xi32>
        %add3A_566 = arith.constant 0 : i32
        %add3A_567 = vector.broadcast %add3A_566 : i32 to vector<16xi32>
        %add3A_568 = arith.addi %shift_right_logical3A_565, %add3A_567 : vector<16xi32>
        %gather3A_569 = tpu.vector_load_idx %arg6[%add3A_568] : memref<40000xf32, #tpu.memory_space<vmem>>[vector<16xi32>], vector<16xf32>,
        %add3A_570 = arith.constant 0 : i32
        %add3A_571 = vector.broadcast %add3A_570 : i32 to vector<16xi32>
        %add3A_572 = arith.addi %and3A_562, %add3A_571 : vector<16xi32>
        %mul3A_573 = arith.mulf %gather3A_569, %get3A_559 : vector<16xf32>
        tpu.vector_store_idx %arg7[%add3A_572], %mul3A_573 {add = true} : memref<40000xf32, #tpu.memory_space<vmem>>[vector<16xi32>], vector<16xf32>,
        %add3A_574 = arith.constant 1 : i32
        %add3A_575 = vector.broadcast %add3A_574 : i32 to vector<16xi32>
        %add3A_576 = arith.addi %shift_right_logical3A_565, %add3A_575 : vector<16xi32>
        %gather3A_577 = tpu.vector_load_idx %arg6[%add3A_576] : memref<40000xf32, #tpu.memory_space<vmem>>[vector<16xi32>], vector<16xf32>,
        %add3A_578 = arith.constant 1 : i32
        %add3A_579 = vector.broadcast %add3A_578 : i32 to vector<16xi32>
        %add3A_580 = arith.addi %and3A_562, %add3A_579 : vector<16xi32>
        %mul3A_581 = arith.mulf %gather3A_577, %get3A_559 : vector<16xf32>
        tpu.vector_store_idx %arg7[%add3A_580], %mul3A_581 {add = true} : memref<40000xf32, #tpu.memory_space<vmem>>[vector<16xi32>], vector<16xf32>,
        %add3A_582 = arith.constant 2 : i32
        %add3A_583 = vector.broadcast %add3A_582 : i32 to vector<16xi32>
        %add3A_584 = arith.addi %shift_right_logical3A_565, %add3A_583 : vector<16xi32>
        %gather3A_585 = tpu.vector_load_idx %arg6[%add3A_584] : memref<40000xf32, #tpu.memory_space<vmem>>[vector<16xi32>], vector<16xf32>,
        %add3A_586 = arith.constant 2 : i32
        %add3A_587 = vector.broadcast %add3A_586 : i32 to vector<16xi32>
        %add3A_588 = arith.addi %and3A_562, %add3A_587 : vector<16xi32>
        %mul3A_589 = arith.mulf %gather3A_585, %get3A_559 : vector<16xf32>
        tpu.vector_store_idx %arg7[%add3A_588], %mul3A_589 {add = true} : memref<40000xf32, #tpu.memory_space<vmem>>[vector<16xi32>], vector<16xf32>,
        %add3A_590 = arith.constant 3 : i32
        %add3A_591 = vector.broadcast %add3A_590 : i32 to vector<16xi32>
        %add3A_592 = arith.addi %shift_right_logical3A_565, %add3A_591 : vector<16xi32>
        %gather3A_593 = tpu.vector_load_idx %arg6[%add3A_592] : memref<40000xf32, #tpu.memory_space<vmem>>[vector<16xi32>], vector<16xf32>,
        %add3A_594 = arith.constant 3 : i32
        %add3A_595 = vector.broadcast %add3A_594 : i32 to vector<16xi32>
        %add3A_596 = arith.addi %and3A_562, %add3A_595 : vector<16xi32>
        %mul3A_597 = arith.mulf %gather3A_593, %get3A_559 : vector<16xf32>
        tpu.vector_store_idx %arg7[%add3A_596], %mul3A_597 {add = true} : memref<40000xf32, #tpu.memory_space<vmem>>[vector<16xi32>], vector<16xf32>,
        %scan3A_598 = arith.constant 6 : i32
        %scan3A_599 = arith.addi %scan3A_290, %scan3A_598 : i32
        %mul3A_600 = arith.constant 1 : i32
        %mul3A_601 = arith.muli %scan3A_599, %mul3A_600 : i32
        %add3A_602 = arith.constant 0 : i32
        %add3A_603 = arith.addi %add3A_602, %mul3A_601 : i32
        %mul3A_604 = arith.constant 16 : i32
        %mul3A_605 = arith.muli %add3A_603, %mul3A_604 : i32
        %get3A_606 = arith.index_cast %mul3A_605 : i32 to index
        %get3A_607 = tpu.vector_load %arg8[%get3A_606] {strides = array<i32>} : memref<6400xi32, #tpu.memory_space<vmem>>, vector<16xi32>,
        %mul3A_608 = arith.constant 16 : i32
        %mul3A_609 = arith.muli %add3A_603, %mul3A_608 : i32
        %get3A_610 = arith.index_cast %mul3A_609 : i32 to index
        %get3A_611 = tpu.vector_load %arg10[%get3A_610] {strides = array<i32>} : memref<6400xf32, #tpu.memory_space<vmem>>, vector<16xf32>,
        %and3A_612 = arith.constant 65535 : i32
        %and3A_613 = vector.broadcast %and3A_612 : i32 to vector<16xi32>
        %and3A_614 = arith.andi %get3A_607, %and3A_613 : vector<16xi32>
        %shift_right_logical3A_615 = arith.constant 16 : i32
        %shift_right_logical3A_616 = vector.broadcast %shift_right_logical3A_615 : i32 to vector<16xi32>
        %shift_right_logical3A_617 = arith.shrui %get3A_607, %shift_right_logical3A_616 : vector<16xi32>
        %add3A_618 = arith.constant 0 : i32
        %add3A_619 = vector.broadcast %add3A_618 : i32 to vector<16xi32>
        %add3A_620 = arith.addi %shift_right_logical3A_617, %add3A_619 : vector<16xi32>
        %gather3A_621 = tpu.vector_load_idx %arg6[%add3A_620] : memref<40000xf32, #tpu.memory_space<vmem>>[vector<16xi32>], vector<16xf32>,
        %add3A_622 = arith.constant 0 : i32
        %add3A_623 = vector.broadcast %add3A_622 : i32 to vector<16xi32>
        %add3A_624 = arith.addi %and3A_614, %add3A_623 : vector<16xi32>
        %mul3A_625 = arith.mulf %gather3A_621, %get3A_611 : vector<16xf32>
        tpu.vector_store_idx %arg7[%add3A_624], %mul3A_625 {add = true} : memref<40000xf32, #tpu.memory_space<vmem>>[vector<16xi32>], vector<16xf32>,
        %add3A_626 = arith.constant 1 : i32
        %add3A_627 = vector.broadcast %add3A_626 : i32 to vector<16xi32>
        %add3A_628 = arith.addi %shift_right_logical3A_617, %add3A_627 : vector<16xi32>
        %gather3A_629 = tpu.vector_load_idx %arg6[%add3A_628] : memref<40000xf32, #tpu.memory_space<vmem>>[vector<16xi32>], vector<16xf32>,
        %add3A_630 = arith.constant 1 : i32
        %add3A_631 = vector.broadcast %add3A_630 : i32 to vector<16xi32>
        %add3A_632 = arith.addi %and3A_614, %add3A_631 : vector<16xi32>
        %mul3A_633 = arith.mulf %gather3A_629, %get3A_611 : vector<16xf32>
        tpu.vector_store_idx %arg7[%add3A_632], %mul3A_633 {add = true} : memref<40000xf32, #tpu.memory_space<vmem>>[vector<16xi32>], vector<16xf32>,
        %add3A_634 = arith.constant 2 : i32
        %add3A_635 = vector.broadcast %add3A_634 : i32 to vector<16xi32>
        %add3A_636 = arith.addi %shift_right_logical3A_617, %add3A_635 : vector<16xi32>
        %gather3A_637 = tpu.vector_load_idx %arg6[%add3A_636] : memref<40000xf32, #tpu.memory_space<vmem>>[vector<16xi32>], vector<16xf32>,
        %add3A_638 = arith.constant 2 : i32
        %add3A_639 = vector.broadcast %add3A_638 : i32 to vector<16xi32>
        %add3A_640 = arith.addi %and3A_614, %add3A_639 : vector<16xi32>
        %mul3A_641 = arith.mulf %gather3A_637, %get3A_611 : vector<16xf32>
        tpu.vector_store_idx %arg7[%add3A_640], %mul3A_641 {add = true} : memref<40000xf32, #tpu.memory_space<vmem>>[vector<16xi32>], vector<16xf32>,
        %add3A_642 = arith.constant 3 : i32
        %add3A_643 = vector.broadcast %add3A_642 : i32 to vector<16xi32>
        %add3A_644 = arith.addi %shift_right_logical3A_617, %add3A_643 : vector<16xi32>
        %gather3A_645 = tpu.vector_load_idx %arg6[%add3A_644] : memref<40000xf32, #tpu.memory_space<vmem>>[vector<16xi32>], vector<16xf32>,
        %add3A_646 = arith.constant 3 : i32
        %add3A_647 = vector.broadcast %add3A_646 : i32 to vector<16xi32>
        %add3A_648 = arith.addi %and3A_614, %add3A_647 : vector<16xi32>
        %mul3A_649 = arith.mulf %gather3A_645, %get3A_611 : vector<16xf32>
        tpu.vector_store_idx %arg7[%add3A_648], %mul3A_649 {add = true} : memref<40000xf32, #tpu.memory_space<vmem>>[vector<16xi32>], vector<16xf32>,
        %scan3A_650 = arith.constant 7 : i32
        %scan3A_651 = arith.addi %scan3A_290, %scan3A_650 : i32
        %mul3A_652 = arith.constant 1 : i32
        %mul3A_653 = arith.muli %scan3A_651, %mul3A_652 : i32
        %add3A_654 = arith.constant 0 : i32
        %add3A_655 = arith.addi %add3A_654, %mul3A_653 : i32
        %mul3A_656 = arith.constant 16 : i32
        %mul3A_657 = arith.muli %add3A_655, %mul3A_656 : i32
        %get3A_658 = arith.index_cast %mul3A_657 : i32 to index
        %get3A_659 = tpu.vector_load %arg8[%get3A_658] {strides = array<i32>} : memref<6400xi32, #tpu.memory_space<vmem>>, vector<16xi32>,
        %mul3A_660 = arith.constant 16 : i32
        %mul3A_661 = arith.muli %add3A_655, %mul3A_660 : i32
        %get3A_662 = arith.index_cast %mul3A_661 : i32 to index
        %get3A_663 = tpu.vector_load %arg10[%get3A_662] {strides = array<i32>} : memref<6400xf32, #tpu.memory_space<vmem>>, vector<16xf32>,
        %and3A_664 = arith.constant 65535 : i32
        %and3A_665 = vector.broadcast %and3A_664 : i32 to vector<16xi32>
        %and3A_666 = arith.andi %get3A_659, %and3A_665 : vector<16xi32>
        %shift_right_logical3A_667 = arith.constant 16 : i32
        %shift_right_logical3A_668 = vector.broadcast %shift_right_logical3A_667 : i32 to vector<16xi32>
        %shift_right_logical3A_669 = arith.shrui %get3A_659, %shift_right_logical3A_668 : vector<16xi32>
        %add3A_670 = arith.constant 0 : i32
        %add3A_671 = vector.broadcast %add3A_670 : i32 to vector<16xi32>
        %add3A_672 = arith.addi %shift_right_logical3A_669, %add3A_671 : vector<16xi32>
        %gather3A_673 = tpu.vector_load_idx %arg6[%add3A_672] : memref<40000xf32, #tpu.memory_space<vmem>>[vector<16xi32>], vector<16xf32>,
        %add3A_674 = arith.constant 0 : i32
        %add3A_675 = vector.broadcast %add3A_674 : i32 to vector<16xi32>
        %add3A_676 = arith.addi %and3A_666, %add3A_675 : vector<16xi32>
        %mul3A_677 = arith.mulf %gather3A_673, %get3A_663 : vector<16xf32>
        tpu.vector_store_idx %arg7[%add3A_676], %mul3A_677 {add = true} : memref<40000xf32, #tpu.memory_space<vmem>>[vector<16xi32>], vector<16xf32>,
        %add3A_678 = arith.constant 1 : i32
        %add3A_679 = vector.broadcast %add3A_678 : i32 to vector<16xi32>
        %add3A_680 = arith.addi %shift_right_logical3A_669, %add3A_679 : vector<16xi32>
        %gather3A_681 = tpu.vector_load_idx %arg6[%add3A_680] : memref<40000xf32, #tpu.memory_space<vmem>>[vector<16xi32>], vector<16xf32>,
        %add3A_682 = arith.constant 1 : i32
        %add3A_683 = vector.broadcast %add3A_682 : i32 to vector<16xi32>
        %add3A_684 = arith.addi %and3A_666, %add3A_683 : vector<16xi32>
        %mul3A_685 = arith.mulf %gather3A_681, %get3A_663 : vector<16xf32>
        tpu.vector_store_idx %arg7[%add3A_684], %mul3A_685 {add = true} : memref<40000xf32, #tpu.memory_space<vmem>>[vector<16xi32>], vector<16xf32>,
        %add3A_686 = arith.constant 2 : i32
        %add3A_687 = vector.broadcast %add3A_686 : i32 to vector<16xi32>
        %add3A_688 = arith.addi %shift_right_logical3A_669, %add3A_687 : vector<16xi32>
        %gather3A_689 = tpu.vector_load_idx %arg6[%add3A_688] : memref<40000xf32, #tpu.memory_space<vmem>>[vector<16xi32>], vector<16xf32>,
        %add3A_690 = arith.constant 2 : i32
        %add3A_691 = vector.broadcast %add3A_690 : i32 to vector<16xi32>
        %add3A_692 = arith.addi %and3A_666, %add3A_691 : vector<16xi32>
        %mul3A_693 = arith.mulf %gather3A_689, %get3A_663 : vector<16xf32>
        tpu.vector_store_idx %arg7[%add3A_692], %mul3A_693 {add = true} : memref<40000xf32, #tpu.memory_space<vmem>>[vector<16xi32>], vector<16xf32>,
        %add3A_694 = arith.constant 3 : i32
        %add3A_695 = vector.broadcast %add3A_694 : i32 to vector<16xi32>
        %add3A_696 = arith.addi %shift_right_logical3A_669, %add3A_695 : vector<16xi32>
        %gather3A_697 = tpu.vector_load_idx %arg6[%add3A_696] : memref<40000xf32, #tpu.memory_space<vmem>>[vector<16xi32>], vector<16xf32>,
        %add3A_698 = arith.constant 3 : i32
        %add3A_699 = vector.broadcast %add3A_698 : i32 to vector<16xi32>
        %add3A_700 = arith.addi %and3A_666, %add3A_699 : vector<16xi32>
        %mul3A_701 = arith.mulf %gather3A_697, %get3A_663 : vector<16xf32>
        tpu.vector_store_idx %arg7[%add3A_700], %mul3A_701 {add = true} : memref<40000xf32, #tpu.memory_space<vmem>>[vector<16xi32>], vector<16xf32>,
      }
      %scan3A_261 = arith.constant 400 : i32
      %add3A_262 = arith.constant 0 : i32
      %add3A_263 = arith.addi %add3A_249, %add3A_262 : i32
      %add3A_264 = arith.constant 2 : i32
      %add3A_265 = arith.addi %add3A_263, %add3A_264 : i32
      %lt3A = arith.constant 100 : i32
      %lt3A_266 = arith.cmpi slt, %add3A_265, %lt3A : i32
      %convert_element_type3A = arith.extui %lt3A_266 : i1 to i32
      %cond3A = arith.constant 0 : i32
      %cond3A_267 = arith.cmpi ne, %convert_element_type3A, %cond3A : i32
      scf.if %cond3A_267 {
        %mul3A_290 = arith.constant 6400 : i32
        %mul3A_291 = arith.muli %add3A_265, %mul3A_290 : i32
        %dma_start3A_292 = tpu.memref_slice %arg3[%mul3A_291] : memref<640000xi32, #tpu.memory_space<hbm>> -> memref<6400xi32, #tpu.memory_space<hbm>>
        %dma_start3A_293 = tpu.memref_slice %arg3[%mul3A_291] : memref<640000xi32, #tpu.memory_space<hbm>> -> memref<6400xi32, #tpu.memory_space<hbm>>
        tpu.enqueue_dma source(%dma_start3A_293 : memref<6400xi32, #tpu.memory_space<hbm>>) target(%arg8 : memref<6400xi32, #tpu.memory_space<vmem>>) target_semaphore(%arg12 : memref<!tpu.dma_semaphore, #tpu.memory_space<semaphore_mem>>)
        %dma_start3A_294 = tpu.memref_slice %arg4[%mul3A_291] : memref<640000xf32, #tpu.memory_space<hbm>> -> memref<6400xf32, #tpu.memory_space<hbm>>
        %dma_start3A_295 = tpu.memref_slice %arg4[%mul3A_291] : memref<640000xf32, #tpu.memory_space<hbm>> -> memref<6400xf32, #tpu.memory_space<hbm>>
        tpu.enqueue_dma source(%dma_start3A_295 : memref<6400xf32, #tpu.memory_space<hbm>>) target(%arg10 : memref<6400xf32, #tpu.memory_space<vmem>>) target_semaphore(%arg12 : memref<!tpu.dma_semaphore, #tpu.memory_space<semaphore_mem>>)
      } else {
      }
      %dma_wait3A_268 = arith.constant 0 : i32
      %dma_wait3A_269 = tpu.memref_slice %arg3[%dma_wait3A_268] : memref<640000xi32, #tpu.memory_space<hbm>> -> memref<6400xi32, #tpu.memory_space<hbm>>
      %dma_wait3A_270 = arith.constant 0 : i32
      %dma_wait3A_271 = tpu.memref_slice %arg3[%dma_wait3A_270] : memref<640000xi32, #tpu.memory_space<hbm>> -> memref<6400xi32, #tpu.memory_space<hbm>>
      tpu.wait_dma2 semaphore(%arg13 : memref<!tpu.dma_semaphore, #tpu.memory_space<semaphore_mem>>) src(%dma_wait3A_271 : memref<6400xi32, #tpu.memory_space<hbm>>) dst(%arg9 : memref<6400xi32, #tpu.memory_space<vmem>>)
      %dma_wait3A_272 = arith.constant 0 : i32
      %dma_wait3A_273 = tpu.memref_slice %arg4[%dma_wait3A_272] : memref<640000xf32, #tpu.memory_space<hbm>> -> memref<6400xf32, #tpu.memory_space<hbm>>
      %dma_wait3A_274 = arith.constant 0 : i32
      %dma_wait3A_275 = tpu.memref_slice %arg4[%dma_wait3A_274] : memref<640000xf32, #tpu.memory_space<hbm>> -> memref<6400xf32, #tpu.memory_space<hbm>>
      tpu.wait_dma2 semaphore(%arg13 : memref<!tpu.dma_semaphore, #tpu.memory_space<semaphore_mem>>) src(%dma_wait3A_275 : memref<6400xf32, #tpu.memory_space<hbm>>) dst(%arg11 : memref<6400xf32, #tpu.memory_space<vmem>>)
      %scan3A_276 = arith.constant 0 : i32
      %scan3A_277 = arith.constant 400 : i32
      %scan3A_278 = arith.addi %scan3A_276, %scan3A_277 : i32
      %scan3A_279 = arith.constant 8 : i32
      scf.for %scan3A_290 = %scan3A_276 to %scan3A_278 step %scan3A_279  : i32 {
        %mul3A_291 = arith.constant 1 : i32
        %mul3A_292 = arith.muli %scan3A_290, %mul3A_291 : i32
        %add3A_293 = arith.constant 0 : i32
        %add3A_294 = arith.addi %add3A_293, %mul3A_292 : i32
        %mul3A_295 = arith.constant 16 : i32
        %mul3A_296 = arith.muli %add3A_294, %mul3A_295 : i32
        %get3A_297 = arith.index_cast %mul3A_296 : i32 to index
        %get3A_298 = tpu.vector_load %arg9[%get3A_297] {strides = array<i32>} : memref<6400xi32, #tpu.memory_space<vmem>>, vector<16xi32>,
        %mul3A_299 = arith.constant 16 : i32
        %mul3A_300 = arith.muli %add3A_294, %mul3A_299 : i32
        %get3A_301 = arith.index_cast %mul3A_300 : i32 to index
        %get3A_302 = tpu.vector_load %arg11[%get3A_301] {strides = array<i32>} : memref<6400xf32, #tpu.memory_space<vmem>>, vector<16xf32>,
        %and3A = arith.constant 65535 : i32
        %and3A_303 = vector.broadcast %and3A : i32 to vector<16xi32>
        %and3A_304 = arith.andi %get3A_298, %and3A_303 : vector<16xi32>
        %shift_right_logical3A = arith.constant 16 : i32
        %shift_right_logical3A_305 = vector.broadcast %shift_right_logical3A : i32 to vector<16xi32>
        %shift_right_logical3A_306 = arith.shrui %get3A_298, %shift_right_logical3A_305 : vector<16xi32>
        %add3A_307 = arith.constant 0 : i32
        %add3A_308 = vector.broadcast %add3A_307 : i32 to vector<16xi32>
        %add3A_309 = arith.addi %shift_right_logical3A_306, %add3A_308 : vector<16xi32>
        %gather3A = tpu.vector_load_idx %arg6[%add3A_309] : memref<40000xf32, #tpu.memory_space<vmem>>[vector<16xi32>], vector<16xf32>,
        %add3A_310 = arith.constant 0 : i32
        %add3A_311 = vector.broadcast %add3A_310 : i32 to vector<16xi32>
        %add3A_312 = arith.addi %and3A_304, %add3A_311 : vector<16xi32>
        %mul3A_313 = arith.mulf %gather3A, %get3A_302 : vector<16xf32>
        tpu.vector_store_idx %arg7[%add3A_312], %mul3A_313 {add = true} : memref<40000xf32, #tpu.memory_space<vmem>>[vector<16xi32>], vector<16xf32>,
        %add3A_314 = arith.constant 1 : i32
        %add3A_315 = vector.broadcast %add3A_314 : i32 to vector<16xi32>
        %add3A_316 = arith.addi %shift_right_logical3A_306, %add3A_315 : vector<16xi32>
        %gather3A_317 = tpu.vector_load_idx %arg6[%add3A_316] : memref<40000xf32, #tpu.memory_space<vmem>>[vector<16xi32>], vector<16xf32>,
        %add3A_318 = arith.constant 1 : i32
        %add3A_319 = vector.broadcast %add3A_318 : i32 to vector<16xi32>
        %add3A_320 = arith.addi %and3A_304, %add3A_319 : vector<16xi32>
        %mul3A_321 = arith.mulf %gather3A_317, %get3A_302 : vector<16xf32>
        tpu.vector_store_idx %arg7[%add3A_320], %mul3A_321 {add = true} : memref<40000xf32, #tpu.memory_space<vmem>>[vector<16xi32>], vector<16xf32>,
        %add3A_322 = arith.constant 2 : i32
        %add3A_323 = vector.broadcast %add3A_322 : i32 to vector<16xi32>
        %add3A_324 = arith.addi %shift_right_logical3A_306, %add3A_323 : vector<16xi32>
        %gather3A_325 = tpu.vector_load_idx %arg6[%add3A_324] : memref<40000xf32, #tpu.memory_space<vmem>>[vector<16xi32>], vector<16xf32>,
        %add3A_326 = arith.constant 2 : i32
        %add3A_327 = vector.broadcast %add3A_326 : i32 to vector<16xi32>
        %add3A_328 = arith.addi %and3A_304, %add3A_327 : vector<16xi32>
        %mul3A_329 = arith.mulf %gather3A_325, %get3A_302 : vector<16xf32>
        tpu.vector_store_idx %arg7[%add3A_328], %mul3A_329 {add = true} : memref<40000xf32, #tpu.memory_space<vmem>>[vector<16xi32>], vector<16xf32>,
        %add3A_330 = arith.constant 3 : i32
        %add3A_331 = vector.broadcast %add3A_330 : i32 to vector<16xi32>
        %add3A_332 = arith.addi %shift_right_logical3A_306, %add3A_331 : vector<16xi32>
        %gather3A_333 = tpu.vector_load_idx %arg6[%add3A_332] : memref<40000xf32, #tpu.memory_space<vmem>>[vector<16xi32>], vector<16xf32>,
        %add3A_334 = arith.constant 3 : i32
        %add3A_335 = vector.broadcast %add3A_334 : i32 to vector<16xi32>
        %add3A_336 = arith.addi %and3A_304, %add3A_335 : vector<16xi32>
        %mul3A_337 = arith.mulf %gather3A_333, %get3A_302 : vector<16xf32>
        tpu.vector_store_idx %arg7[%add3A_336], %mul3A_337 {add = true} : memref<40000xf32, #tpu.memory_space<vmem>>[vector<16xi32>], vector<16xf32>,
        %scan3A_338 = arith.constant 1 : i32
        %scan3A_339 = arith.addi %scan3A_290, %scan3A_338 : i32
        %mul3A_340 = arith.constant 1 : i32
        %mul3A_341 = arith.muli %scan3A_339, %mul3A_340 : i32
        %add3A_342 = arith.constant 0 : i32
        %add3A_343 = arith.addi %add3A_342, %mul3A_341 : i32
        %mul3A_344 = arith.constant 16 : i32
        %mul3A_345 = arith.muli %add3A_343, %mul3A_344 : i32
        %get3A_346 = arith.index_cast %mul3A_345 : i32 to index
        %get3A_347 = tpu.vector_load %arg9[%get3A_346] {strides = array<i32>} : memref<6400xi32, #tpu.memory_space<vmem>>, vector<16xi32>,
        %mul3A_348 = arith.constant 16 : i32
        %mul3A_349 = arith.muli %add3A_343, %mul3A_348 : i32
        %get3A_350 = arith.index_cast %mul3A_349 : i32 to index
        %get3A_351 = tpu.vector_load %arg11[%get3A_350] {strides = array<i32>} : memref<6400xf32, #tpu.memory_space<vmem>>, vector<16xf32>,
        %and3A_352 = arith.constant 65535 : i32
        %and3A_353 = vector.broadcast %and3A_352 : i32 to vector<16xi32>
        %and3A_354 = arith.andi %get3A_347, %and3A_353 : vector<16xi32>
        %shift_right_logical3A_355 = arith.constant 16 : i32
        %shift_right_logical3A_356 = vector.broadcast %shift_right_logical3A_355 : i32 to vector<16xi32>
        %shift_right_logical3A_357 = arith.shrui %get3A_347, %shift_right_logical3A_356 : vector<16xi32>
        %add3A_358 = arith.constant 0 : i32
        %add3A_359 = vector.broadcast %add3A_358 : i32 to vector<16xi32>
        %add3A_360 = arith.addi %shift_right_logical3A_357, %add3A_359 : vector<16xi32>
        %gather3A_361 = tpu.vector_load_idx %arg6[%add3A_360] : memref<40000xf32, #tpu.memory_space<vmem>>[vector<16xi32>], vector<16xf32>,
        %add3A_362 = arith.constant 0 : i32
        %add3A_363 = vector.broadcast %add3A_362 : i32 to vector<16xi32>
        %add3A_364 = arith.addi %and3A_354, %add3A_363 : vector<16xi32>
        %mul3A_365 = arith.mulf %gather3A_361, %get3A_351 : vector<16xf32>
        tpu.vector_store_idx %arg7[%add3A_364], %mul3A_365 {add = true} : memref<40000xf32, #tpu.memory_space<vmem>>[vector<16xi32>], vector<16xf32>,
        %add3A_366 = arith.constant 1 : i32
        %add3A_367 = vector.broadcast %add3A_366 : i32 to vector<16xi32>
        %add3A_368 = arith.addi %shift_right_logical3A_357, %add3A_367 : vector<16xi32>
        %gather3A_369 = tpu.vector_load_idx %arg6[%add3A_368] : memref<40000xf32, #tpu.memory_space<vmem>>[vector<16xi32>], vector<16xf32>,
        %add3A_370 = arith.constant 1 : i32
        %add3A_371 = vector.broadcast %add3A_370 : i32 to vector<16xi32>
        %add3A_372 = arith.addi %and3A_354, %add3A_371 : vector<16xi32>
        %mul3A_373 = arith.mulf %gather3A_369, %get3A_351 : vector<16xf32>
        tpu.vector_store_idx %arg7[%add3A_372], %mul3A_373 {add = true} : memref<40000xf32, #tpu.memory_space<vmem>>[vector<16xi32>], vector<16xf32>,
        %add3A_374 = arith.constant 2 : i32
        %add3A_375 = vector.broadcast %add3A_374 : i32 to vector<16xi32>
        %add3A_376 = arith.addi %shift_right_logical3A_357, %add3A_375 : vector<16xi32>
        %gather3A_377 = tpu.vector_load_idx %arg6[%add3A_376] : memref<40000xf32, #tpu.memory_space<vmem>>[vector<16xi32>], vector<16xf32>,
        %add3A_378 = arith.constant 2 : i32
        %add3A_379 = vector.broadcast %add3A_378 : i32 to vector<16xi32>
        %add3A_380 = arith.addi %and3A_354, %add3A_379 : vector<16xi32>
        %mul3A_381 = arith.mulf %gather3A_377, %get3A_351 : vector<16xf32>
        tpu.vector_store_idx %arg7[%add3A_380], %mul3A_381 {add = true} : memref<40000xf32, #tpu.memory_space<vmem>>[vector<16xi32>], vector<16xf32>,
        %add3A_382 = arith.constant 3 : i32
        %add3A_383 = vector.broadcast %add3A_382 : i32 to vector<16xi32>
        %add3A_384 = arith.addi %shift_right_logical3A_357, %add3A_383 : vector<16xi32>
        %gather3A_385 = tpu.vector_load_idx %arg6[%add3A_384] : memref<40000xf32, #tpu.memory_space<vmem>>[vector<16xi32>], vector<16xf32>,
        %add3A_386 = arith.constant 3 : i32
        %add3A_387 = vector.broadcast %add3A_386 : i32 to vector<16xi32>
        %add3A_388 = arith.addi %and3A_354, %add3A_387 : vector<16xi32>
        %mul3A_389 = arith.mulf %gather3A_385, %get3A_351 : vector<16xf32>
        tpu.vector_store_idx %arg7[%add3A_388], %mul3A_389 {add = true} : memref<40000xf32, #tpu.memory_space<vmem>>[vector<16xi32>], vector<16xf32>,
        %scan3A_390 = arith.constant 2 : i32
        %scan3A_391 = arith.addi %scan3A_290, %scan3A_390 : i32
        %mul3A_392 = arith.constant 1 : i32
        %mul3A_393 = arith.muli %scan3A_391, %mul3A_392 : i32
        %add3A_394 = arith.constant 0 : i32
        %add3A_395 = arith.addi %add3A_394, %mul3A_393 : i32
        %mul3A_396 = arith.constant 16 : i32
        %mul3A_397 = arith.muli %add3A_395, %mul3A_396 : i32
        %get3A_398 = arith.index_cast %mul3A_397 : i32 to index
        %get3A_399 = tpu.vector_load %arg9[%get3A_398] {strides = array<i32>} : memref<6400xi32, #tpu.memory_space<vmem>>, vector<16xi32>,
        %mul3A_400 = arith.constant 16 : i32
        %mul3A_401 = arith.muli %add3A_395, %mul3A_400 : i32
        %get3A_402 = arith.index_cast %mul3A_401 : i32 to index
        %get3A_403 = tpu.vector_load %arg11[%get3A_402] {strides = array<i32>} : memref<6400xf32, #tpu.memory_space<vmem>>, vector<16xf32>,
        %and3A_404 = arith.constant 65535 : i32
        %and3A_405 = vector.broadcast %and3A_404 : i32 to vector<16xi32>
        %and3A_406 = arith.andi %get3A_399, %and3A_405 : vector<16xi32>
        %shift_right_logical3A_407 = arith.constant 16 : i32
        %shift_right_logical3A_408 = vector.broadcast %shift_right_logical3A_407 : i32 to vector<16xi32>
        %shift_right_logical3A_409 = arith.shrui %get3A_399, %shift_right_logical3A_408 : vector<16xi32>
        %add3A_410 = arith.constant 0 : i32
        %add3A_411 = vector.broadcast %add3A_410 : i32 to vector<16xi32>
        %add3A_412 = arith.addi %shift_right_logical3A_409, %add3A_411 : vector<16xi32>
        %gather3A_413 = tpu.vector_load_idx %arg6[%add3A_412] : memref<40000xf32, #tpu.memory_space<vmem>>[vector<16xi32>], vector<16xf32>,
        %add3A_414 = arith.constant 0 : i32
        %add3A_415 = vector.broadcast %add3A_414 : i32 to vector<16xi32>
        %add3A_416 = arith.addi %and3A_406, %add3A_415 : vector<16xi32>
        %mul3A_417 = arith.mulf %gather3A_413, %get3A_403 : vector<16xf32>
        tpu.vector_store_idx %arg7[%add3A_416], %mul3A_417 {add = true} : memref<40000xf32, #tpu.memory_space<vmem>>[vector<16xi32>], vector<16xf32>,
        %add3A_418 = arith.constant 1 : i32
        %add3A_419 = vector.broadcast %add3A_418 : i32 to vector<16xi32>
        %add3A_420 = arith.addi %shift_right_logical3A_409, %add3A_419 : vector<16xi32>
        %gather3A_421 = tpu.vector_load_idx %arg6[%add3A_420] : memref<40000xf32, #tpu.memory_space<vmem>>[vector<16xi32>], vector<16xf32>,
        %add3A_422 = arith.constant 1 : i32
        %add3A_423 = vector.broadcast %add3A_422 : i32 to vector<16xi32>
        %add3A_424 = arith.addi %and3A_406, %add3A_423 : vector<16xi32>
        %mul3A_425 = arith.mulf %gather3A_421, %get3A_403 : vector<16xf32>
        tpu.vector_store_idx %arg7[%add3A_424], %mul3A_425 {add = true} : memref<40000xf32, #tpu.memory_space<vmem>>[vector<16xi32>], vector<16xf32>,
        %add3A_426 = arith.constant 2 : i32
        %add3A_427 = vector.broadcast %add3A_426 : i32 to vector<16xi32>
        %add3A_428 = arith.addi %shift_right_logical3A_409, %add3A_427 : vector<16xi32>
        %gather3A_429 = tpu.vector_load_idx %arg6[%add3A_428] : memref<40000xf32, #tpu.memory_space<vmem>>[vector<16xi32>], vector<16xf32>,
        %add3A_430 = arith.constant 2 : i32
        %add3A_431 = vector.broadcast %add3A_430 : i32 to vector<16xi32>
        %add3A_432 = arith.addi %and3A_406, %add3A_431 : vector<16xi32>
        %mul3A_433 = arith.mulf %gather3A_429, %get3A_403 : vector<16xf32>
        tpu.vector_store_idx %arg7[%add3A_432], %mul3A_433 {add = true} : memref<40000xf32, #tpu.memory_space<vmem>>[vector<16xi32>], vector<16xf32>,
        %add3A_434 = arith.constant 3 : i32
        %add3A_435 = vector.broadcast %add3A_434 : i32 to vector<16xi32>
        %add3A_436 = arith.addi %shift_right_logical3A_409, %add3A_435 : vector<16xi32>
        %gather3A_437 = tpu.vector_load_idx %arg6[%add3A_436] : memref<40000xf32, #tpu.memory_space<vmem>>[vector<16xi32>], vector<16xf32>,
        %add3A_438 = arith.constant 3 : i32
        %add3A_439 = vector.broadcast %add3A_438 : i32 to vector<16xi32>
        %add3A_440 = arith.addi %and3A_406, %add3A_439 : vector<16xi32>
        %mul3A_441 = arith.mulf %gather3A_437, %get3A_403 : vector<16xf32>
        tpu.vector_store_idx %arg7[%add3A_440], %mul3A_441 {add = true} : memref<40000xf32, #tpu.memory_space<vmem>>[vector<16xi32>], vector<16xf32>,
        %scan3A_442 = arith.constant 3 : i32
        %scan3A_443 = arith.addi %scan3A_290, %scan3A_442 : i32
        %mul3A_444 = arith.constant 1 : i32
        %mul3A_445 = arith.muli %scan3A_443, %mul3A_444 : i32
        %add3A_446 = arith.constant 0 : i32
        %add3A_447 = arith.addi %add3A_446, %mul3A_445 : i32
        %mul3A_448 = arith.constant 16 : i32
        %mul3A_449 = arith.muli %add3A_447, %mul3A_448 : i32
        %get3A_450 = arith.index_cast %mul3A_449 : i32 to index
        %get3A_451 = tpu.vector_load %arg9[%get3A_450] {strides = array<i32>} : memref<6400xi32, #tpu.memory_space<vmem>>, vector<16xi32>,
        %mul3A_452 = arith.constant 16 : i32
        %mul3A_453 = arith.muli %add3A_447, %mul3A_452 : i32
        %get3A_454 = arith.index_cast %mul3A_453 : i32 to index
        %get3A_455 = tpu.vector_load %arg11[%get3A_454] {strides = array<i32>} : memref<6400xf32, #tpu.memory_space<vmem>>, vector<16xf32>,
        %and3A_456 = arith.constant 65535 : i32
        %and3A_457 = vector.broadcast %and3A_456 : i32 to vector<16xi32>
        %and3A_458 = arith.andi %get3A_451, %and3A_457 : vector<16xi32>
        %shift_right_logical3A_459 = arith.constant 16 : i32
        %shift_right_logical3A_460 = vector.broadcast %shift_right_logical3A_459 : i32 to vector<16xi32>
        %shift_right_logical3A_461 = arith.shrui %get3A_451, %shift_right_logical3A_460 : vector<16xi32>
        %add3A_462 = arith.constant 0 : i32
        %add3A_463 = vector.broadcast %add3A_462 : i32 to vector<16xi32>
        %add3A_464 = arith.addi %shift_right_logical3A_461, %add3A_463 : vector<16xi32>
        %gather3A_465 = tpu.vector_load_idx %arg6[%add3A_464] : memref<40000xf32, #tpu.memory_space<vmem>>[vector<16xi32>], vector<16xf32>,
        %add3A_466 = arith.constant 0 : i32
        %add3A_467 = vector.broadcast %add3A_466 : i32 to vector<16xi32>
        %add3A_468 = arith.addi %and3A_458, %add3A_467 : vector<16xi32>
        %mul3A_469 = arith.mulf %gather3A_465, %get3A_455 : vector<16xf32>
        tpu.vector_store_idx %arg7[%add3A_468], %mul3A_469 {add = true} : memref<40000xf32, #tpu.memory_space<vmem>>[vector<16xi32>], vector<16xf32>,
        %add3A_470 = arith.constant 1 : i32
        %add3A_471 = vector.broadcast %add3A_470 : i32 to vector<16xi32>
        %add3A_472 = arith.addi %shift_right_logical3A_461, %add3A_471 : vector<16xi32>
        %gather3A_473 = tpu.vector_load_idx %arg6[%add3A_472] : memref<40000xf32, #tpu.memory_space<vmem>>[vector<16xi32>], vector<16xf32>,
        %add3A_474 = arith.constant 1 : i32
        %add3A_475 = vector.broadcast %add3A_474 : i32 to vector<16xi32>
        %add3A_476 = arith.addi %and3A_458, %add3A_475 : vector<16xi32>
        %mul3A_477 = arith.mulf %gather3A_473, %get3A_455 : vector<16xf32>
        tpu.vector_store_idx %arg7[%add3A_476], %mul3A_477 {add = true} : memref<40000xf32, #tpu.memory_space<vmem>>[vector<16xi32>], vector<16xf32>,
        %add3A_478 = arith.constant 2 : i32
        %add3A_479 = vector.broadcast %add3A_478 : i32 to vector<16xi32>
        %add3A_480 = arith.addi %shift_right_logical3A_461, %add3A_479 : vector<16xi32>
        %gather3A_481 = tpu.vector_load_idx %arg6[%add3A_480] : memref<40000xf32, #tpu.memory_space<vmem>>[vector<16xi32>], vector<16xf32>,
        %add3A_482 = arith.constant 2 : i32
        %add3A_483 = vector.broadcast %add3A_482 : i32 to vector<16xi32>
        %add3A_484 = arith.addi %and3A_458, %add3A_483 : vector<16xi32>
        %mul3A_485 = arith.mulf %gather3A_481, %get3A_455 : vector<16xf32>
        tpu.vector_store_idx %arg7[%add3A_484], %mul3A_485 {add = true} : memref<40000xf32, #tpu.memory_space<vmem>>[vector<16xi32>], vector<16xf32>,
        %add3A_486 = arith.constant 3 : i32
        %add3A_487 = vector.broadcast %add3A_486 : i32 to vector<16xi32>
        %add3A_488 = arith.addi %shift_right_logical3A_461, %add3A_487 : vector<16xi32>
        %gather3A_489 = tpu.vector_load_idx %arg6[%add3A_488] : memref<40000xf32, #tpu.memory_space<vmem>>[vector<16xi32>], vector<16xf32>,
        %add3A_490 = arith.constant 3 : i32
        %add3A_491 = vector.broadcast %add3A_490 : i32 to vector<16xi32>
        %add3A_492 = arith.addi %and3A_458, %add3A_491 : vector<16xi32>
        %mul3A_493 = arith.mulf %gather3A_489, %get3A_455 : vector<16xf32>
        tpu.vector_store_idx %arg7[%add3A_492], %mul3A_493 {add = true} : memref<40000xf32, #tpu.memory_space<vmem>>[vector<16xi32>], vector<16xf32>,
        %scan3A_494 = arith.constant 4 : i32
        %scan3A_495 = arith.addi %scan3A_290, %scan3A_494 : i32
        %mul3A_496 = arith.constant 1 : i32
        %mul3A_497 = arith.muli %scan3A_495, %mul3A_496 : i32
        %add3A_498 = arith.constant 0 : i32
        %add3A_499 = arith.addi %add3A_498, %mul3A_497 : i32
        %mul3A_500 = arith.constant 16 : i32
        %mul3A_501 = arith.muli %add3A_499, %mul3A_500 : i32
        %get3A_502 = arith.index_cast %mul3A_501 : i32 to index
        %get3A_503 = tpu.vector_load %arg9[%get3A_502] {strides = array<i32>} : memref<6400xi32, #tpu.memory_space<vmem>>, vector<16xi32>,
        %mul3A_504 = arith.constant 16 : i32
        %mul3A_505 = arith.muli %add3A_499, %mul3A_504 : i32
        %get3A_506 = arith.index_cast %mul3A_505 : i32 to index
        %get3A_507 = tpu.vector_load %arg11[%get3A_506] {strides = array<i32>} : memref<6400xf32, #tpu.memory_space<vmem>>, vector<16xf32>,
        %and3A_508 = arith.constant 65535 : i32
        %and3A_509 = vector.broadcast %and3A_508 : i32 to vector<16xi32>
        %and3A_510 = arith.andi %get3A_503, %and3A_509 : vector<16xi32>
        %shift_right_logical3A_511 = arith.constant 16 : i32
        %shift_right_logical3A_512 = vector.broadcast %shift_right_logical3A_511 : i32 to vector<16xi32>
        %shift_right_logical3A_513 = arith.shrui %get3A_503, %shift_right_logical3A_512 : vector<16xi32>
        %add3A_514 = arith.constant 0 : i32
        %add3A_515 = vector.broadcast %add3A_514 : i32 to vector<16xi32>
        %add3A_516 = arith.addi %shift_right_logical3A_513, %add3A_515 : vector<16xi32>
        %gather3A_517 = tpu.vector_load_idx %arg6[%add3A_516] : memref<40000xf32, #tpu.memory_space<vmem>>[vector<16xi32>], vector<16xf32>,
        %add3A_518 = arith.constant 0 : i32
        %add3A_519 = vector.broadcast %add3A_518 : i32 to vector<16xi32>
        %add3A_520 = arith.addi %and3A_510, %add3A_519 : vector<16xi32>
        %mul3A_521 = arith.mulf %gather3A_517, %get3A_507 : vector<16xf32>
        tpu.vector_store_idx %arg7[%add3A_520], %mul3A_521 {add = true} : memref<40000xf32, #tpu.memory_space<vmem>>[vector<16xi32>], vector<16xf32>,
        %add3A_522 = arith.constant 1 : i32
        %add3A_523 = vector.broadcast %add3A_522 : i32 to vector<16xi32>
        %add3A_524 = arith.addi %shift_right_logical3A_513, %add3A_523 : vector<16xi32>
        %gather3A_525 = tpu.vector_load_idx %arg6[%add3A_524] : memref<40000xf32, #tpu.memory_space<vmem>>[vector<16xi32>], vector<16xf32>,
        %add3A_526 = arith.constant 1 : i32
        %add3A_527 = vector.broadcast %add3A_526 : i32 to vector<16xi32>
        %add3A_528 = arith.addi %and3A_510, %add3A_527 : vector<16xi32>
        %mul3A_529 = arith.mulf %gather3A_525, %get3A_507 : vector<16xf32>
        tpu.vector_store_idx %arg7[%add3A_528], %mul3A_529 {add = true} : memref<40000xf32, #tpu.memory_space<vmem>>[vector<16xi32>], vector<16xf32>,
        %add3A_530 = arith.constant 2 : i32
        %add3A_531 = vector.broadcast %add3A_530 : i32 to vector<16xi32>
        %add3A_532 = arith.addi %shift_right_logical3A_513, %add3A_531 : vector<16xi32>
        %gather3A_533 = tpu.vector_load_idx %arg6[%add3A_532] : memref<40000xf32, #tpu.memory_space<vmem>>[vector<16xi32>], vector<16xf32>,
        %add3A_534 = arith.constant 2 : i32
        %add3A_535 = vector.broadcast %add3A_534 : i32 to vector<16xi32>
        %add3A_536 = arith.addi %and3A_510, %add3A_535 : vector<16xi32>
        %mul3A_537 = arith.mulf %gather3A_533, %get3A_507 : vector<16xf32>
        tpu.vector_store_idx %arg7[%add3A_536], %mul3A_537 {add = true} : memref<40000xf32, #tpu.memory_space<vmem>>[vector<16xi32>], vector<16xf32>,
        %add3A_538 = arith.constant 3 : i32
        %add3A_539 = vector.broadcast %add3A_538 : i32 to vector<16xi32>
        %add3A_540 = arith.addi %shift_right_logical3A_513, %add3A_539 : vector<16xi32>
        %gather3A_541 = tpu.vector_load_idx %arg6[%add3A_540] : memref<40000xf32, #tpu.memory_space<vmem>>[vector<16xi32>], vector<16xf32>,
        %add3A_542 = arith.constant 3 : i32
        %add3A_543 = vector.broadcast %add3A_542 : i32 to vector<16xi32>
        %add3A_544 = arith.addi %and3A_510, %add3A_543 : vector<16xi32>
        %mul3A_545 = arith.mulf %gather3A_541, %get3A_507 : vector<16xf32>
        tpu.vector_store_idx %arg7[%add3A_544], %mul3A_545 {add = true} : memref<40000xf32, #tpu.memory_space<vmem>>[vector<16xi32>], vector<16xf32>,
        %scan3A_546 = arith.constant 5 : i32
        %scan3A_547 = arith.addi %scan3A_290, %scan3A_546 : i32
        %mul3A_548 = arith.constant 1 : i32
        %mul3A_549 = arith.muli %scan3A_547, %mul3A_548 : i32
        %add3A_550 = arith.constant 0 : i32
        %add3A_551 = arith.addi %add3A_550, %mul3A_549 : i32
        %mul3A_552 = arith.constant 16 : i32
        %mul3A_553 = arith.muli %add3A_551, %mul3A_552 : i32
        %get3A_554 = arith.index_cast %mul3A_553 : i32 to index
        %get3A_555 = tpu.vector_load %arg9[%get3A_554] {strides = array<i32>} : memref<6400xi32, #tpu.memory_space<vmem>>, vector<16xi32>,
        %mul3A_556 = arith.constant 16 : i32
        %mul3A_557 = arith.muli %add3A_551, %mul3A_556 : i32
        %get3A_558 = arith.index_cast %mul3A_557 : i32 to index
        %get3A_559 = tpu.vector_load %arg11[%get3A_558] {strides = array<i32>} : memref<6400xf32, #tpu.memory_space<vmem>>, vector<16xf32>,
        %and3A_560 = arith.constant 65535 : i32
        %and3A_561 = vector.broadcast %and3A_560 : i32 to vector<16xi32>
        %and3A_562 = arith.andi %get3A_555, %and3A_561 : vector<16xi32>
        %shift_right_logical3A_563 = arith.constant 16 : i32
        %shift_right_logical3A_564 = vector.broadcast %shift_right_logical3A_563 : i32 to vector<16xi32>
        %shift_right_logical3A_565 = arith.shrui %get3A_555, %shift_right_logical3A_564 : vector<16xi32>
        %add3A_566 = arith.constant 0 : i32
        %add3A_567 = vector.broadcast %add3A_566 : i32 to vector<16xi32>
        %add3A_568 = arith.addi %shift_right_logical3A_565, %add3A_567 : vector<16xi32>
        %gather3A_569 = tpu.vector_load_idx %arg6[%add3A_568] : memref<40000xf32, #tpu.memory_space<vmem>>[vector<16xi32>], vector<16xf32>,
        %add3A_570 = arith.constant 0 : i32
        %add3A_571 = vector.broadcast %add3A_570 : i32 to vector<16xi32>
        %add3A_572 = arith.addi %and3A_562, %add3A_571 : vector<16xi32>
        %mul3A_573 = arith.mulf %gather3A_569, %get3A_559 : vector<16xf32>
        tpu.vector_store_idx %arg7[%add3A_572], %mul3A_573 {add = true} : memref<40000xf32, #tpu.memory_space<vmem>>[vector<16xi32>], vector<16xf32>,
        %add3A_574 = arith.constant 1 : i32
        %add3A_575 = vector.broadcast %add3A_574 : i32 to vector<16xi32>
        %add3A_576 = arith.addi %shift_right_logical3A_565, %add3A_575 : vector<16xi32>
        %gather3A_577 = tpu.vector_load_idx %arg6[%add3A_576] : memref<40000xf32, #tpu.memory_space<vmem>>[vector<16xi32>], vector<16xf32>,
        %add3A_578 = arith.constant 1 : i32
        %add3A_579 = vector.broadcast %add3A_578 : i32 to vector<16xi32>
        %add3A_580 = arith.addi %and3A_562, %add3A_579 : vector<16xi32>
        %mul3A_581 = arith.mulf %gather3A_577, %get3A_559 : vector<16xf32>
        tpu.vector_store_idx %arg7[%add3A_580], %mul3A_581 {add = true} : memref<40000xf32, #tpu.memory_space<vmem>>[vector<16xi32>], vector<16xf32>,
        %add3A_582 = arith.constant 2 : i32
        %add3A_583 = vector.broadcast %add3A_582 : i32 to vector<16xi32>
        %add3A_584 = arith.addi %shift_right_logical3A_565, %add3A_583 : vector<16xi32>
        %gather3A_585 = tpu.vector_load_idx %arg6[%add3A_584] : memref<40000xf32, #tpu.memory_space<vmem>>[vector<16xi32>], vector<16xf32>,
        %add3A_586 = arith.constant 2 : i32
        %add3A_587 = vector.broadcast %add3A_586 : i32 to vector<16xi32>
        %add3A_588 = arith.addi %and3A_562, %add3A_587 : vector<16xi32>
        %mul3A_589 = arith.mulf %gather3A_585, %get3A_559 : vector<16xf32>
        tpu.vector_store_idx %arg7[%add3A_588], %mul3A_589 {add = true} : memref<40000xf32, #tpu.memory_space<vmem>>[vector<16xi32>], vector<16xf32>,
        %add3A_590 = arith.constant 3 : i32
        %add3A_591 = vector.broadcast %add3A_590 : i32 to vector<16xi32>
        %add3A_592 = arith.addi %shift_right_logical3A_565, %add3A_591 : vector<16xi32>
        %gather3A_593 = tpu.vector_load_idx %arg6[%add3A_592] : memref<40000xf32, #tpu.memory_space<vmem>>[vector<16xi32>], vector<16xf32>,
        %add3A_594 = arith.constant 3 : i32
        %add3A_595 = vector.broadcast %add3A_594 : i32 to vector<16xi32>
        %add3A_596 = arith.addi %and3A_562, %add3A_595 : vector<16xi32>
        %mul3A_597 = arith.mulf %gather3A_593, %get3A_559 : vector<16xf32>
        tpu.vector_store_idx %arg7[%add3A_596], %mul3A_597 {add = true} : memref<40000xf32, #tpu.memory_space<vmem>>[vector<16xi32>], vector<16xf32>,
        %scan3A_598 = arith.constant 6 : i32
        %scan3A_599 = arith.addi %scan3A_290, %scan3A_598 : i32
        %mul3A_600 = arith.constant 1 : i32
        %mul3A_601 = arith.muli %scan3A_599, %mul3A_600 : i32
        %add3A_602 = arith.constant 0 : i32
        %add3A_603 = arith.addi %add3A_602, %mul3A_601 : i32
        %mul3A_604 = arith.constant 16 : i32
        %mul3A_605 = arith.muli %add3A_603, %mul3A_604 : i32
        %get3A_606 = arith.index_cast %mul3A_605 : i32 to index
        %get3A_607 = tpu.vector_load %arg9[%get3A_606] {strides = array<i32>} : memref<6400xi32, #tpu.memory_space<vmem>>, vector<16xi32>,
        %mul3A_608 = arith.constant 16 : i32
        %mul3A_609 = arith.muli %add3A_603, %mul3A_608 : i32
        %get3A_610 = arith.index_cast %mul3A_609 : i32 to index
        %get3A_611 = tpu.vector_load %arg11[%get3A_610] {strides = array<i32>} : memref<6400xf32, #tpu.memory_space<vmem>>, vector<16xf32>,
        %and3A_612 = arith.constant 65535 : i32
        %and3A_613 = vector.broadcast %and3A_612 : i32 to vector<16xi32>
        %and3A_614 = arith.andi %get3A_607, %and3A_613 : vector<16xi32>
        %shift_right_logical3A_615 = arith.constant 16 : i32
        %shift_right_logical3A_616 = vector.broadcast %shift_right_logical3A_615 : i32 to vector<16xi32>
        %shift_right_logical3A_617 = arith.shrui %get3A_607, %shift_right_logical3A_616 : vector<16xi32>
        %add3A_618 = arith.constant 0 : i32
        %add3A_619 = vector.broadcast %add3A_618 : i32 to vector<16xi32>
        %add3A_620 = arith.addi %shift_right_logical3A_617, %add3A_619 : vector<16xi32>
        %gather3A_621 = tpu.vector_load_idx %arg6[%add3A_620] : memref<40000xf32, #tpu.memory_space<vmem>>[vector<16xi32>], vector<16xf32>,
        %add3A_622 = arith.constant 0 : i32
        %add3A_623 = vector.broadcast %add3A_622 : i32 to vector<16xi32>
        %add3A_624 = arith.addi %and3A_614, %add3A_623 : vector<16xi32>
        %mul3A_625 = arith.mulf %gather3A_621, %get3A_611 : vector<16xf32>
        tpu.vector_store_idx %arg7[%add3A_624], %mul3A_625 {add = true} : memref<40000xf32, #tpu.memory_space<vmem>>[vector<16xi32>], vector<16xf32>,
        %add3A_626 = arith.constant 1 : i32
        %add3A_627 = vector.broadcast %add3A_626 : i32 to vector<16xi32>
        %add3A_628 = arith.addi %shift_right_logical3A_617, %add3A_627 : vector<16xi32>
        %gather3A_629 = tpu.vector_load_idx %arg6[%add3A_628] : memref<40000xf32, #tpu.memory_space<vmem>>[vector<16xi32>], vector<16xf32>,
        %add3A_630 = arith.constant 1 : i32
        %add3A_631 = vector.broadcast %add3A_630 : i32 to vector<16xi32>
        %add3A_632 = arith.addi %and3A_614, %add3A_631 : vector<16xi32>
        %mul3A_633 = arith.mulf %gather3A_629, %get3A_611 : vector<16xf32>
        tpu.vector_store_idx %arg7[%add3A_632], %mul3A_633 {add = true} : memref<40000xf32, #tpu.memory_space<vmem>>[vector<16xi32>], vector<16xf32>,
        %add3A_634 = arith.constant 2 : i32
        %add3A_635 = vector.broadcast %add3A_634 : i32 to vector<16xi32>
        %add3A_636 = arith.addi %shift_right_logical3A_617, %add3A_635 : vector<16xi32>
        %gather3A_637 = tpu.vector_load_idx %arg6[%add3A_636] : memref<40000xf32, #tpu.memory_space<vmem>>[vector<16xi32>], vector<16xf32>,
        %add3A_638 = arith.constant 2 : i32
        %add3A_639 = vector.broadcast %add3A_638 : i32 to vector<16xi32>
        %add3A_640 = arith.addi %and3A_614, %add3A_639 : vector<16xi32>
        %mul3A_641 = arith.mulf %gather3A_637, %get3A_611 : vector<16xf32>
        tpu.vector_store_idx %arg7[%add3A_640], %mul3A_641 {add = true} : memref<40000xf32, #tpu.memory_space<vmem>>[vector<16xi32>], vector<16xf32>,
        %add3A_642 = arith.constant 3 : i32
        %add3A_643 = vector.broadcast %add3A_642 : i32 to vector<16xi32>
        %add3A_644 = arith.addi %shift_right_logical3A_617, %add3A_643 : vector<16xi32>
        %gather3A_645 = tpu.vector_load_idx %arg6[%add3A_644] : memref<40000xf32, #tpu.memory_space<vmem>>[vector<16xi32>], vector<16xf32>,
        %add3A_646 = arith.constant 3 : i32
        %add3A_647 = vector.broadcast %add3A_646 : i32 to vector<16xi32>
        %add3A_648 = arith.addi %and3A_614, %add3A_647 : vector<16xi32>
        %mul3A_649 = arith.mulf %gather3A_645, %get3A_611 : vector<16xf32>
        tpu.vector_store_idx %arg7[%add3A_648], %mul3A_649 {add = true} : memref<40000xf32, #tpu.memory_space<vmem>>[vector<16xi32>], vector<16xf32>,
        %scan3A_650 = arith.constant 7 : i32
        %scan3A_651 = arith.addi %scan3A_290, %scan3A_650 : i32
        %mul3A_652 = arith.constant 1 : i32
        %mul3A_653 = arith.muli %scan3A_651, %mul3A_652 : i32
        %add3A_654 = arith.constant 0 : i32
        %add3A_655 = arith.addi %add3A_654, %mul3A_653 : i32
        %mul3A_656 = arith.constant 16 : i32
        %mul3A_657 = arith.muli %add3A_655, %mul3A_656 : i32
        %get3A_658 = arith.index_cast %mul3A_657 : i32 to index
        %get3A_659 = tpu.vector_load %arg9[%get3A_658] {strides = array<i32>} : memref<6400xi32, #tpu.memory_space<vmem>>, vector<16xi32>,
        %mul3A_660 = arith.constant 16 : i32
        %mul3A_661 = arith.muli %add3A_655, %mul3A_660 : i32
        %get3A_662 = arith.index_cast %mul3A_661 : i32 to index
        %get3A_663 = tpu.vector_load %arg11[%get3A_662] {strides = array<i32>} : memref<6400xf32, #tpu.memory_space<vmem>>, vector<16xf32>,
        %and3A_664 = arith.constant 65535 : i32
        %and3A_665 = vector.broadcast %and3A_664 : i32 to vector<16xi32>
        %and3A_666 = arith.andi %get3A_659, %and3A_665 : vector<16xi32>
        %shift_right_logical3A_667 = arith.constant 16 : i32
        %shift_right_logical3A_668 = vector.broadcast %shift_right_logical3A_667 : i32 to vector<16xi32>
        %shift_right_logical3A_669 = arith.shrui %get3A_659, %shift_right_logical3A_668 : vector<16xi32>
        %add3A_670 = arith.constant 0 : i32
        %add3A_671 = vector.broadcast %add3A_670 : i32 to vector<16xi32>
        %add3A_672 = arith.addi %shift_right_logical3A_669, %add3A_671 : vector<16xi32>
        %gather3A_673 = tpu.vector_load_idx %arg6[%add3A_672] : memref<40000xf32, #tpu.memory_space<vmem>>[vector<16xi32>], vector<16xf32>,
        %add3A_674 = arith.constant 0 : i32
        %add3A_675 = vector.broadcast %add3A_674 : i32 to vector<16xi32>
        %add3A_676 = arith.addi %and3A_666, %add3A_675 : vector<16xi32>
        %mul3A_677 = arith.mulf %gather3A_673, %get3A_663 : vector<16xf32>
        tpu.vector_store_idx %arg7[%add3A_676], %mul3A_677 {add = true} : memref<40000xf32, #tpu.memory_space<vmem>>[vector<16xi32>], vector<16xf32>,
        %add3A_678 = arith.constant 1 : i32
        %add3A_679 = vector.broadcast %add3A_678 : i32 to vector<16xi32>
        %add3A_680 = arith.addi %shift_right_logical3A_669, %add3A_679 : vector<16xi32>
        %gather3A_681 = tpu.vector_load_idx %arg6[%add3A_680] : memref<40000xf32, #tpu.memory_space<vmem>>[vector<16xi32>], vector<16xf32>,
        %add3A_682 = arith.constant 1 : i32
        %add3A_683 = vector.broadcast %add3A_682 : i32 to vector<16xi32>
        %add3A_684 = arith.addi %and3A_666, %add3A_683 : vector<16xi32>
        %mul3A_685 = arith.mulf %gather3A_681, %get3A_663 : vector<16xf32>
        tpu.vector_store_idx %arg7[%add3A_684], %mul3A_685 {add = true} : memref<40000xf32, #tpu.memory_space<vmem>>[vector<16xi32>], vector<16xf32>,
        %add3A_686 = arith.constant 2 : i32
        %add3A_687 = vector.broadcast %add3A_686 : i32 to vector<16xi32>
        %add3A_688 = arith.addi %shift_right_logical3A_669, %add3A_687 : vector<16xi32>
        %gather3A_689 = tpu.vector_load_idx %arg6[%add3A_688] : memref<40000xf32, #tpu.memory_space<vmem>>[vector<16xi32>], vector<16xf32>,
        %add3A_690 = arith.constant 2 : i32
        %add3A_691 = vector.broadcast %add3A_690 : i32 to vector<16xi32>
        %add3A_692 = arith.addi %and3A_666, %add3A_691 : vector<16xi32>
        %mul3A_693 = arith.mulf %gather3A_689, %get3A_663 : vector<16xf32>
        tpu.vector_store_idx %arg7[%add3A_692], %mul3A_693 {add = true} : memref<40000xf32, #tpu.memory_space<vmem>>[vector<16xi32>], vector<16xf32>,
        %add3A_694 = arith.constant 3 : i32
        %add3A_695 = vector.broadcast %add3A_694 : i32 to vector<16xi32>
        %add3A_696 = arith.addi %shift_right_logical3A_669, %add3A_695 : vector<16xi32>
        %gather3A_697 = tpu.vector_load_idx %arg6[%add3A_696] : memref<40000xf32, #tpu.memory_space<vmem>>[vector<16xi32>], vector<16xf32>,
        %add3A_698 = arith.constant 3 : i32
        %add3A_699 = vector.broadcast %add3A_698 : i32 to vector<16xi32>
        %add3A_700 = arith.addi %and3A_666, %add3A_699 : vector<16xi32>
        %mul3A_701 = arith.mulf %gather3A_697, %get3A_663 : vector<16xf32>
        tpu.vector_store_idx %arg7[%add3A_700], %mul3A_701 {add = true} : memref<40000xf32, #tpu.memory_space<vmem>>[vector<16xi32>], vector<16xf32>,
      }
      %scan3A_280 = arith.constant 400 : i32
      %add3A_281 = arith.constant 1 : i32
      %add3A_282 = arith.addi %add3A_249, %add3A_281 : i32
      %add3A_283 = arith.constant 2 : i32
      %add3A_284 = arith.addi %add3A_282, %add3A_283 : i32
      %lt3A_285 = arith.constant 100 : i32
      %lt3A_286 = arith.cmpi slt, %add3A_284, %lt3A_285 : i32
      %convert_element_type3A_287 = arith.extui %lt3A_286 : i1 to i32
      %cond3A_288 = arith.constant 0 : i32
      %cond3A_289 = arith.cmpi ne, %convert_element_type3A_287, %cond3A_288 : i32
      scf.if %cond3A_289 {
        %mul3A_290 = arith.constant 6400 : i32
        %mul3A_291 = arith.muli %add3A_284, %mul3A_290 : i32
        %dma_start3A_292 = tpu.memref_slice %arg3[%mul3A_291] : memref<640000xi32, #tpu.memory_space<hbm>> -> memref<6400xi32, #tpu.memory_space<hbm>>
        %dma_start3A_293 = tpu.memref_slice %arg3[%mul3A_291] : memref<640000xi32, #tpu.memory_space<hbm>> -> memref<6400xi32, #tpu.memory_space<hbm>>
        tpu.enqueue_dma source(%dma_start3A_293 : memref<6400xi32, #tpu.memory_space<hbm>>) target(%arg9 : memref<6400xi32, #tpu.memory_space<vmem>>) target_semaphore(%arg13 : memref<!tpu.dma_semaphore, #tpu.memory_space<semaphore_mem>>)
        %dma_start3A_294 = tpu.memref_slice %arg4[%mul3A_291] : memref<640000xf32, #tpu.memory_space<hbm>> -> memref<6400xf32, #tpu.memory_space<hbm>>
        %dma_start3A_295 = tpu.memref_slice %arg4[%mul3A_291] : memref<640000xf32, #tpu.memory_space<hbm>> -> memref<6400xf32, #tpu.memory_space<hbm>>
        tpu.enqueue_dma source(%dma_start3A_295 : memref<6400xf32, #tpu.memory_space<hbm>>) target(%arg11 : memref<6400xf32, #tpu.memory_space<vmem>>) target_semaphore(%arg13 : memref<!tpu.dma_semaphore, #tpu.memory_space<semaphore_mem>>)
      } else {
      }
    }
    %scan3A_167 = arith.constant 50 : i32
    %scan3A_168 = arith.constant 0 : i32
    %scan3A_169 = arith.constant 2496 : i32
    %scan3A_170 = arith.addi %scan3A_168, %scan3A_169 : i32
    %scan3A_171 = arith.constant 8 : i32
    scf.for %scan3A_245 = %scan3A_168 to %scan3A_170 step %scan3A_171  : i32 {
      %mul3A_246 = arith.constant 1 : i32
      %mul3A_247 = arith.muli %scan3A_245, %mul3A_246 : i32
      %add3A_248 = arith.constant 0 : i32
      %add3A_249 = arith.addi %add3A_248, %mul3A_247 : i32
      %mul3A_250 = arith.constant 16 : i32
      %mul3A_251 = arith.muli %add3A_249, %mul3A_250 : i32
      %get3A_252 = arith.index_cast %mul3A_251 : i32 to index
      %get3A_253 = tpu.vector_load %arg6[%get3A_252] {strides = array<i32>} : memref<40000xf32, #tpu.memory_space<vmem>>, vector<16xf32>,
      %get3A_254 = arith.index_cast %mul3A_251 : i32 to index
      %get3A_255 = tpu.vector_load %arg7[%get3A_254] {strides = array<i32>} : memref<40000xf32, #tpu.memory_space<vmem>>, vector<16xf32>,
      %add3A_256 = arith.addf %get3A_253, %get3A_255 : vector<16xf32>
      %mul3A_257 = arith.constant 5.000000e-01 : f32
      %mul3A_258 = vector.broadcast %mul3A_257 : f32 to vector<16xf32>
      %mul3A_259 = arith.mulf %add3A_256, %mul3A_258 : vector<16xf32>
      %swap3A_260 = arith.index_cast %mul3A_251 : i32 to index
      %swap3A_261 = tpu.vector_load %arg6[%swap3A_260] {strides = array<i32>} : memref<40000xf32, #tpu.memory_space<vmem>>, vector<16xf32>,
      tpu.vector_store %arg6[%swap3A_260], %mul3A_259 {strides = array<i32>} : memref<40000xf32, #tpu.memory_space<vmem>>, vector<16xf32>,
      %scan3A_262 = arith.constant 1 : i32
      %scan3A_263 = arith.addi %scan3A_245, %scan3A_262 : i32
      %mul3A_264 = arith.constant 1 : i32
      %mul3A_265 = arith.muli %scan3A_263, %mul3A_264 : i32
      %add3A_266 = arith.constant 0 : i32
      %add3A_267 = arith.addi %add3A_266, %mul3A_265 : i32
      %mul3A_268 = arith.constant 16 : i32
      %mul3A_269 = arith.muli %add3A_267, %mul3A_268 : i32
      %get3A_270 = arith.index_cast %mul3A_269 : i32 to index
      %get3A_271 = tpu.vector_load %arg6[%get3A_270] {strides = array<i32>} : memref<40000xf32, #tpu.memory_space<vmem>>, vector<16xf32>,
      %get3A_272 = arith.index_cast %mul3A_269 : i32 to index
      %get3A_273 = tpu.vector_load %arg7[%get3A_272] {strides = array<i32>} : memref<40000xf32, #tpu.memory_space<vmem>>, vector<16xf32>,
      %add3A_274 = arith.addf %get3A_271, %get3A_273 : vector<16xf32>
      %mul3A_275 = arith.constant 5.000000e-01 : f32
      %mul3A_276 = vector.broadcast %mul3A_275 : f32 to vector<16xf32>
      %mul3A_277 = arith.mulf %add3A_274, %mul3A_276 : vector<16xf32>
      %swap3A_278 = arith.index_cast %mul3A_269 : i32 to index
      %swap3A_279 = tpu.vector_load %arg6[%swap3A_278] {strides = array<i32>} : memref<40000xf32, #tpu.memory_space<vmem>>, vector<16xf32>,
      tpu.vector_store %arg6[%swap3A_278], %mul3A_277 {strides = array<i32>} : memref<40000xf32, #tpu.memory_space<vmem>>, vector<16xf32>,
      %scan3A_280 = arith.constant 2 : i32
      %scan3A_281 = arith.addi %scan3A_245, %scan3A_280 : i32
      %mul3A_282 = arith.constant 1 : i32
      %mul3A_283 = arith.muli %scan3A_281, %mul3A_282 : i32
      %add3A_284 = arith.constant 0 : i32
      %add3A_285 = arith.addi %add3A_284, %mul3A_283 : i32
      %mul3A_286 = arith.constant 16 : i32
      %mul3A_287 = arith.muli %add3A_285, %mul3A_286 : i32
      %get3A_288 = arith.index_cast %mul3A_287 : i32 to index
      %get3A_289 = tpu.vector_load %arg6[%get3A_288] {strides = array<i32>} : memref<40000xf32, #tpu.memory_space<vmem>>, vector<16xf32>,
      %get3A_290 = arith.index_cast %mul3A_287 : i32 to index
      %get3A_291 = tpu.vector_load %arg7[%get3A_290] {strides = array<i32>} : memref<40000xf32, #tpu.memory_space<vmem>>, vector<16xf32>,
      %add3A_292 = arith.addf %get3A_289, %get3A_291 : vector<16xf32>
      %mul3A_293 = arith.constant 5.000000e-01 : f32
      %mul3A_294 = vector.broadcast %mul3A_293 : f32 to vector<16xf32>
      %mul3A_295 = arith.mulf %add3A_292, %mul3A_294 : vector<16xf32>
      %swap3A_296 = arith.index_cast %mul3A_287 : i32 to index
      %swap3A_297 = tpu.vector_load %arg6[%swap3A_296] {strides = array<i32>} : memref<40000xf32, #tpu.memory_space<vmem>>, vector<16xf32>,
      tpu.vector_store %arg6[%swap3A_296], %mul3A_295 {strides = array<i32>} : memref<40000xf32, #tpu.memory_space<vmem>>, vector<16xf32>,
      %scan3A_298 = arith.constant 3 : i32
      %scan3A_299 = arith.addi %scan3A_245, %scan3A_298 : i32
      %mul3A_300 = arith.constant 1 : i32
      %mul3A_301 = arith.muli %scan3A_299, %mul3A_300 : i32
      %add3A_302 = arith.constant 0 : i32
      %add3A_303 = arith.addi %add3A_302, %mul3A_301 : i32
      %mul3A_304 = arith.constant 16 : i32
      %mul3A_305 = arith.muli %add3A_303, %mul3A_304 : i32
      %get3A_306 = arith.index_cast %mul3A_305 : i32 to index
      %get3A_307 = tpu.vector_load %arg6[%get3A_306] {strides = array<i32>} : memref<40000xf32, #tpu.memory_space<vmem>>, vector<16xf32>,
      %get3A_308 = arith.index_cast %mul3A_305 : i32 to index
      %get3A_309 = tpu.vector_load %arg7[%get3A_308] {strides = array<i32>} : memref<40000xf32, #tpu.memory_space<vmem>>, vector<16xf32>,
      %add3A_310 = arith.addf %get3A_307, %get3A_309 : vector<16xf32>
      %mul3A_311 = arith.constant 5.000000e-01 : f32
      %mul3A_312 = vector.broadcast %mul3A_311 : f32 to vector<16xf32>
      %mul3A_313 = arith.mulf %add3A_310, %mul3A_312 : vector<16xf32>
      %swap3A_314 = arith.index_cast %mul3A_305 : i32 to index
      %swap3A_315 = tpu.vector_load %arg6[%swap3A_314] {strides = array<i32>} : memref<40000xf32, #tpu.memory_space<vmem>>, vector<16xf32>,
      tpu.vector_store %arg6[%swap3A_314], %mul3A_313 {strides = array<i32>} : memref<40000xf32, #tpu.memory_space<vmem>>, vector<16xf32>,
      %scan3A_316 = arith.constant 4 : i32
      %scan3A_317 = arith.addi %scan3A_245, %scan3A_316 : i32
      %mul3A_318 = arith.constant 1 : i32
      %mul3A_319 = arith.muli %scan3A_317, %mul3A_318 : i32
      %add3A_320 = arith.constant 0 : i32
      %add3A_321 = arith.addi %add3A_320, %mul3A_319 : i32
      %mul3A_322 = arith.constant 16 : i32
      %mul3A_323 = arith.muli %add3A_321, %mul3A_322 : i32
      %get3A_324 = arith.index_cast %mul3A_323 : i32 to index
      %get3A_325 = tpu.vector_load %arg6[%get3A_324] {strides = array<i32>} : memref<40000xf32, #tpu.memory_space<vmem>>, vector<16xf32>,
      %get3A_326 = arith.index_cast %mul3A_323 : i32 to index
      %get3A_327 = tpu.vector_load %arg7[%get3A_326] {strides = array<i32>} : memref<40000xf32, #tpu.memory_space<vmem>>, vector<16xf32>,
      %add3A_328 = arith.addf %get3A_325, %get3A_327 : vector<16xf32>
      %mul3A_329 = arith.constant 5.000000e-01 : f32
      %mul3A_330 = vector.broadcast %mul3A_329 : f32 to vector<16xf32>
      %mul3A_331 = arith.mulf %add3A_328, %mul3A_330 : vector<16xf32>
      %swap3A_332 = arith.index_cast %mul3A_323 : i32 to index
      %swap3A_333 = tpu.vector_load %arg6[%swap3A_332] {strides = array<i32>} : memref<40000xf32, #tpu.memory_space<vmem>>, vector<16xf32>,
      tpu.vector_store %arg6[%swap3A_332], %mul3A_331 {strides = array<i32>} : memref<40000xf32, #tpu.memory_space<vmem>>, vector<16xf32>,
      %scan3A_334 = arith.constant 5 : i32
      %scan3A_335 = arith.addi %scan3A_245, %scan3A_334 : i32
      %mul3A_336 = arith.constant 1 : i32
      %mul3A_337 = arith.muli %scan3A_335, %mul3A_336 : i32
      %add3A_338 = arith.constant 0 : i32
      %add3A_339 = arith.addi %add3A_338, %mul3A_337 : i32
      %mul3A_340 = arith.constant 16 : i32
      %mul3A_341 = arith.muli %add3A_339, %mul3A_340 : i32
      %get3A_342 = arith.index_cast %mul3A_341 : i32 to index
      %get3A_343 = tpu.vector_load %arg6[%get3A_342] {strides = array<i32>} : memref<40000xf32, #tpu.memory_space<vmem>>, vector<16xf32>,
      %get3A_344 = arith.index_cast %mul3A_341 : i32 to index
      %get3A_345 = tpu.vector_load %arg7[%get3A_344] {strides = array<i32>} : memref<40000xf32, #tpu.memory_space<vmem>>, vector<16xf32>,
      %add3A_346 = arith.addf %get3A_343, %get3A_345 : vector<16xf32>
      %mul3A_347 = arith.constant 5.000000e-01 : f32
      %mul3A_348 = vector.broadcast %mul3A_347 : f32 to vector<16xf32>
      %mul3A_349 = arith.mulf %add3A_346, %mul3A_348 : vector<16xf32>
      %swap3A_350 = arith.index_cast %mul3A_341 : i32 to index
      %swap3A_351 = tpu.vector_load %arg6[%swap3A_350] {strides = array<i32>} : memref<40000xf32, #tpu.memory_space<vmem>>, vector<16xf32>,
      tpu.vector_store %arg6[%swap3A_350], %mul3A_349 {strides = array<i32>} : memref<40000xf32, #tpu.memory_space<vmem>>, vector<16xf32>,
      %scan3A_352 = arith.constant 6 : i32
      %scan3A_353 = arith.addi %scan3A_245, %scan3A_352 : i32
      %mul3A_354 = arith.constant 1 : i32
      %mul3A_355 = arith.muli %scan3A_353, %mul3A_354 : i32
      %add3A_356 = arith.constant 0 : i32
      %add3A_357 = arith.addi %add3A_356, %mul3A_355 : i32
      %mul3A_358 = arith.constant 16 : i32
      %mul3A_359 = arith.muli %add3A_357, %mul3A_358 : i32
      %get3A_360 = arith.index_cast %mul3A_359 : i32 to index
      %get3A_361 = tpu.vector_load %arg6[%get3A_360] {strides = array<i32>} : memref<40000xf32, #tpu.memory_space<vmem>>, vector<16xf32>,
      %get3A_362 = arith.index_cast %mul3A_359 : i32 to index
      %get3A_363 = tpu.vector_load %arg7[%get3A_362] {strides = array<i32>} : memref<40000xf32, #tpu.memory_space<vmem>>, vector<16xf32>,
      %add3A_364 = arith.addf %get3A_361, %get3A_363 : vector<16xf32>
      %mul3A_365 = arith.constant 5.000000e-01 : f32
      %mul3A_366 = vector.broadcast %mul3A_365 : f32 to vector<16xf32>
      %mul3A_367 = arith.mulf %add3A_364, %mul3A_366 : vector<16xf32>
      %swap3A_368 = arith.index_cast %mul3A_359 : i32 to index
      %swap3A_369 = tpu.vector_load %arg6[%swap3A_368] {strides = array<i32>} : memref<40000xf32, #tpu.memory_space<vmem>>, vector<16xf32>,
      tpu.vector_store %arg6[%swap3A_368], %mul3A_367 {strides = array<i32>} : memref<40000xf32, #tpu.memory_space<vmem>>, vector<16xf32>,
      %scan3A_370 = arith.constant 7 : i32
      %scan3A_371 = arith.addi %scan3A_245, %scan3A_370 : i32
      %mul3A_372 = arith.constant 1 : i32
      %mul3A_373 = arith.muli %scan3A_371, %mul3A_372 : i32
      %add3A_374 = arith.constant 0 : i32
      %add3A_375 = arith.addi %add3A_374, %mul3A_373 : i32
      %mul3A_376 = arith.constant 16 : i32
      %mul3A_377 = arith.muli %add3A_375, %mul3A_376 : i32
      %get3A_378 = arith.index_cast %mul3A_377 : i32 to index
      %get3A_379 = tpu.vector_load %arg6[%get3A_378] {strides = array<i32>} : memref<40000xf32, #tpu.memory_space<vmem>>, vector<16xf32>,
      %get3A_380 = arith.index_cast %mul3A_377 : i32 to index
      %get3A_381 = tpu.vector_load %arg7[%get3A_380] {strides = array<i32>} : memref<40000xf32, #tpu.memory_space<vmem>>, vector<16xf32>,
      %add3A_382 = arith.addf %get3A_379, %get3A_381 : vector<16xf32>
      %mul3A_383 = arith.constant 5.000000e-01 : f32
      %mul3A_384 = vector.broadcast %mul3A_383 : f32 to vector<16xf32>
      %mul3A_385 = arith.mulf %add3A_382, %mul3A_384 : vector<16xf32>
      %swap3A_386 = arith.index_cast %mul3A_377 : i32 to index
      %swap3A_387 = tpu.vector_load %arg6[%swap3A_386] {strides = array<i32>} : memref<40000xf32, #tpu.memory_space<vmem>>, vector<16xf32>,
      tpu.vector_store %arg6[%swap3A_386], %mul3A_385 {strides = array<i32>} : memref<40000xf32, #tpu.memory_space<vmem>>, vector<16xf32>,
    }
    %scan3A_172 = arith.constant 2496 : i32
    %scan3A_173 = arith.addi %scan3A_168, %scan3A_172 : i32
    %mul3A_174 = arith.constant 1 : i32
    %mul3A_175 = arith.muli %scan3A_173, %mul3A_174 : i32
    %add3A_176 = arith.constant 0 : i32
    %add3A_177 = arith.addi %add3A_176, %mul3A_175 : i32
    %mul3A_178 = arith.constant 16 : i32
    %mul3A_179 = arith.muli %add3A_177, %mul3A_178 : i32
    %get3A_180 = arith.index_cast %mul3A_179 : i32 to index
    %get3A_181 = tpu.vector_load %arg6[%get3A_180] {strides = array<i32>} : memref<40000xf32, #tpu.memory_space<vmem>>, vector<16xf32>,
    %get3A_182 = arith.index_cast %mul3A_179 : i32 to index
    %get3A_183 = tpu.vector_load %arg7[%get3A_182] {strides = array<i32>} : memref<40000xf32, #tpu.memory_space<vmem>>, vector<16xf32>,
    %add3A_184 = arith.addf %get3A_181, %get3A_183 : vector<16xf32>
    %mul3A_185 = arith.constant 5.000000e-01 : f32
    %mul3A_186 = vector.broadcast %mul3A_185 : f32 to vector<16xf32>
    %mul3A_187 = arith.mulf %add3A_184, %mul3A_186 : vector<16xf32>
    %swap3A_188 = arith.index_cast %mul3A_179 : i32 to index
    %swap3A_189 = tpu.vector_load %arg6[%swap3A_188] {strides = array<i32>} : memref<40000xf32, #tpu.memory_space<vmem>>, vector<16xf32>,
    tpu.vector_store %arg6[%swap3A_188], %mul3A_187 {strides = array<i32>} : memref<40000xf32, #tpu.memory_space<vmem>>, vector<16xf32>,
    %scan3A_190 = arith.constant 2497 : i32
    %scan3A_191 = arith.addi %scan3A_168, %scan3A_190 : i32
    %mul3A_192 = arith.constant 1 : i32
    %mul3A_193 = arith.muli %scan3A_191, %mul3A_192 : i32
    %add3A_194 = arith.constant 0 : i32
    %add3A_195 = arith.addi %add3A_194, %mul3A_193 : i32
    %mul3A_196 = arith.constant 16 : i32
    %mul3A_197 = arith.muli %add3A_195, %mul3A_196 : i32
    %get3A_198 = arith.index_cast %mul3A_197 : i32 to index
    %get3A_199 = tpu.vector_load %arg6[%get3A_198] {strides = array<i32>} : memref<40000xf32, #tpu.memory_space<vmem>>, vector<16xf32>,
    %get3A_200 = arith.index_cast %mul3A_197 : i32 to index
    %get3A_201 = tpu.vector_load %arg7[%get3A_200] {strides = array<i32>} : memref<40000xf32, #tpu.memory_space<vmem>>, vector<16xf32>,
    %add3A_202 = arith.addf %get3A_199, %get3A_201 : vector<16xf32>
    %mul3A_203 = arith.constant 5.000000e-01 : f32
    %mul3A_204 = vector.broadcast %mul3A_203 : f32 to vector<16xf32>
    %mul3A_205 = arith.mulf %add3A_202, %mul3A_204 : vector<16xf32>
    %swap3A_206 = arith.index_cast %mul3A_197 : i32 to index
    %swap3A_207 = tpu.vector_load %arg6[%swap3A_206] {strides = array<i32>} : memref<40000xf32, #tpu.memory_space<vmem>>, vector<16xf32>,
    tpu.vector_store %arg6[%swap3A_206], %mul3A_205 {strides = array<i32>} : memref<40000xf32, #tpu.memory_space<vmem>>, vector<16xf32>,
    %scan3A_208 = arith.constant 2498 : i32
    %scan3A_209 = arith.addi %scan3A_168, %scan3A_208 : i32
    %mul3A_210 = arith.constant 1 : i32
    %mul3A_211 = arith.muli %scan3A_209, %mul3A_210 : i32
    %add3A_212 = arith.constant 0 : i32
    %add3A_213 = arith.addi %add3A_212, %mul3A_211 : i32
    %mul3A_214 = arith.constant 16 : i32
    %mul3A_215 = arith.muli %add3A_213, %mul3A_214 : i32
    %get3A_216 = arith.index_cast %mul3A_215 : i32 to index
    %get3A_217 = tpu.vector_load %arg6[%get3A_216] {strides = array<i32>} : memref<40000xf32, #tpu.memory_space<vmem>>, vector<16xf32>,
    %get3A_218 = arith.index_cast %mul3A_215 : i32 to index
    %get3A_219 = tpu.vector_load %arg7[%get3A_218] {strides = array<i32>} : memref<40000xf32, #tpu.memory_space<vmem>>, vector<16xf32>,
    %add3A_220 = arith.addf %get3A_217, %get3A_219 : vector<16xf32>
    %mul3A_221 = arith.constant 5.000000e-01 : f32
    %mul3A_222 = vector.broadcast %mul3A_221 : f32 to vector<16xf32>
    %mul3A_223 = arith.mulf %add3A_220, %mul3A_222 : vector<16xf32>
    %swap3A_224 = arith.index_cast %mul3A_215 : i32 to index
    %swap3A_225 = tpu.vector_load %arg6[%swap3A_224] {strides = array<i32>} : memref<40000xf32, #tpu.memory_space<vmem>>, vector<16xf32>,
    tpu.vector_store %arg6[%swap3A_224], %mul3A_223 {strides = array<i32>} : memref<40000xf32, #tpu.memory_space<vmem>>, vector<16xf32>,
    %scan3A_226 = arith.constant 2499 : i32
    %scan3A_227 = arith.addi %scan3A_168, %scan3A_226 : i32
    %mul3A_228 = arith.constant 1 : i32
    %mul3A_229 = arith.muli %scan3A_227, %mul3A_228 : i32
    %add3A_230 = arith.constant 0 : i32
    %add3A_231 = arith.addi %add3A_230, %mul3A_229 : i32
    %mul3A_232 = arith.constant 16 : i32
    %mul3A_233 = arith.muli %add3A_231, %mul3A_232 : i32
    %get3A_234 = arith.index_cast %mul3A_233 : i32 to index
    %get3A_235 = tpu.vector_load %arg6[%get3A_234] {strides = array<i32>} : memref<40000xf32, #tpu.memory_space<vmem>>, vector<16xf32>,
    %get3A_236 = arith.index_cast %mul3A_233 : i32 to index
    %get3A_237 = tpu.vector_load %arg7[%get3A_236] {strides = array<i32>} : memref<40000xf32, #tpu.memory_space<vmem>>, vector<16xf32>,
    %add3A_238 = arith.addf %get3A_235, %get3A_237 : vector<16xf32>
    %mul3A_239 = arith.constant 5.000000e-01 : f32
    %mul3A_240 = vector.broadcast %mul3A_239 : f32 to vector<16xf32>
    %mul3A_241 = arith.mulf %add3A_238, %mul3A_240 : vector<16xf32>
    %swap3A_242 = arith.index_cast %mul3A_233 : i32 to index
    %swap3A_243 = tpu.vector_load %arg6[%swap3A_242] {strides = array<i32>} : memref<40000xf32, #tpu.memory_space<vmem>>, vector<16xf32>,
    tpu.vector_store %arg6[%swap3A_242], %mul3A_241 {strides = array<i32>} : memref<40000xf32, #tpu.memory_space<vmem>>, vector<16xf32>,
    %scan3A_244 = arith.constant 2500 : i32
    "tpu.region"() ({
      %run_scoped3A = tpu.sem_alloc : memref<!tpu.dma_semaphore, #tpu.memory_space<semaphore_mem>>
      %dma_start3A_245 = arith.constant 0 : i32
      %dma_start3A_246 = tpu.memref_slice %arg5[%add3A, %dma_start3A_245] : memref<32x40000xf32, #tpu.memory_space<hbm>> -> memref<1x40000xf32, #tpu.memory_space<hbm>>
      %dma_start3A_247 = tpu.memref_squeeze %dma_start3A_246 : memref<1x40000xf32, #tpu.memory_space<hbm>> -> memref<40000xf32, #tpu.memory_space<hbm>>
      %dma_start3A_248 = arith.constant 0 : i32
      %dma_start3A_249 = tpu.memref_slice %arg5[%add3A, %dma_start3A_248] : memref<32x40000xf32, #tpu.memory_space<hbm>> -> memref<1x40000xf32, #tpu.memory_space<hbm>>
      %dma_start3A_250 = tpu.memref_squeeze %dma_start3A_249 : memref<1x40000xf32, #tpu.memory_space<hbm>> -> memref<40000xf32, #tpu.memory_space<hbm>>
      tpu.enqueue_dma source(%arg6 : memref<40000xf32, #tpu.memory_space<vmem>>) target(%dma_start3A_250 : memref<40000xf32, #tpu.memory_space<hbm>>) target_semaphore(%run_scoped3A : memref<!tpu.dma_semaphore, #tpu.memory_space<semaphore_mem>>)
      %dma_wait3A = arith.constant 0 : i32
      %dma_wait3A_251 = tpu.memref_slice %arg5[%add3A, %dma_wait3A] : memref<32x40000xf32, #tpu.memory_space<hbm>> -> memref<1x40000xf32, #tpu.memory_space<hbm>>
      %dma_wait3A_252 = tpu.memref_squeeze %dma_wait3A_251 : memref<1x40000xf32, #tpu.memory_space<hbm>> -> memref<40000xf32, #tpu.memory_space<hbm>>
      %dma_wait3A_253 = arith.constant 0 : i32
      %dma_wait3A_254 = tpu.memref_slice %arg5[%add3A, %dma_wait3A_253] : memref<32x40000xf32, #tpu.memory_space<hbm>> -> memref<1x40000xf32, #tpu.memory_space<hbm>>
      %dma_wait3A_255 = tpu.memref_squeeze %dma_wait3A_254 : memref<1x40000xf32, #tpu.memory_space<hbm>> -> memref<40000xf32, #tpu.memory_space<hbm>>
      tpu.wait_dma2 semaphore(%run_scoped3A : memref<!tpu.dma_semaphore, #tpu.memory_space<semaphore_mem>>) src(%arg6 : memref<40000xf32, #tpu.memory_space<vmem>>) dst(%dma_wait3A_255 : memref<40000xf32, #tpu.memory_space<hbm>>)
      tpu.yield
    }) : () -> ()
    return
  }
}

</mosaic_0001>

<sc_bundles>
// kernel: kernel.3.cloned.1.call-start
scs
__scs_entry_jumppad:
0x0: {  	(pc) =	sbr.rel $0x88, $3  }
0x1: {  	(tag) =	ssettag $0x0;
	lr =	simm.s32 $0x1  }
0x2: {  	[smem:$0x3F9C] =	sst lr;
	_ =	strace $0xD0000000  }
0x3: {  	_ = 	snop  }
0x4: {  	_ = 	snop  }
0x5: {  	_ = 	snop  }
0x6: {  	_ = 	snop  }
0x7: {  	_ = 	snop  }
__scs_overlays_trampoline_lowered:
0x8: {  	[smem:$0x3FAB] =	sst s0  }
0x9: {  	[smem:$0x3FAC] =	sst s1  }
0xa: {  	[smem:$0x3FAD] =	sst s2  }
0xb: {  	[smem:$0x3FAE] =	sst s3  }
0xc: {  	[smem:$0x3FAF] =	sst s4  }
0xd: {  	[smem:$0x3FB0] =	sst s5  }
0xe: {  	[smem:$0x3FB1] =	sst s6  }
0xf: {  	[smem:$0x3FB2] =	sst s7  }
0x10: {  	[smem:$0x3FB3] =	sst s8  }
0x11: {  	[smem:$0x3FB4] =	sst s9;
	s0 =	simm.s32 @!p0 $0x0  }
0x12: {  	s1 =	sld [smem:$0x3F9A];
	s0 =	simm.s32 @p0 $0x1  }
0x13: {  	[smem:$0x3FB5] =	sst s0;
	s0 =	simm.s32 @!p1 $0x0  }
0x14: {  	s2 =	sld [smem:$0x3F99];
	s0 =	simm.s32 @p1 $0x1  }
0x15: {  	[smem:$0x3FB6] =	sst s0;
	s0 =	simm.s32 @!p2 $0x0  }
0x16: {  	s3 =	sld [smem:$0x3FDB];
	s0 =	simm.s32 @p2 $0x1  }
0x17: {  	s4 =	simm.s32 $0x1BF5;
	[smem:$0x3FB8] =	sst s0  }
0x18: {  	s0 =	sld [smem:$0x3F9B];
	_ =	swait.ge [sflag:s4], $0x0  }
0x19: {  	s7 =	sld [smem:$0x3F9C]  }
0x1a: {  	s8 =	sadd.s32 $0xFFFFE003, lr  }
0x1b: {  	s9 =	sadd.s32 $0xFFFFFEF7, lr;
	s5 =	simm.s32 $0xFFFFFFFF;
	p2 =	slt.u32 s8, $0xFFFFF086  }
0x1c: {  	p1 =	slt.u32 s9, $0xF7A;
	s5 =	simm.s32 @!p2 $0x0  }
0x1d: {  	s5 =	simm.s32 @p1 $0x1;
	p0 =	seq.s32 s7, s2  }
0x1e: {  	s7 =	smul.u32 @!p0 $0xF7A, s2;
	p2 =	seq.s32 @!p0 s5, $0x0  }
0x1f: {  	s9 =	smul.u32 $0xF7A, s1;
	s8 =	simm.s32 @!p0 $0x1BF5;
	p2 =	por !p2, p0  }
0x20: {  	[sflag:s8] =	ssyncset.s32 @!p0 $0xFFFFF086;
	s6 =	sadd.s32 @!p0 s3, s7;
	s7 =	simm.s32 @!p0 $0x108  }
0x21: {  	s3 =	sadd.s32 s3, s9;
	s6 =	sadd.s32 @!p0 $0x88, s6;
	s7 =	simm.s32 @p2 $0x1082  }
0x22: {  	[simem:s7], [sflag:s8] =	dma.local @!p0 [hbm:s6], $0xF7A  }
0x23: {  	s9 =	sor.u32 $0xD0000000, s2;
	s6 =	simm.s32 $0x108;
	_ =	swait.ge @!p0 [sflag:s8], $0x0  }
0x24: {  	s3 =	sadd.s32 $0x88, s3;
	s6 =	simm.s32 @!p1 $0x1082;
	[sflag:s4] =	ssyncset.s32 $0xFFFFF086  }
0x25: {  	[simem:s6], [sflag:s4] =	dma.local [hbm:s3], $0xF7A  }
0x26: {  	[smem:$0x3F9C] =	sst s1;
	(tag) =	ssettag s2;
	_ =	strace s9  }
0x27: {  	s1 =	sld [smem:$0x3FAC]  }
0x28: {  	s2 =	sld [smem:$0x3FAD]  }
0x29: {  	s4 =	sld [smem:$0x3FAF]  }
0x2a: {  	p0 =	seq.s32 s5, $0x0;
	s5 =	sld [smem:$0x3FB0]  }
0x2b: {  	s6 =	sld [smem:$0x3FB1]  }
0x2c: {  	s7 =	sld [smem:$0x3FB2]  }
0x2d: {  	s3 =	simm.s32 $0x108;
	s8 =	sld [smem:$0x3FB3]  }
0x2e: {  	s3 =	simm.s32 @!p0 $0x1082;
	s9 =	sld [smem:$0x3FB4]  }
0x2f: {  	lr =	sadd.s32 s0, s3;
	s0 =	sld [smem:$0x3FAB]  }
0x30: {  	s3 =	sld [smem:$0x3FAE]  }
0x31: {  	[smem:$0x3FB7] =	sst s10  }
0x32: {  	s10 =	sld [smem:$0x3FB5];
	_ =	sdelay $0x3  }
0x33: {  	p0 =	seq.s32 s10, $0x1;
	s10 =	sld [smem:$0x3FB7];
	_ =	sdelay $0x3  }
0x34: {  	[smem:$0x3FB7] =	sst s10  }
0x35: {  	s10 =	sld [smem:$0x3FB6];
	_ =	sdelay $0x3  }
0x36: {  	p1 =	seq.s32 s10, $0x1;
	s10 =	sld [smem:$0x3FB7];
	_ =	sdelay $0x3  }
0x37: {  	[smem:$0x3FB7] =	sst s10  }
0x38: {  	s10 =	sld [smem:$0x3FB8]  }
0x39: {  	_ = 	snop;
	(pc) =	sbr.ind lr, $3  }
0x3a: {  	_ = 	snop  }
0x3b: {  	_ = 	snop  }
0x3c: {  	p2 =	seq.s32 s10, $0x1;
	s10 =	sld [smem:$0x3FB7]  }
0x3d: {  	_ =	shalt  }
0x3e: {  	_ =	shalt  }
0x3f: {  	_ =	shalt  }
0x40: {  	_ =	shalt  }
0x41: {  	_ =	shalt  }
0x42: {  	_ =	shalt  }
0x43: {  	_ =	shalt  }
0x44: {  	_ =	shalt  }
0x45: {  	_ =	shalt  }
0x46: {  	_ =	shalt  }
0x47: {  	_ =	shalt  }
0x48: {  	_ =	shalt  }
0x49: {  	_ =	shalt  }
0x4a: {  	_ =	shalt  }
0x4b: {  	_ =	shalt  }
0x4c: {  	_ =	shalt  }
0x4d: {  	_ =	shalt  }
0x4e: {  	_ =	shalt  }
0x4f: {  	_ =	shalt  }
0x50: {  	_ =	shalt  }
0x51: {  	_ =	shalt  }
0x52: {  	_ =	shalt  }
0x53: {  	_ =	shalt  }
0x54: {  	_ =	shalt  }
0x55: {  	_ =	shalt  }
0x56: {  	_ =	shalt  }
0x57: {  	_ =	shalt  }
0x58: {  	_ =	shalt  }
0x59: {  	_ =	shalt  }
0x5a: {  	_ =	shalt  }
0x5b: {  	_ =	shalt  }
0x5c: {  	_ =	shalt  }
0x5d: {  	_ =	shalt  }
0x5e: {  	_ =	shalt  }
0x5f: {  	_ =	shalt  }
0x60: {  	_ =	shalt  }
0x61: {  	_ =	shalt  }
0x62: {  	_ =	shalt  }
0x63: {  	_ =	shalt  }
0x64: {  	_ =	shalt  }
0x65: {  	_ =	shalt  }
0x66: {  	_ =	shalt  }
0x67: {  	_ =	shalt  }
0x68: {  	_ =	shalt  }
0x69: {  	_ =	shalt  }
0x6a: {  	_ =	shalt  }
0x6b: {  	_ =	shalt  }
0x6c: {  	_ =	shalt  }
0x6d: {  	_ =	shalt  }
0x6e: {  	_ =	shalt  }
0x6f: {  	_ =	shalt  }
0x70: {  	_ =	shalt  }
0x71: {  	_ =	shalt  }
0x72: {  	_ =	shalt  }
0x73: {  	_ =	shalt  }
0x74: {  	_ =	shalt  }
0x75: {  	_ =	shalt  }
0x76: {  	_ =	shalt  }
0x77: {  	_ =	shalt  }
0x78: {  	_ =	shalt  }
0x79: {  	_ =	shalt  }
0x7a: {  	_ =	shalt  }
0x7b: {  	_ =	shalt  }
0x7c: {  	_ =	shalt  }
0x7d: {  	_ =	shalt  }
0x7e: {  	_ =	shalt  }
0x7f: {  	_ =	shalt  }
0x80: {  	_ =	shalt  }
0x81: {  	_ =	shalt  }
0x82: {  	_ =	shalt  }
0x83: {  	_ =	shalt  }
0x84: {  	_ =	shalt  }
0x85: {  	_ =	shalt  }
0x86: {  	_ =	shalt  }
0x87: {  	_ =	shalt  }
.Lfunc_end0:
.L_simem_size_0:
called_computation_lowered:
.L_overlay_start_0:
0x88: {  	s2 =	sld [smem:$0x3FD9]  }
0x89: {  	s3 =	sld [smem:$0x3FFE];
	_ =	sdelay $0x1  }
0x8a: {  	s1 =	srdreg.scid  }
0x8b: {  	s0 =	sand.u32 $0x1, s1  }
0x8c: {  	s17 =	sshll.u32 s0, $0xA;
	s2 =	sadd.s32 s3, s2  }
0x8d: {  	s2 =	sadd.s32 s2, s17  }
0x8e: {  	[smem:$0x3FC3] =	sst s2  }
0x8f: {  	_ = 	snop  }
0x90: {  	s2 =	sld [smem:$0x3FD0];
	(tm) =	ssettm $0x1  }
0x91: {  	s18 =	sld [smem:$0x3FFB];
	_ =	sdelay $0x3  }
0x92: {  	_ =	strace s18  }
0x93: {  	s3 =	sld [smem:$0x3FFC];
	_ =	sdelay $0x3  }
0x94: {  	_ =	strace s3  }
0x95: {  	s3 =	sld [smem:$0x3FFD];
	_ =	sdelay $0x3  }
0x96: {  	_ =	strace s3  }
0x97: {  	_ =	strace $0x8FFFFFFF  }
0x98: {  	s19 =	sld [smem:$0x3FDB];
	_ =	sdelay $0x1  }
0x99: {  	s4 =	simm.s32 $_scs_section_size  }
0x9a: {  	s5 =	simm.s32 $_size__tile_overlayer_lowered;
	s6 =	simm.s32 $_tile_overlayer_lowered  }
0x9b: {  	s22 =	simm.s32 $0x1BFF;
	s21 =	sshll.u32 s6, $0x1;
	s3 =	sadd.s32 s4, s19  }
0x9c: {  	s7 =	simm.s32 $0x0;
	s20 =	sshll.u32 s5, $0x1;
	s5 =	sadd.s32 s21, s3  }
0x9d: {  	[timem:s7], [sflag:s22] =	dma.local [hbm:s5], s20  }
0x9e: {  	_ =	swait.ge [sflag:s22], s20  }
0x9f: {  	s4 =	ssub.s32 $0x0, s20;
	[sflag:s22] =	ssyncset.done $0x0  }
0xa0: {  	[sflag:s22] =	ssyncadd.s32 s4;
	_ =	sdelay $0x1  }
0xa1: {  	s23 =	simm.s32 $0x1B8B  }
0xa2: {  	_ =	swait.ge [sflag:s23], $0x1  }
0xa3: {  	[sflag:s23] =	ssyncset.done $0x0  }
0xa4: {  	s25 =	simm.s32 $0x1B8E;
	s24 =	sld [smem:$0x3FFE];
	[sflag:s23] =	ssyncadd.s32 $0xFFFFFFFF  }
0xa5: {  	s26 =	simm.s32 $execute0_lowered;
	[smem:$0x3FD2] =	sst s25  }
0xa6: {  	s5 =	sshll.u32 s26, $0x1;
	_ =	strace $0x80000046;
	[dreg:$0x1] =	wrdreg $0xFFFFFFFF  }
0xa7: {  	s28 =	simm.s32 $_size_execute0_lowered;
	s3 =	sadd.s32 s3, s5;
	[dreg:$0x0] =	wrdreg $0x0  }
0xa8: {  	s5 =	sshll.u32 s28, $0x1;
	[dreg:$0x2] =	wrdreg s3  }
0xa9: {  	[dreg:$0x3] =	wrdreg s5  }
0xaa: {  	[dreg:$0x4] =	wrdreg $0xC0  }
0xab: {  	_ =	task [dreg:s7], $0x5FFFF  }
0xac: {  	[dreg:$0x1] =	wrdreg $0xFFFFFFFF  }
0xad: {  	[dreg:$0x0] =	wrdreg $0x60  }
0xae: {  	[dreg:$0x2] =	wrdreg s24  }
0xaf: {  	[dreg:$0x3] =	wrdreg s2  }
0xb0: {  	[dreg:$0x4] =	wrdreg $0x9  }
0xb1: {  	_ =	task.clear_ibuf [dreg:s7], $0x5FFFF;
	_ =	strace $0x90000046  }
0xb2: {  	s29 =	simm.s32 $0x9;
	_ =	strace $0x80000048  }
0xb3: {  	_ =	swait.ge [sflag:s29], $0x1  }
0xb4: {  	[sflag:s29] =	ssyncadd.s32 $0xFFFFFFFF  }
0xb5: {  	_ =	strace $0x90000048  }
0xb6: {  	_ =	sfence  }
0xb7: {  	s30 =	sld [smem:$0x0];
	_ =	sdelay $0x2  }
0xb8: {  	s31 =	sshll.u32 s1, $0xD;
	s1 =	sshrl.u32 s1, $0x2  }
0xb9: {  	s3 =	sand.u32 $0x4000, s31;
	s1 =	sadd.s32 s1, s30  }
0xba: {  	s0 =	sor.u32 s3, s0;
	s1 =	sshll.u32 s1, $0x11  }
0xbb: {  	s0 =	sor.u32 s1, s0  }
0xbc: {  	s0 =	sadd.s32 $0x8F2B, s0  }
0xbd: {  	[sflag:s0] =	ssyncadd.remote.s32 $0x1  }
0xbe: {  	_ =	sfence.sel $0xFFFF  }
0xbf: {  	[dreg:$0x0] =	wrdreg $0xFFFFFFFF;
	(pc) =	sbr.abs _section_cstart, $3  }
0xc0: {  	[dreg:$0x1] =	wrdreg $0xFFFFFFFF  }
0xc1: {  	_ =	task.clear_ibuf [dreg:s7], $0x2FFFF;
	_ =	strace $0x9FFFFFFF  }
0xc2: {  	(tm) =	ssettm $0x7FFFFFFF  }
0xc3: {  	_ =	shalt  }
tec
execute0_lowered:
.L_overlay_start_1:
0x0: {  	(tag) =	ssettag $0x1  }
0x1: {  	s7 =	rddreg [dreg:$0x0]  }
0x2: {  	s0 =	srdreg.scid;
	s2 =	rddreg [dreg:$0x1];
	s3 =	simm.s32 $0x0  }
0x3: {  	s10 =	simm.s32 $0x13900;
	s11 =	simm.s32 $0x16B00;
	s12 =	simm.s32 $0x15200  }
0x4: {  	s13 =	simm.s32 $0x18400;
	s14 =	simm.s32 $0x80;
	s4 =	sand.u32 $0x1, s0  }
0x5: {  	s15 =	simm.s32 $0x400;
	s0 =	stileid.u32;
	s1 =	sshll.u32 s4, $0x4  }
0x6: {  	s16 =	simm.s32 $0x3;
	s17 =	simm.s32 $0x1;
	s1 =	sor.u32 s0, s1  }
0x7: {  	s18 =	simm.s32 $0x9C80;
	s19 =	simm.s32 $0x2;
	s1 =	sshrl.u32 s1, $0x3  }
0x8: {  	s20 =	simm.s32 $0x0;
	s6 =	sshll.u32 s0, $0x7;
	s5 =	smul.u32 $0x4E400, s1  }
0x9: {  	[smem:$0x7FF] =	sst s3;
	s8 =	ssub.s32 $0x2, s4;
	s6 =	sand.u32 $0x380, s6  }
0xa: {  	s4 =	sadd.s32 $0x27200, s7;
	s31 =	sshrl.u32 s8, $0x1;
	s30 =	sor.u32 s6, s5  }
0xb: {  	s9 =	ssub.s32 s8, s31;
	s1 =	rddreg [dreg:$0x2];
	s6 =	sshrl.u32 s30, $0x3  }
0xc: {  	_ =	strace $0x80000047;
	s9 =	smax.u32 s9, $0x1;
	s5 =	sadd.s32 s7, s6  }
0xd: {  	v0 =	vimm.f32 $0.0e+00;
	s6 =	sadd.s32 $0x320, s2;
	s7 =	sadd.s32 $0x27520, s7;
	s8 =	sadd.s32 $0x3AC00, s5  }
.LBB2_1:
0xe: {  	[tilespmem:s10], [sflag:$0x1] =	stream.linear.gather [hbm4b:s2+s3], $0x1900, $0x38;
	[tilespmem:$0x19D00] =	vst v63  }
0xf: {  	_ = 	snop  }
0x10: {  	[tilespmem:s11], [sflag:$0x1] =	stream.linear.gather [hbm4b:s4+s3], $0x1900, $0x38;
	[tilespmem:$0x19D00] =	vst v63  }
0x11: {  	_ = 	snop  }
0x12: {  	[tilespmem:s12], [sflag:$0x2] =	stream.linear.gather [hbm4b:s6+s3], $0x1900, $0x38;
	[tilespmem:$0x19D00] =	vst v63  }
0x13: {  	_ = 	snop  }
0x14: {  	[tilespmem:s13], [sflag:$0x2] =	stream.linear.gather [hbm4b:s7+s3], $0x1900, $0x38;
	[tilespmem:$0x19D00] =	vst v63  }
0x15: {  	_ = 	snop  }
0x16: {  	[tilespmem:s3], [sflag:$0x3] =	stream.strided.gather [hbm4b:s5+s14], $0x9C80, s15, s14, $0x38;
	[tilespmem:$0x19D00] =	vst v63  }
0x17: {  	_ =	swait.ge [sflag:s16], $0x9C80  }
0x18: {  	[sflag:s16] =	ssyncset.done $0x0  }
0x19: {  	s21 =	simm.s32 $0x9CC0;
	[sflag:s16] =	ssyncadd.s32 $0xFFFF6380  }
0x1a: {  	[tilespmem:s21+$0xFFFFFFC0] =	vst v0  }
0x1b: {  	[tilespmem:s21+$0x30] =	vst v0  }
0x1c: {  	[tilespmem:s21+$0x20] =	vst v0  }
0x1d: {  	[tilespmem:s21+$0x10] =	vst v0  }
0x1e: {  	[tilespmem:s21+$0x0] =	vst v0  }
0x1f: {  	[tilespmem:s21+$0xFFFFFFF0] =	vst v0  }
0x20: {  	s22 =	simm.s32 $0x0;
	[tilespmem:s21+$0xFFFFFFE0] =	vst v0  }
.LBB2_2:
0x21: {  	s22 =	sadd.s32 $0x8, s22;
	[tilespmem:s21+$0xFFFFFFD0] =	vst v0;
	s21 =	sadd.s32 $0x80, s21  }
0x22: {  	[tilespmem:s21+$0xFFFFFFC0] =	vst v0;
	p0 =	slt.u32 s22, $0x9B8  }
0x23: {  	[tilespmem:s21+$0x30] =	vst v0  }
.Ltmp0:
0x24: {  	[tilespmem:s21+$0x20] =	vst v0;
	(pc) =	sbr.rel @p0 .LBB2_2-.Ltmp0, $4  }
0x25: {  	[tilespmem:s21+$0x10] =	vst v0  }
0x26: {  	[tilespmem:s21+$0x0] =	vst v0  }
0x27: {  	[tilespmem:s21+$0xFFFFFFF0] =	vst v0  }
0x28: {  	[tilespmem:s21+$0xFFFFFFE0] =	vst v0  }
0x29: {  	[tilespmem:s21+$0xFFFFFFD0] =	vst v0  }
0x2a: {  	[tilespmem:$0x13880] =	vst v0  }
0x2b: {  	[tilespmem:$0x13890] =	vst v0  }
0x2c: {  	[tilespmem:$0x138A0] =	vst v0  }
0x2d: {  	s21 =	simm.s32 $0x0;
	[tilespmem:$0x138B0] =	vst v0  }
.LBB2_4:
0x2e: {  	_ =	swait.ge [sflag:s17], $0x1900  }
0x2f: {  	[sflag:s17] =	ssyncset.done $0x0  }
0x30: {  	[sflag:s17] =	ssyncadd.s32 $0xFFFFE700  }
0x31: {  	_ =	swait.ge [sflag:s17], $0x1900  }
0x32: {  	s22 =	simm.s32 $0xFFFFFFF8;
	[sflag:s17] =	ssyncset.done $0x0  }
0x33: {  	s23 =	simm.s32 $0x13940;
	s24 =	simm.s32 $0x16B40;
	[sflag:s17] =	ssyncadd.s32 $0xFFFFE700  }
.LBB2_5:
0x34: {  	v1 =	vld [tilespmem:s23+$0xFFFFFFC0];
	_ =	sdelay $0x4  }
0x35: {  	v2 =	vshrl.u32 v1, $0x10;
	_ =	sdelay $0x3  }
0x36: {  	v3 =	vld [tilespmem:s24+$0xFFFFFFC0]  }
0x37: {  	v4 =	vld.idx.msk [tilespmem:v2+s3+$0x0], $0xffff;
	_ =	sdelay $0x1  }
0x38: {  	v1 =	vand.u32 $0xFFFF, v1  }
0x39: {  	v5 =	vadd.s32 $0x1, v2;
	_ =	sdelay $0x1  }
0x3a: {  	v4 =	vmul.f32 v4, v3;
	_ =	sdelay $0x1  }
0x3b: {  	[tilespmem:v1+s18+$0x0] =	vst.idx.add.f32.msk $0xffff, v4  }
0x3c: {  	v4 =	vld.idx.msk [tilespmem:v5+s3+$0x0], $0xffff;
	_ =	sdelay $0x1  }
0x3d: {  	v34 =	vadd.s32 $0x1, v1  }
0x3e: {  	v6 =	vadd.s32 $0x2, v2;
	_ =	sdelay $0x1  }
0x3f: {  	v4 =	vmul.f32 v4, v3;
	_ =	sdelay $0x1  }
0x40: {  	[tilespmem:v34+s18+$0x0] =	vst.idx.add.f32.msk $0xffff, v4  }
0x41: {  	v4 =	vld.idx.msk [tilespmem:v6+s3+$0x0], $0xffff;
	_ =	sdelay $0x1  }
0x42: {  	v35 =	vadd.s32 $0x2, v1  }
0x43: {  	v2 =	vadd.s32 $0x3, v2;
	_ =	sdelay $0x1  }
0x44: {  	v4 =	vmul.f32 v4, v3;
	_ =	sdelay $0x1  }
0x45: {  	[tilespmem:v35+s18+$0x0] =	vst.idx.add.f32.msk $0xffff, v4  }
0x46: {  	v2 =	vld.idx.msk [tilespmem:v2+s3+$0x0], $0xffff;
	_ =	sdelay $0x1  }
0x47: {  	v1 =	vadd.s32 $0x3, v1;
	_ =	sdelay $0x2  }
0x48: {  	v2 =	vmul.f32 v2, v3;
	_ =	sdelay $0x1  }
0x49: {  	[tilespmem:v1+s18+$0x0] =	vst.idx.add.f32.msk $0xffff, v2  }
0x4a: {  	v1 =	vld [tilespmem:s23+$0xFFFFFFD0];
	_ =	sdelay $0x4  }
0x4b: {  	v2 =	vshrl.u32 v1, $0x10;
	_ =	sdelay $0x3  }
0x4c: {  	v3 =	vld [tilespmem:s24+$0xFFFFFFD0]  }
0x4d: {  	v4 =	vld.idx.msk [tilespmem:v2+s3+$0x0], $0xffff;
	_ =	sdelay $0x1  }
0x4e: {  	v1 =	vand.u32 $0xFFFF, v1  }
0x4f: {  	v36 =	vadd.s32 $0x1, v2;
	_ =	sdelay $0x1  }
0x50: {  	v4 =	vmul.f32 v4, v3;
	_ =	sdelay $0x1  }
0x51: {  	[tilespmem:v1+s18+$0x0] =	vst.idx.add.f32.msk $0xffff, v4  }
0x52: {  	v4 =	vld.idx.msk [tilespmem:v36+s3+$0x0], $0xffff;
	_ =	sdelay $0x1  }
0x53: {  	v37 =	vadd.s32 $0x1, v1  }
0x54: {  	v38 =	vadd.s32 $0x2, v2;
	_ =	sdelay $0x1  }
0x55: {  	v4 =	vmul.f32 v4, v3;
	_ =	sdelay $0x1  }
0x56: {  	[tilespmem:v37+s18+$0x0] =	vst.idx.add.f32.msk $0xffff, v4  }
0x57: {  	v4 =	vld.idx.msk [tilespmem:v38+s3+$0x0], $0xffff;
	_ =	sdelay $0x1  }
0x58: {  	v39 =	vadd.s32 $0x2, v1  }
0x59: {  	v2 =	vadd.s32 $0x3, v2;
	_ =	sdelay $0x1  }
0x5a: {  	v4 =	vmul.f32 v4, v3;
	_ =	sdelay $0x1  }
0x5b: {  	[tilespmem:v39+s18+$0x0] =	vst.idx.add.f32.msk $0xffff, v4  }
0x5c: {  	v2 =	vld.idx.msk [tilespmem:v2+s3+$0x0], $0xffff;
	_ =	sdelay $0x1  }
0x5d: {  	v1 =	vadd.s32 $0x3, v1;
	_ =	sdelay $0x2  }
0x5e: {  	v2 =	vmul.f32 v2, v3;
	_ =	sdelay $0x1  }
0x5f: {  	[tilespmem:v1+s18+$0x0] =	vst.idx.add.f32.msk $0xffff, v2  }
0x60: {  	v1 =	vld [tilespmem:s23+$0xFFFFFFE0];
	_ =	sdelay $0x4  }
0x61: {  	v2 =	vshrl.u32 v1, $0x10;
	_ =	sdelay $0x3  }
0x62: {  	v3 =	vld [tilespmem:s24+$0xFFFFFFE0]  }
0x63: {  	v4 =	vld.idx.msk [tilespmem:v2+s3+$0x0], $0xffff;
	_ =	sdelay $0x1  }
0x64: {  	v1 =	vand.u32 $0xFFFF, v1  }
0x65: {  	v40 =	vadd.s32 $0x1, v2;
	_ =	sdelay $0x1  }
0x66: {  	v4 =	vmul.f32 v4, v3;
	_ =	sdelay $0x1  }
0x67: {  	[tilespmem:v1+s18+$0x0] =	vst.idx.add.f32.msk $0xffff, v4  }
0x68: {  	v4 =	vld.idx.msk [tilespmem:v40+s3+$0x0], $0xffff;
	_ =	sdelay $0x1  }
0x69: {  	v41 =	vadd.s32 $0x1, v1  }
0x6a: {  	v42 =	vadd.s32 $0x2, v2;
	_ =	sdelay $0x1  }
0x6b: {  	v4 =	vmul.f32 v4, v3;
	_ =	sdelay $0x1  }
0x6c: {  	[tilespmem:v41+s18+$0x0] =	vst.idx.add.f32.msk $0xffff, v4  }
0x6d: {  	v4 =	vld.idx.msk [tilespmem:v42+s3+$0x0], $0xffff;
	_ =	sdelay $0x1  }
0x6e: {  	v43 =	vadd.s32 $0x2, v1  }
0x6f: {  	v2 =	vadd.s32 $0x3, v2;
	_ =	sdelay $0x1  }
0x70: {  	v4 =	vmul.f32 v4, v3;
	_ =	sdelay $0x1  }
0x71: {  	[tilespmem:v43+s18+$0x0] =	vst.idx.add.f32.msk $0xffff, v4  }
0x72: {  	v2 =	vld.idx.msk [tilespmem:v2+s3+$0x0], $0xffff;
	_ =	sdelay $0x1  }
0x73: {  	v1 =	vadd.s32 $0x3, v1;
	_ =	sdelay $0x2  }
0x74: {  	v2 =	vmul.f32 v2, v3;
	_ =	sdelay $0x1  }
0x75: {  	[tilespmem:v1+s18+$0x0] =	vst.idx.add.f32.msk $0xffff, v2  }
0x76: {  	v1 =	vld [tilespmem:s23+$0xFFFFFFF0];
	_ =	sdelay $0x4  }
0x77: {  	v2 =	vshrl.u32 v1, $0x10;
	_ =	sdelay $0x3  }
0x78: {  	v3 =	vld [tilespmem:s24+$0xFFFFFFF0]  }
0x79: {  	v4 =	vld.idx.msk [tilespmem:v2+s3+$0x0], $0xffff;
	_ =	sdelay $0x1  }
0x7a: {  	v1 =	vand.u32 $0xFFFF, v1  }
0x7b: {  	v44 =	vadd.s32 $0x1, v2;
	_ =	sdelay $0x1  }
0x7c: {  	v4 =	vmul.f32 v4, v3;
	_ =	sdelay $0x1  }
0x7d: {  	[tilespmem:v1+s18+$0x0] =	vst.idx.add.f32.msk $0xffff, v4  }
0x7e: {  	v4 =	vld.idx.msk [tilespmem:v44+s3+$0x0], $0xffff;
	_ =	sdelay $0x1  }
0x7f: {  	v45 =	vadd.s32 $0x1, v1  }
0x80: {  	v46 =	vadd.s32 $0x2, v2;
	_ =	sdelay $0x1  }
0x81: {  	v4 =	vmul.f32 v4, v3;
	_ =	sdelay $0x1  }
0x82: {  	[tilespmem:v45+s18+$0x0] =	vst.idx.add.f32.msk $0xffff, v4  }
0x83: {  	v4 =	vld.idx.msk [tilespmem:v46+s3+$0x0], $0xffff;
	_ =	sdelay $0x1  }
0x84: {  	v47 =	vadd.s32 $0x2, v1  }
0x85: {  	v2 =	vadd.s32 $0x3, v2;
	_ =	sdelay $0x1  }
0x86: {  	v4 =	vmul.f32 v4, v3;
	_ =	sdelay $0x1  }
0x87: {  	[tilespmem:v47+s18+$0x0] =	vst.idx.add.f32.msk $0xffff, v4  }
0x88: {  	v2 =	vld.idx.msk [tilespmem:v2+s3+$0x0], $0xffff;
	_ =	sdelay $0x1  }
0x89: {  	v1 =	vadd.s32 $0x3, v1;
	_ =	sdelay $0x2  }
0x8a: {  	v2 =	vmul.f32 v2, v3;
	_ =	sdelay $0x1  }
0x8b: {  	[tilespmem:v1+s18+$0x0] =	vst.idx.add.f32.msk $0xffff, v2  }
0x8c: {  	v1 =	vld [tilespmem:s23+$0x0];
	_ =	sdelay $0x4  }
0x8d: {  	v2 =	vshrl.u32 v1, $0x10;
	_ =	sdelay $0x3  }
0x8e: {  	v3 =	vld [tilespmem:s24+$0x0]  }
0x8f: {  	v4 =	vld.idx.msk [tilespmem:v2+s3+$0x0], $0xffff;
	_ =	sdelay $0x1  }
0x90: {  	v1 =	vand.u32 $0xFFFF, v1  }
0x91: {  	v48 =	vadd.s32 $0x1, v2;
	_ =	sdelay $0x1  }
0x92: {  	v4 =	vmul.f32 v4, v3;
	_ =	sdelay $0x1  }
0x93: {  	[tilespmem:v1+s18+$0x0] =	vst.idx.add.f32.msk $0xffff, v4  }
0x94: {  	v4 =	vld.idx.msk [tilespmem:v48+s3+$0x0], $0xffff;
	_ =	sdelay $0x1  }
0x95: {  	v49 =	vadd.s32 $0x1, v1  }
0x96: {  	v50 =	vadd.s32 $0x2, v2;
	_ =	sdelay $0x1  }
0x97: {  	v4 =	vmul.f32 v4, v3;
	_ =	sdelay $0x1  }
0x98: {  	[tilespmem:v49+s18+$0x0] =	vst.idx.add.f32.msk $0xffff, v4  }
0x99: {  	v4 =	vld.idx.msk [tilespmem:v50+s3+$0x0], $0xffff;
	_ =	sdelay $0x1  }
0x9a: {  	v51 =	vadd.s32 $0x2, v1  }
0x9b: {  	v2 =	vadd.s32 $0x3, v2;
	_ =	sdelay $0x1  }
0x9c: {  	v4 =	vmul.f32 v4, v3;
	_ =	sdelay $0x1  }
0x9d: {  	[tilespmem:v51+s18+$0x0] =	vst.idx.add.f32.msk $0xffff, v4  }
0x9e: {  	v2 =	vld.idx.msk [tilespmem:v2+s3+$0x0], $0xffff;
	_ =	sdelay $0x1  }
0x9f: {  	v1 =	vadd.s32 $0x3, v1;
	_ =	sdelay $0x2  }
0xa0: {  	v2 =	vmul.f32 v2, v3;
	_ =	sdelay $0x1  }
0xa1: {  	[tilespmem:v1+s18+$0x0] =	vst.idx.add.f32.msk $0xffff, v2  }
0xa2: {  	v1 =	vld [tilespmem:s23+$0x10];
	_ =	sdelay $0x4  }
0xa3: {  	v2 =	vshrl.u32 v1, $0x10;
	_ =	sdelay $0x3  }
0xa4: {  	v3 =	vld [tilespmem:s24+$0x10]  }
0xa5: {  	v4 =	vld.idx.msk [tilespmem:v2+s3+$0x0], $0xffff;
	_ =	sdelay $0x1  }
0xa6: {  	v1 =	vand.u32 $0xFFFF, v1  }
0xa7: {  	v52 =	vadd.s32 $0x1, v2;
	_ =	sdelay $0x1  }
0xa8: {  	v4 =	vmul.f32 v4, v3;
	_ =	sdelay $0x1  }
0xa9: {  	[tilespmem:v1+s18+$0x0] =	vst.idx.add.f32.msk $0xffff, v4  }
0xaa: {  	v4 =	vld.idx.msk [tilespmem:v52+s3+$0x0], $0xffff;
	_ =	sdelay $0x1  }
0xab: {  	v53 =	vadd.s32 $0x1, v1  }
0xac: {  	v54 =	vadd.s32 $0x2, v2;
	_ =	sdelay $0x1  }
0xad: {  	v4 =	vmul.f32 v4, v3;
	_ =	sdelay $0x1  }
0xae: {  	[tilespmem:v53+s18+$0x0] =	vst.idx.add.f32.msk $0xffff, v4  }
0xaf: {  	v4 =	vld.idx.msk [tilespmem:v54+s3+$0x0], $0xffff;
	_ =	sdelay $0x1  }
0xb0: {  	v55 =	vadd.s32 $0x2, v1  }
0xb1: {  	v2 =	vadd.s32 $0x3, v2;
	_ =	sdelay $0x1  }
0xb2: {  	v4 =	vmul.f32 v4, v3;
	_ =	sdelay $0x1  }
0xb3: {  	[tilespmem:v55+s18+$0x0] =	vst.idx.add.f32.msk $0xffff, v4  }
0xb4: {  	v2 =	vld.idx.msk [tilespmem:v2+s3+$0x0], $0xffff;
	_ =	sdelay $0x1  }
0xb5: {  	v1 =	vadd.s32 $0x3, v1;
	_ =	sdelay $0x2  }
0xb6: {  	v2 =	vmul.f32 v2, v3;
	_ =	sdelay $0x1  }
0xb7: {  	[tilespmem:v1+s18+$0x0] =	vst.idx.add.f32.msk $0xffff, v2  }
0xb8: {  	v1 =	vld [tilespmem:s23+$0x20];
	_ =	sdelay $0x4  }
0xb9: {  	v2 =	vshrl.u32 v1, $0x10;
	_ =	sdelay $0x3  }
0xba: {  	v3 =	vld [tilespmem:s24+$0x20]  }
0xbb: {  	v4 =	vld.idx.msk [tilespmem:v2+s3+$0x0], $0xffff;
	_ =	sdelay $0x1  }
0xbc: {  	v1 =	vand.u32 $0xFFFF, v1  }
0xbd: {  	v56 =	vadd.s32 $0x1, v2;
	_ =	sdelay $0x1  }
0xbe: {  	v4 =	vmul.f32 v4, v3;
	_ =	sdelay $0x1  }
0xbf: {  	[tilespmem:v1+s18+$0x0] =	vst.idx.add.f32.msk $0xffff, v4  }
0xc0: {  	v4 =	vld.idx.msk [tilespmem:v56+s3+$0x0], $0xffff;
	_ =	sdelay $0x1  }
0xc1: {  	v57 =	vadd.s32 $0x1, v1  }
0xc2: {  	v58 =	vadd.s32 $0x2, v2;
	_ =	sdelay $0x1  }
0xc3: {  	v4 =	vmul.f32 v4, v3;
	_ =	sdelay $0x1  }
0xc4: {  	[tilespmem:v57+s18+$0x0] =	vst.idx.add.f32.msk $0xffff, v4  }
0xc5: {  	v4 =	vld.idx.msk [tilespmem:v58+s3+$0x0], $0xffff;
	_ =	sdelay $0x1  }
0xc6: {  	v59 =	vadd.s32 $0x2, v1  }
0xc7: {  	v2 =	vadd.s32 $0x3, v2;
	_ =	sdelay $0x1  }
0xc8: {  	v4 =	vmul.f32 v4, v3;
	_ =	sdelay $0x1  }
0xc9: {  	[tilespmem:v59+s18+$0x0] =	vst.idx.add.f32.msk $0xffff, v4  }
0xca: {  	v2 =	vld.idx.msk [tilespmem:v2+s3+$0x0], $0xffff;
	_ =	sdelay $0x1  }
0xcb: {  	v1 =	vadd.s32 $0x3, v1;
	_ =	sdelay $0x2  }
0xcc: {  	v2 =	vmul.f32 v2, v3;
	_ =	sdelay $0x1  }
0xcd: {  	[tilespmem:v1+s18+$0x0] =	vst.idx.add.f32.msk $0xffff, v2  }
0xce: {  	v1 =	vld [tilespmem:s23+$0x30];
	_ =	sdelay $0x4  }
0xcf: {  	v2 =	vshrl.u32 v1, $0x10;
	_ =	sdelay $0x3  }
0xd0: {  	v3 =	vld [tilespmem:s24+$0x30]  }
0xd1: {  	v4 =	vld.idx.msk [tilespmem:v2+s3+$0x0], $0xffff;
	_ =	sdelay $0x1  }
0xd2: {  	v1 =	vand.u32 $0xFFFF, v1  }
0xd3: {  	v60 =	vadd.s32 $0x1, v2;
	_ =	sdelay $0x1  }
0xd4: {  	v4 =	vmul.f32 v4, v3;
	_ =	sdelay $0x1  }
0xd5: {  	[tilespmem:v1+s18+$0x0] =	vst.idx.add.f32.msk $0xffff, v4  }
0xd6: {  	v4 =	vld.idx.msk [tilespmem:v60+s3+$0x0], $0xffff;
	_ =	sdelay $0x1  }
0xd7: {  	v61 =	vadd.s32 $0x1, v1  }
0xd8: {  	v62 =	vadd.s32 $0x2, v2;
	_ =	sdelay $0x1  }
0xd9: {  	v4 =	vmul.f32 v4, v3;
	_ =	sdelay $0x1  }
0xda: {  	[tilespmem:v61+s18+$0x0] =	vst.idx.add.f32.msk $0xffff, v4  }
0xdb: {  	v4 =	vld.idx.msk [tilespmem:v62+s3+$0x0], $0xffff;
	_ =	sdelay $0x1  }
0xdc: {  	v63 =	vadd.s32 $0x2, v1  }
0xdd: {  	v2 =	vadd.s32 $0x3, v2;
	_ =	sdelay $0x1  }
0xde: {  	v4 =	vmul.f32 v4, v3;
	_ =	sdelay $0x1  }
0xdf: {  	[tilespmem:v63+s18+$0x0] =	vst.idx.add.f32.msk $0xffff, v4  }
0xe0: {  	v2 =	vld.idx.msk [tilespmem:v2+s3+$0x0], $0xffff  }
0xe1: {  	s22 =	sadd.s32 $0x8, s22  }
0xe2: {  	p0 =	slt.u32 s22, $0x188;
	v1 =	vadd.s32 $0x3, v1  }
.Ltmp1:
0xe3: {  	_ = 	snop;
	(pc) =	sbr.rel @p0 .LBB2_5-.Ltmp1, $3  }
0xe4: {  	_ = 	snop  }
0xe5: {  	v2 =	vmul.f32 v2, v3;
	_ =	sdelay $0x1  }
0xe6: {  	s23 =	sadd.s32 $0x80, s23;
	s24 =	sadd.s32 $0x80, s24;
	[tilespmem:v1+s18+$0x0] =	vst.idx.add.f32.msk $0xffff, v2  }
0xe7: {  	s22 =	sshll.u32 s21, $0x1  }
0xe8: {  	s23 =	sadd.s32 $0x2, s22  }
0xe9: {  	s24 =	smul.u32 $0x320, s23  }
0xea: {  	p0 =	seq.s32 s23, $0x64  }
0xeb: {  	s24 =	simm.s32 @p0 $0x0  }
0xec: {  	s30 =	sadd.s32 s2, s24  }
0xed: {  	[tilespmem:s10], [sflag:$0x1] =	stream.linear.gather [hbm4b:s30+s3], $0x1900, $0x38;
	[tilespmem:$0x19D00] =	vst v63  }
0xee: {  	s31 =	sadd.s32 s4, s24  }
0xef: {  	[tilespmem:s11], [sflag:$0x1] =	stream.linear.gather [hbm4b:s31+s3], $0x1900, $0x38;
	[tilespmem:$0x19D00] =	vst v63  }
0xf0: {  	_ =	swait.ge [sflag:s19], $0x1900  }
0xf1: {  	[sflag:s19] =	ssyncset.done $0x0  }
0xf2: {  	[sflag:s19] =	ssyncadd.s32 $0xFFFFE700  }
0xf3: {  	_ =	swait.ge [sflag:s19], $0x1900  }
0xf4: {  	s25 =	simm.s32 $0x18440;
	[sflag:s19] =	ssyncset.done $0x0  }
0xf5: {  	s23 =	simm.s32 $0xFFFFFFF8;
	s24 =	simm.s32 $0x15240;
	[sflag:s19] =	ssyncadd.s32 $0xFFFFE700  }
.LBB2_7:
0xf6: {  	v1 =	vld [tilespmem:s24+$0xFFFFFFC0];
	_ =	sdelay $0x4  }
0xf7: {  	v2 =	vshrl.u32 v1, $0x10;
	_ =	sdelay $0x3  }
0xf8: {  	v3 =	vld [tilespmem:s25+$0xFFFFFFC0]  }
0xf9: {  	v4 =	vld.idx.msk [tilespmem:v2+s3+$0x0], $0xffff;
	_ =	sdelay $0x1  }
0xfa: {  	v1 =	vand.u32 $0xFFFF, v1  }
0xfb: {  	v5 =	vadd.s32 $0x1, v2;
	_ =	sdelay $0x1  }
0xfc: {  	v4 =	vmul.f32 v4, v3;
	_ =	sdelay $0x1  }
0xfd: {  	[tilespmem:v1+s18+$0x0] =	vst.idx.add.f32.msk $0xffff, v4  }
0xfe: {  	v4 =	vld.idx.msk [tilespmem:v5+s3+$0x0], $0xffff;
	_ =	sdelay $0x1  }
0xff: {  	v34 =	vadd.s32 $0x1, v1  }
0x100: {  	v6 =	vadd.s32 $0x2, v2;
	_ =	sdelay $0x1  }
0x101: {  	v4 =	vmul.f32 v4, v3;
	_ =	sdelay $0x1  }
0x102: {  	[tilespmem:v34+s18+$0x0] =	vst.idx.add.f32.msk $0xffff, v4  }
0x103: {  	v4 =	vld.idx.msk [tilespmem:v6+s3+$0x0], $0xffff;
	_ =	sdelay $0x1  }
0x104: {  	v35 =	vadd.s32 $0x2, v1  }
0x105: {  	v2 =	vadd.s32 $0x3, v2;
	_ =	sdelay $0x1  }
0x106: {  	v4 =	vmul.f32 v4, v3;
	_ =	sdelay $0x1  }
0x107: {  	[tilespmem:v35+s18+$0x0] =	vst.idx.add.f32.msk $0xffff, v4  }
0x108: {  	v2 =	vld.idx.msk [tilespmem:v2+s3+$0x0], $0xffff;
	_ =	sdelay $0x1  }
0x109: {  	v1 =	vadd.s32 $0x3, v1;
	_ =	sdelay $0x2  }
0x10a: {  	v2 =	vmul.f32 v2, v3;
	_ =	sdelay $0x1  }
0x10b: {  	[tilespmem:v1+s18+$0x0] =	vst.idx.add.f32.msk $0xffff, v2  }
0x10c: {  	v1 =	vld [tilespmem:s24+$0xFFFFFFD0];
	_ =	sdelay $0x4  }
0x10d: {  	v2 =	vshrl.u32 v1, $0x10;
	_ =	sdelay $0x3  }
0x10e: {  	v3 =	vld [tilespmem:s25+$0xFFFFFFD0]  }
0x10f: {  	v4 =	vld.idx.msk [tilespmem:v2+s3+$0x0], $0xffff;
	_ =	sdelay $0x1  }
0x110: {  	v1 =	vand.u32 $0xFFFF, v1  }
0x111: {  	v36 =	vadd.s32 $0x1, v2;
	_ =	sdelay $0x1  }
0x112: {  	v4 =	vmul.f32 v4, v3;
	_ =	sdelay $0x1  }
0x113: {  	[tilespmem:v1+s18+$0x0] =	vst.idx.add.f32.msk $0xffff, v4  }
0x114: {  	v4 =	vld.idx.msk [tilespmem:v36+s3+$0x0], $0xffff;
	_ =	sdelay $0x1  }
0x115: {  	v37 =	vadd.s32 $0x1, v1  }
0x116: {  	v38 =	vadd.s32 $0x2, v2;
	_ =	sdelay $0x1  }
0x117: {  	v4 =	vmul.f32 v4, v3;
	_ =	sdelay $0x1  }
0x118: {  	[tilespmem:v37+s18+$0x0] =	vst.idx.add.f32.msk $0xffff, v4  }
0x119: {  	v4 =	vld.idx.msk [tilespmem:v38+s3+$0x0], $0xffff;
	_ =	sdelay $0x1  }
0x11a: {  	v39 =	vadd.s32 $0x2, v1  }
0x11b: {  	v2 =	vadd.s32 $0x3, v2;
	_ =	sdelay $0x1  }
0x11c: {  	v4 =	vmul.f32 v4, v3;
	_ =	sdelay $0x1  }
0x11d: {  	[tilespmem:v39+s18+$0x0] =	vst.idx.add.f32.msk $0xffff, v4  }
0x11e: {  	v2 =	vld.idx.msk [tilespmem:v2+s3+$0x0], $0xffff;
	_ =	sdelay $0x1  }
0x11f: {  	v1 =	vadd.s32 $0x3, v1;
	_ =	sdelay $0x2  }
0x120: {  	v2 =	vmul.f32 v2, v3;
	_ =	sdelay $0x1  }
0x121: {  	[tilespmem:v1+s18+$0x0] =	vst.idx.add.f32.msk $0xffff, v2  }
0x122: {  	v1 =	vld [tilespmem:s24+$0xFFFFFFE0];
	_ =	sdelay $0x4  }
0x123: {  	v2 =	vshrl.u32 v1, $0x10;
	_ =	sdelay $0x3  }
0x124: {  	v3 =	vld [tilespmem:s25+$0xFFFFFFE0]  }
0x125: {  	v4 =	vld.idx.msk [tilespmem:v2+s3+$0x0], $0xffff;
	_ =	sdelay $0x1  }
0x126: {  	v1 =	vand.u32 $0xFFFF, v1  }
0x127: {  	v40 =	vadd.s32 $0x1, v2;
	_ =	sdelay $0x1  }
0x128: {  	v4 =	vmul.f32 v4, v3;
	_ =	sdelay $0x1  }
0x129: {  	[tilespmem:v1+s18+$0x0] =	vst.idx.add.f32.msk $0xffff, v4  }
0x12a: {  	v4 =	vld.idx.msk [tilespmem:v40+s3+$0x0], $0xffff;
	_ =	sdelay $0x1  }
0x12b: {  	v41 =	vadd.s32 $0x1, v1  }
0x12c: {  	v42 =	vadd.s32 $0x2, v2;
	_ =	sdelay $0x1  }
0x12d: {  	v4 =	vmul.f32 v4, v3;
	_ =	sdelay $0x1  }
0x12e: {  	[tilespmem:v41+s18+$0x0] =	vst.idx.add.f32.msk $0xffff, v4  }
0x12f: {  	v4 =	vld.idx.msk [tilespmem:v42+s3+$0x0], $0xffff;
	_ =	sdelay $0x1  }
0x130: {  	v43 =	vadd.s32 $0x2, v1  }
0x131: {  	v2 =	vadd.s32 $0x3, v2;
	_ =	sdelay $0x1  }
0x132: {  	v4 =	vmul.f32 v4, v3;
	_ =	sdelay $0x1  }
0x133: {  	[tilespmem:v43+s18+$0x0] =	vst.idx.add.f32.msk $0xffff, v4  }
0x134: {  	v2 =	vld.idx.msk [tilespmem:v2+s3+$0x0], $0xffff;
	_ =	sdelay $0x1  }
0x135: {  	v1 =	vadd.s32 $0x3, v1;
	_ =	sdelay $0x2  }
0x136: {  	v2 =	vmul.f32 v2, v3;
	_ =	sdelay $0x1  }
0x137: {  	[tilespmem:v1+s18+$0x0] =	vst.idx.add.f32.msk $0xffff, v2  }
0x138: {  	v1 =	vld [tilespmem:s24+$0xFFFFFFF0];
	_ =	sdelay $0x4  }
0x139: {  	v2 =	vshrl.u32 v1, $0x10;
	_ =	sdelay $0x3  }
0x13a: {  	v3 =	vld [tilespmem:s25+$0xFFFFFFF0]  }
0x13b: {  	v4 =	vld.idx.msk [tilespmem:v2+s3+$0x0], $0xffff;
	_ =	sdelay $0x1  }
0x13c: {  	v1 =	vand.u32 $0xFFFF, v1  }
0x13d: {  	v44 =	vadd.s32 $0x1, v2;
	_ =	sdelay $0x1  }
0x13e: {  	v4 =	vmul.f32 v4, v3;
	_ =	sdelay $0x1  }
0x13f: {  	[tilespmem:v1+s18+$0x0] =	vst.idx.add.f32.msk $0xffff, v4  }
0x140: {  	v4 =	vld.idx.msk [tilespmem:v44+s3+$0x0], $0xffff;
	_ =	sdelay $0x1  }
0x141: {  	v45 =	vadd.s32 $0x1, v1  }
0x142: {  	v46 =	vadd.s32 $0x2, v2;
	_ =	sdelay $0x1  }
0x143: {  	v4 =	vmul.f32 v4, v3;
	_ =	sdelay $0x1  }
0x144: {  	[tilespmem:v45+s18+$0x0] =	vst.idx.add.f32.msk $0xffff, v4  }
0x145: {  	v4 =	vld.idx.msk [tilespmem:v46+s3+$0x0], $0xffff;
	_ =	sdelay $0x1  }
0x146: {  	v47 =	vadd.s32 $0x2, v1  }
0x147: {  	v2 =	vadd.s32 $0x3, v2;
	_ =	sdelay $0x1  }
0x148: {  	v4 =	vmul.f32 v4, v3;
	_ =	sdelay $0x1  }
0x149: {  	[tilespmem:v47+s18+$0x0] =	vst.idx.add.f32.msk $0xffff, v4  }
0x14a: {  	v2 =	vld.idx.msk [tilespmem:v2+s3+$0x0], $0xffff;
	_ =	sdelay $0x1  }
0x14b: {  	v1 =	vadd.s32 $0x3, v1;
	_ =	sdelay $0x2  }
0x14c: {  	v2 =	vmul.f32 v2, v3;
	_ =	sdelay $0x1  }
0x14d: {  	[tilespmem:v1+s18+$0x0] =	vst.idx.add.f32.msk $0xffff, v2  }
0x14e: {  	v1 =	vld [tilespmem:s24+$0x0];
	_ =	sdelay $0x4  }
0x14f: {  	v2 =	vshrl.u32 v1, $0x10;
	_ =	sdelay $0x3  }
0x150: {  	v3 =	vld [tilespmem:s25+$0x0]  }
0x151: {  	v4 =	vld.idx.msk [tilespmem:v2+s3+$0x0], $0xffff;
	_ =	sdelay $0x1  }
0x152: {  	v1 =	vand.u32 $0xFFFF, v1  }
0x153: {  	v48 =	vadd.s32 $0x1, v2;
	_ =	sdelay $0x1  }
0x154: {  	v4 =	vmul.f32 v4, v3;
	_ =	sdelay $0x1  }
0x155: {  	[tilespmem:v1+s18+$0x0] =	vst.idx.add.f32.msk $0xffff, v4  }
0x156: {  	v4 =	vld.idx.msk [tilespmem:v48+s3+$0x0], $0xffff;
	_ =	sdelay $0x1  }
0x157: {  	v49 =	vadd.s32 $0x1, v1  }
0x158: {  	v50 =	vadd.s32 $0x2, v2;
	_ =	sdelay $0x1  }
0x159: {  	v4 =	vmul.f32 v4, v3;
	_ =	sdelay $0x1  }
0x15a: {  	[tilespmem:v49+s18+$0x0] =	vst.idx.add.f32.msk $0xffff, v4  }
0x15b: {  	v4 =	vld.idx.msk [tilespmem:v50+s3+$0x0], $0xffff;
	_ =	sdelay $0x1  }
0x15c: {  	v51 =	vadd.s32 $0x2, v1  }
0x15d: {  	v2 =	vadd.s32 $0x3, v2;
	_ =	sdelay $0x1  }
0x15e: {  	v4 =	vmul.f32 v4, v3;
	_ =	sdelay $0x1  }
0x15f: {  	[tilespmem:v51+s18+$0x0] =	vst.idx.add.f32.msk $0xffff, v4  }
0x160: {  	v2 =	vld.idx.msk [tilespmem:v2+s3+$0x0], $0xffff;
	_ =	sdelay $0x1  }
0x161: {  	v1 =	vadd.s32 $0x3, v1;
	_ =	sdelay $0x2  }
0x162: {  	v2 =	vmul.f32 v2, v3;
	_ =	sdelay $0x1  }
0x163: {  	[tilespmem:v1+s18+$0x0] =	vst.idx.add.f32.msk $0xffff, v2  }
0x164: {  	v1 =	vld [tilespmem:s24+$0x10];
	_ =	sdelay $0x4  }
0x165: {  	v2 =	vshrl.u32 v1, $0x10;
	_ =	sdelay $0x3  }
0x166: {  	v3 =	vld [tilespmem:s25+$0x10]  }
0x167: {  	v4 =	vld.idx.msk [tilespmem:v2+s3+$0x0], $0xffff;
	_ =	sdelay $0x1  }
0x168: {  	v1 =	vand.u32 $0xFFFF, v1  }
0x169: {  	v52 =	vadd.s32 $0x1, v2;
	_ =	sdelay $0x1  }
0x16a: {  	v4 =	vmul.f32 v4, v3;
	_ =	sdelay $0x1  }
0x16b: {  	[tilespmem:v1+s18+$0x0] =	vst.idx.add.f32.msk $0xffff, v4  }
0x16c: {  	v4 =	vld.idx.msk [tilespmem:v52+s3+$0x0], $0xffff;
	_ =	sdelay $0x1  }
0x16d: {  	v53 =	vadd.s32 $0x1, v1  }
0x16e: {  	v54 =	vadd.s32 $0x2, v2;
	_ =	sdelay $0x1  }
0x16f: {  	v4 =	vmul.f32 v4, v3;
	_ =	sdelay $0x1  }
0x170: {  	[tilespmem:v53+s18+$0x0] =	vst.idx.add.f32.msk $0xffff, v4  }
0x171: {  	v4 =	vld.idx.msk [tilespmem:v54+s3+$0x0], $0xffff;
	_ =	sdelay $0x1  }
0x172: {  	v55 =	vadd.s32 $0x2, v1  }
0x173: {  	v2 =	vadd.s32 $0x3, v2;
	_ =	sdelay $0x1  }
0x174: {  	v4 =	vmul.f32 v4, v3;
	_ =	sdelay $0x1  }
0x175: {  	[tilespmem:v55+s18+$0x0] =	vst.idx.add.f32.msk $0xffff, v4  }
0x176: {  	v2 =	vld.idx.msk [tilespmem:v2+s3+$0x0], $0xffff;
	_ =	sdelay $0x1  }
0x177: {  	v1 =	vadd.s32 $0x3, v1;
	_ =	sdelay $0x2  }
0x178: {  	v2 =	vmul.f32 v2, v3;
	_ =	sdelay $0x1  }
0x179: {  	[tilespmem:v1+s18+$0x0] =	vst.idx.add.f32.msk $0xffff, v2  }
0x17a: {  	v1 =	vld [tilespmem:s24+$0x20];
	_ =	sdelay $0x4  }
0x17b: {  	v2 =	vshrl.u32 v1, $0x10;
	_ =	sdelay $0x3  }
0x17c: {  	v3 =	vld [tilespmem:s25+$0x20]  }
0x17d: {  	v4 =	vld.idx.msk [tilespmem:v2+s3+$0x0], $0xffff;
	_ =	sdelay $0x1  }
0x17e: {  	v1 =	vand.u32 $0xFFFF, v1  }
0x17f: {  	v56 =	vadd.s32 $0x1, v2;
	_ =	sdelay $0x1  }
0x180: {  	v4 =	vmul.f32 v4, v3;
	_ =	sdelay $0x1  }
0x181: {  	[tilespmem:v1+s18+$0x0] =	vst.idx.add.f32.msk $0xffff, v4  }
0x182: {  	v4 =	vld.idx.msk [tilespmem:v56+s3+$0x0], $0xffff;
	_ =	sdelay $0x1  }
0x183: {  	v57 =	vadd.s32 $0x1, v1  }
0x184: {  	v58 =	vadd.s32 $0x2, v2;
	_ =	sdelay $0x1  }
0x185: {  	v4 =	vmul.f32 v4, v3;
	_ =	sdelay $0x1  }
0x186: {  	[tilespmem:v57+s18+$0x0] =	vst.idx.add.f32.msk $0xffff, v4  }
0x187: {  	v4 =	vld.idx.msk [tilespmem:v58+s3+$0x0], $0xffff;
	_ =	sdelay $0x1  }
0x188: {  	v59 =	vadd.s32 $0x2, v1  }
0x189: {  	v2 =	vadd.s32 $0x3, v2;
	_ =	sdelay $0x1  }
0x18a: {  	v4 =	vmul.f32 v4, v3;
	_ =	sdelay $0x1  }
0x18b: {  	[tilespmem:v59+s18+$0x0] =	vst.idx.add.f32.msk $0xffff, v4  }
0x18c: {  	v2 =	vld.idx.msk [tilespmem:v2+s3+$0x0], $0xffff;
	_ =	sdelay $0x1  }
0x18d: {  	v1 =	vadd.s32 $0x3, v1;
	_ =	sdelay $0x2  }
0x18e: {  	v2 =	vmul.f32 v2, v3;
	_ =	sdelay $0x1  }
0x18f: {  	[tilespmem:v1+s18+$0x0] =	vst.idx.add.f32.msk $0xffff, v2  }
0x190: {  	v1 =	vld [tilespmem:s24+$0x30];
	_ =	sdelay $0x4  }
0x191: {  	v2 =	vshrl.u32 v1, $0x10;
	_ =	sdelay $0x3  }
0x192: {  	v3 =	vld [tilespmem:s25+$0x30]  }
0x193: {  	v4 =	vld.idx.msk [tilespmem:v2+s3+$0x0], $0xffff;
	_ =	sdelay $0x1  }
0x194: {  	v1 =	vand.u32 $0xFFFF, v1  }
0x195: {  	v60 =	vadd.s32 $0x1, v2;
	_ =	sdelay $0x1  }
0x196: {  	v4 =	vmul.f32 v4, v3;
	_ =	sdelay $0x1  }
0x197: {  	[tilespmem:v1+s18+$0x0] =	vst.idx.add.f32.msk $0xffff, v4  }
0x198: {  	v4 =	vld.idx.msk [tilespmem:v60+s3+$0x0], $0xffff;
	_ =	sdelay $0x1  }
0x199: {  	v61 =	vadd.s32 $0x1, v1  }
0x19a: {  	v62 =	vadd.s32 $0x2, v2;
	_ =	sdelay $0x1  }
0x19b: {  	v4 =	vmul.f32 v4, v3;
	_ =	sdelay $0x1  }
0x19c: {  	[tilespmem:v61+s18+$0x0] =	vst.idx.add.f32.msk $0xffff, v4  }
0x19d: {  	v4 =	vld.idx.msk [tilespmem:v62+s3+$0x0], $0xffff;
	_ =	sdelay $0x1  }
0x19e: {  	v63 =	vadd.s32 $0x2, v1  }
0x19f: {  	v2 =	vadd.s32 $0x3, v2;
	_ =	sdelay $0x1  }
0x1a0: {  	v4 =	vmul.f32 v4, v3;
	_ =	sdelay $0x1  }
0x1a1: {  	[tilespmem:v63+s18+$0x0] =	vst.idx.add.f32.msk $0xffff, v4  }
0x1a2: {  	v2 =	vld.idx.msk [tilespmem:v2+s3+$0x0], $0xffff  }
0x1a3: {  	s23 =	sadd.s32 $0x8, s23  }
0x1a4: {  	p0 =	slt.u32 s23, $0x188;
	v1 =	vadd.s32 $0x3, v1  }
.Ltmp2:
0x1a5: {  	_ = 	snop;
	(pc) =	sbr.rel @p0 .LBB2_7-.Ltmp2, $3  }
0x1a6: {  	_ = 	snop  }
0x1a7: {  	v2 =	vmul.f32 v2, v3;
	_ =	sdelay $0x1  }
0x1a8: {  	s24 =	sadd.s32 $0x80, s24;
	s25 =	sadd.s32 $0x80, s25;
	[tilespmem:v1+s18+$0x0] =	vst.idx.add.f32.msk $0xffff, v2  }
0x1a9: {  	s22 =	sadd.s32 $0x3, s22  }
0x1aa: {  	s23 =	smulhi.u32 $0x51EB851F, s22;
	_ =	sdelay $0x1  }
0x1ab: {  	s23 =	sshrl.u32 s23, $0x5  }
0x1ac: {  	s23 =	smul.u32 $0x64, s23;
	_ =	sdelay $0x1  }
0x1ad: {  	s21 =	sadd.s32 $0x1, s21;
	s22 =	ssub.s32 s22, s23  }
0x1ae: {  	p0 =	sne.s32 s21, $0x32;
	s22 =	smul.u32 $0x320, s22  }
.Ltmp3:
0x1af: {  	_ = 	snop;
	(pc) =	sbr.rel @p0 .LBB2_4-.Ltmp3, $4  }
0x1b0: {  	s31 =	sadd.s32 s2, s22  }
0x1b1: {  	[tilespmem:s12], [sflag:$0x2] =	stream.linear.gather [hbm4b:s31+s3], $0x1900, $0x38;
	[tilespmem:$0x19D00] =	vst v63  }
0x1b2: {  	s22 =	sadd.s32 s4, s22  }
0x1b3: {  	[tilespmem:s13], [sflag:$0x2] =	stream.linear.gather [hbm4b:s22+s3], $0x1900, $0x38;
	[tilespmem:$0x19D00] =	vst v63  }
0x1b4: {  	s21 =	simm.s32 $0x9CC0  }
0x1b5: {  	s22 =	simm.s32 $0x40;
	v1 =	vld [tilespmem:s21+$0xFFFFFFC0]  }
0x1b6: {  	v2 =	vld [tilespmem:s22+$0xFFFFFFC0];
	_ =	sdelay $0x4  }
0x1b7: {  	v1 =	vadd.f32 v1, v2;
	_ =	sdelay $0x1  }
0x1b8: {  	v1 =	vmul.f32 $5.000000000e-01, v1;
	_ =	sdelay $0x1  }
0x1b9: {  	[tilespmem:s22+$0xFFFFFFC0] =	vst v1  }
0x1ba: {  	[tilespmem:s21+$0xFFFFFFC0] =	vst v0;
	v1 =	vld [tilespmem:s21+$0xFFFFFFD0]  }
0x1bb: {  	v2 =	vld [tilespmem:s22+$0xFFFFFFD0];
	_ =	sdelay $0x4  }
0x1bc: {  	v1 =	vadd.f32 v1, v2;
	_ =	sdelay $0x1  }
0x1bd: {  	v1 =	vmul.f32 $5.000000000e-01, v1;
	_ =	sdelay $0x1  }
0x1be: {  	[tilespmem:s22+$0xFFFFFFD0] =	vst v1  }
0x1bf: {  	[tilespmem:s21+$0xFFFFFFD0] =	vst v0;
	v1 =	vld [tilespmem:s21+$0xFFFFFFE0]  }
0x1c0: {  	v2 =	vld [tilespmem:s22+$0xFFFFFFE0];
	_ =	sdelay $0x4  }
0x1c1: {  	v1 =	vadd.f32 v1, v2;
	_ =	sdelay $0x1  }
0x1c2: {  	v1 =	vmul.f32 $5.000000000e-01, v1;
	_ =	sdelay $0x1  }
0x1c3: {  	[tilespmem:s22+$0xFFFFFFE0] =	vst v1  }
0x1c4: {  	[tilespmem:s21+$0xFFFFFFE0] =	vst v0;
	v1 =	vld [tilespmem:s21+$0xFFFFFFF0]  }
0x1c5: {  	v2 =	vld [tilespmem:s22+$0xFFFFFFF0];
	_ =	sdelay $0x4  }
0x1c6: {  	v1 =	vadd.f32 v1, v2;
	_ =	sdelay $0x1  }
0x1c7: {  	v1 =	vmul.f32 $5.000000000e-01, v1;
	_ =	sdelay $0x1  }
0x1c8: {  	[tilespmem:s22+$0xFFFFFFF0] =	vst v1  }
0x1c9: {  	[tilespmem:s21+$0xFFFFFFF0] =	vst v0;
	v1 =	vld [tilespmem:s21+$0x0]  }
0x1ca: {  	v2 =	vld [tilespmem:s22+$0x0];
	_ =	sdelay $0x4  }
0x1cb: {  	v1 =	vadd.f32 v1, v2;
	_ =	sdelay $0x1  }
0x1cc: {  	v1 =	vmul.f32 $5.000000000e-01, v1;
	_ =	sdelay $0x1  }
0x1cd: {  	[tilespmem:s22+$0x0] =	vst v1  }
0x1ce: {  	[tilespmem:s21+$0x0] =	vst v0;
	v1 =	vld [tilespmem:s21+$0x10]  }
0x1cf: {  	v2 =	vld [tilespmem:s22+$0x10];
	_ =	sdelay $0x4  }
0x1d0: {  	v1 =	vadd.f32 v1, v2;
	_ =	sdelay $0x1  }
0x1d1: {  	v1 =	vmul.f32 $5.000000000e-01, v1;
	_ =	sdelay $0x1  }
0x1d2: {  	[tilespmem:s22+$0x10] =	vst v1  }
0x1d3: {  	[tilespmem:s21+$0x10] =	vst v0;
	v1 =	vld [tilespmem:s21+$0x20]  }
0x1d4: {  	v2 =	vld [tilespmem:s22+$0x20];
	_ =	sdelay $0x4  }
0x1d5: {  	v1 =	vadd.f32 v1, v2;
	_ =	sdelay $0x1  }
0x1d6: {  	v1 =	vmul.f32 $5.000000000e-01, v1;
	_ =	sdelay $0x1  }
0x1d7: {  	[tilespmem:s22+$0x20] =	vst v1  }
0x1d8: {  	[tilespmem:s21+$0x20] =	vst v0;
	v1 =	vld [tilespmem:s21+$0x30]  }
0x1d9: {  	v2 =	vld [tilespmem:s22+$0x30];
	_ =	sdelay $0x4  }
0x1da: {  	v1 =	vadd.f32 v1, v2;
	_ =	sdelay $0x1  }
0x1db: {  	v1 =	vmul.f32 $5.000000000e-01, v1;
	_ =	sdelay $0x1  }
0x1dc: {  	s23 =	simm.s32 $0x0;
	s24 =	simm.s32 $0x9D40;
	[tilespmem:s22+$0x30] =	vst v1  }
.LBB2_10:
0x1dd: {  	v1 =	vld [tilespmem:s24+$0xFFFFFFC0];
	s23 =	sadd.s32 $0x8, s23;
	[tilespmem:s21+$0x30] =	vst v0;
	s22 =	sadd.s32 $0x80, s22;
	s21 =	smov.u32 s24  }
0x1de: {  	v2 =	vld [tilespmem:s22+$0xFFFFFFC0];
	p0 =	slt.u32 s23, $0x9B8;
	_ =	sdelay $0x4  }
0x1df: {  	v1 =	vadd.f32 v1, v2;
	_ =	sdelay $0x1  }
0x1e0: {  	v1 =	vmul.f32 $5.000000000e-01, v1;
	_ =	sdelay $0x1  }
0x1e1: {  	[tilespmem:s22+$0xFFFFFFC0] =	vst v1  }
0x1e2: {  	[tilespmem:s24+$0xFFFFFFC0] =	vst v0;
	v1 =	vld [tilespmem:s24+$0xFFFFFFD0]  }
0x1e3: {  	v2 =	vld [tilespmem:s22+$0xFFFFFFD0];
	_ =	sdelay $0x4  }
0x1e4: {  	v1 =	vadd.f32 v1, v2;
	_ =	sdelay $0x1  }
0x1e5: {  	v1 =	vmul.f32 $5.000000000e-01, v1;
	_ =	sdelay $0x1  }
0x1e6: {  	[tilespmem:s22+$0xFFFFFFD0] =	vst v1  }
0x1e7: {  	[tilespmem:s24+$0xFFFFFFD0] =	vst v0;
	v1 =	vld [tilespmem:s24+$0xFFFFFFE0]  }
0x1e8: {  	v2 =	vld [tilespmem:s22+$0xFFFFFFE0];
	_ =	sdelay $0x4  }
0x1e9: {  	v1 =	vadd.f32 v1, v2;
	_ =	sdelay $0x1  }
0x1ea: {  	v1 =	vmul.f32 $5.000000000e-01, v1;
	_ =	sdelay $0x1  }
0x1eb: {  	[tilespmem:s22+$0xFFFFFFE0] =	vst v1  }
0x1ec: {  	[tilespmem:s24+$0xFFFFFFE0] =	vst v0;
	v1 =	vld [tilespmem:s24+$0xFFFFFFF0]  }
0x1ed: {  	v2 =	vld [tilespmem:s22+$0xFFFFFFF0];
	_ =	sdelay $0x4  }
0x1ee: {  	v1 =	vadd.f32 v1, v2;
	_ =	sdelay $0x1  }
0x1ef: {  	v1 =	vmul.f32 $5.000000000e-01, v1;
	_ =	sdelay $0x1  }
0x1f0: {  	[tilespmem:s22+$0xFFFFFFF0] =	vst v1  }
0x1f1: {  	[tilespmem:s24+$0xFFFFFFF0] =	vst v0;
	v1 =	vld [tilespmem:s24+$0x0]  }
0x1f2: {  	v2 =	vld [tilespmem:s22+$0x0];
	_ =	sdelay $0x4  }
0x1f3: {  	v1 =	vadd.f32 v1, v2;
	_ =	sdelay $0x1  }
0x1f4: {  	v1 =	vmul.f32 $5.000000000e-01, v1;
	_ =	sdelay $0x1  }
0x1f5: {  	[tilespmem:s22+$0x0] =	vst v1  }
0x1f6: {  	[tilespmem:s24+$0x0] =	vst v0;
	v1 =	vld [tilespmem:s24+$0x10]  }
0x1f7: {  	v2 =	vld [tilespmem:s22+$0x10];
	_ =	sdelay $0x4  }
0x1f8: {  	v1 =	vadd.f32 v1, v2;
	_ =	sdelay $0x1  }
0x1f9: {  	v1 =	vmul.f32 $5.000000000e-01, v1;
	_ =	sdelay $0x1  }
0x1fa: {  	[tilespmem:s22+$0x10] =	vst v1  }
0x1fb: {  	[tilespmem:s24+$0x10] =	vst v0;
	v1 =	vld [tilespmem:s24+$0x20]  }
0x1fc: {  	v2 =	vld [tilespmem:s22+$0x20];
	_ =	sdelay $0x4  }
0x1fd: {  	v1 =	vadd.f32 v1, v2;
	_ =	sdelay $0x1  }
0x1fe: {  	v1 =	vmul.f32 $5.000000000e-01, v1;
	_ =	sdelay $0x1  }
0x1ff: {  	[tilespmem:s22+$0x20] =	vst v1  }
0x200: {  	[tilespmem:s24+$0x20] =	vst v0;
	v1 =	vld [tilespmem:s24+$0x30]  }
0x201: {  	v2 =	vld [tilespmem:s22+$0x30];
	_ =	sdelay $0x4  }
.Ltmp4:
0x202: {  	v1 =	vadd.f32 v1, v2;
	(pc) =	sbr.rel @p0 .LBB2_10-.Ltmp4, $3  }
0x203: {  	_ = 	snop  }
0x204: {  	v1 =	vmul.f32 $5.000000000e-01, v1;
	_ =	sdelay $0x1  }
0x205: {  	s24 =	sadd.s32 $0x80, s24;
	[tilespmem:s22+$0x30] =	vst v1  }
0x206: {  	[tilespmem:s21+$0x30] =	vst v0  }
0x207: {  	v1 =	vld [tilespmem:$0x9C00]  }
0x208: {  	v2 =	vld [tilespmem:$0x13880]  }
0x209: {  	v3 =	vld [tilespmem:$0x9C10]  }
0x20a: {  	v4 =	vld [tilespmem:$0x13890]  }
0x20b: {  	v5 =	vld [tilespmem:$0x9C20]  }
0x20c: {  	v6 =	vld [tilespmem:$0x138A0]  }
0x20d: {  	v63 =	vld [tilespmem:$0x138B0];
	v1 =	vadd.f32 v2, v1  }
0x20e: {  	v2 =	vld [tilespmem:$0x9C30]  }
0x20f: {  	v1 =	vmul.f32 $5.000000000e-01, v1  }
0x210: {  	[tilespmem:$0x13880] =	vst v0  }
0x211: {  	[tilespmem:$0x9C00] =	vst v1;
	v1 =	vadd.f32 v6, v5  }
0x212: {  	[tilespmem:$0x13890] =	vst v0;
	v3 =	vadd.f32 v4, v3  }
0x213: {  	[tilespmem:$0x138A0] =	vst v0;
	v2 =	vadd.f32 v63, v2;
	v1 =	vmul.f32 $5.000000000e-01, v1  }
0x214: {  	[tilespmem:$0x138B0] =	vst v0;
	v3 =	vmul.f32 $5.000000000e-01, v3  }
0x215: {  	[tilespmem:$0x9C20] =	vst v1;
	v1 =	vmul.f32 $5.000000000e-01, v2  }
0x216: {  	[tilespmem:$0x9C10] =	vst v3  }
0x217: {  	s21 =	simm.s32 $0x0;
	[tilespmem:$0x9C30] =	vst v1  }
.LBB2_12:
0x218: {  	_ =	swait.ge [sflag:s17], $0x1900  }
0x219: {  	[sflag:s17] =	ssyncset.done $0x0  }
0x21a: {  	[sflag:s17] =	ssyncadd.s32 $0xFFFFE700  }
0x21b: {  	_ =	swait.ge [sflag:s17], $0x1900  }
0x21c: {  	s22 =	simm.s32 $0xFFFFFFF8;
	[sflag:s17] =	ssyncset.done $0x0  }
0x21d: {  	s23 =	simm.s32 $0x13940;
	s24 =	simm.s32 $0x16B40;
	[sflag:s17] =	ssyncadd.s32 $0xFFFFE700  }
.LBB2_13:
0x21e: {  	v1 =	vld [tilespmem:s23+$0xFFFFFFC0];
	_ =	sdelay $0x4  }
0x21f: {  	v2 =	vshrl.u32 v1, $0x10;
	_ =	sdelay $0x3  }
0x220: {  	v3 =	vld [tilespmem:s24+$0xFFFFFFC0]  }
0x221: {  	v4 =	vld.idx.msk [tilespmem:v2+s3+$0x0], $0xffff;
	_ =	sdelay $0x1  }
0x222: {  	v1 =	vand.u32 $0xFFFF, v1  }
0x223: {  	v5 =	vadd.s32 $0x1, v2;
	_ =	sdelay $0x1  }
0x224: {  	v4 =	vmul.f32 v4, v3;
	_ =	sdelay $0x1  }
0x225: {  	[tilespmem:v1+s18+$0x0] =	vst.idx.add.f32.msk $0xffff, v4  }
0x226: {  	v4 =	vld.idx.msk [tilespmem:v5+s3+$0x0], $0xffff;
	_ =	sdelay $0x1  }
0x227: {  	v34 =	vadd.s32 $0x1, v1  }
0x228: {  	v6 =	vadd.s32 $0x2, v2;
	_ =	sdelay $0x1  }
0x229: {  	v4 =	vmul.f32 v4, v3;
	_ =	sdelay $0x1  }
0x22a: {  	[tilespmem:v34+s18+$0x0] =	vst.idx.add.f32.msk $0xffff, v4  }
0x22b: {  	v4 =	vld.idx.msk [tilespmem:v6+s3+$0x0], $0xffff;
	_ =	sdelay $0x1  }
0x22c: {  	v35 =	vadd.s32 $0x2, v1  }
0x22d: {  	v2 =	vadd.s32 $0x3, v2;
	_ =	sdelay $0x1  }
0x22e: {  	v4 =	vmul.f32 v4, v3;
	_ =	sdelay $0x1  }
0x22f: {  	[tilespmem:v35+s18+$0x0] =	vst.idx.add.f32.msk $0xffff, v4  }
0x230: {  	v2 =	vld.idx.msk [tilespmem:v2+s3+$0x0], $0xffff;
	_ =	sdelay $0x1  }
0x231: {  	v1 =	vadd.s32 $0x3, v1;
	_ =	sdelay $0x2  }
0x232: {  	v2 =	vmul.f32 v2, v3;
	_ =	sdelay $0x1  }
0x233: {  	[tilespmem:v1+s18+$0x0] =	vst.idx.add.f32.msk $0xffff, v2  }
0x234: {  	v1 =	vld [tilespmem:s23+$0xFFFFFFD0];
	_ =	sdelay $0x4  }
0x235: {  	v2 =	vshrl.u32 v1, $0x10;
	_ =	sdelay $0x3  }
0x236: {  	v3 =	vld [tilespmem:s24+$0xFFFFFFD0]  }
0x237: {  	v4 =	vld.idx.msk [tilespmem:v2+s3+$0x0], $0xffff;
	_ =	sdelay $0x1  }
0x238: {  	v1 =	vand.u32 $0xFFFF, v1  }
0x239: {  	v36 =	vadd.s32 $0x1, v2;
	_ =	sdelay $0x1  }
0x23a: {  	v4 =	vmul.f32 v4, v3;
	_ =	sdelay $0x1  }
0x23b: {  	[tilespmem:v1+s18+$0x0] =	vst.idx.add.f32.msk $0xffff, v4  }
0x23c: {  	v4 =	vld.idx.msk [tilespmem:v36+s3+$0x0], $0xffff;
	_ =	sdelay $0x1  }
0x23d: {  	v37 =	vadd.s32 $0x1, v1  }
0x23e: {  	v38 =	vadd.s32 $0x2, v2;
	_ =	sdelay $0x1  }
0x23f: {  	v4 =	vmul.f32 v4, v3;
	_ =	sdelay $0x1  }
0x240: {  	[tilespmem:v37+s18+$0x0] =	vst.idx.add.f32.msk $0xffff, v4  }
0x241: {  	v4 =	vld.idx.msk [tilespmem:v38+s3+$0x0], $0xffff;
	_ =	sdelay $0x1  }
0x242: {  	v39 =	vadd.s32 $0x2, v1  }
0x243: {  	v2 =	vadd.s32 $0x3, v2;
	_ =	sdelay $0x1  }
0x244: {  	v4 =	vmul.f32 v4, v3;
	_ =	sdelay $0x1  }
0x245: {  	[tilespmem:v39+s18+$0x0] =	vst.idx.add.f32.msk $0xffff, v4  }
0x246: {  	v2 =	vld.idx.msk [tilespmem:v2+s3+$0x0], $0xffff;
	_ =	sdelay $0x1  }
0x247: {  	v1 =	vadd.s32 $0x3, v1;
	_ =	sdelay $0x2  }
0x248: {  	v2 =	vmul.f32 v2, v3;
	_ =	sdelay $0x1  }
0x249: {  	[tilespmem:v1+s18+$0x0] =	vst.idx.add.f32.msk $0xffff, v2  }
0x24a: {  	v1 =	vld [tilespmem:s23+$0xFFFFFFE0];
	_ =	sdelay $0x4  }
0x24b: {  	v2 =	vshrl.u32 v1, $0x10;
	_ =	sdelay $0x3  }
0x24c: {  	v3 =	vld [tilespmem:s24+$0xFFFFFFE0]  }
0x24d: {  	v4 =	vld.idx.msk [tilespmem:v2+s3+$0x0], $0xffff;
	_ =	sdelay $0x1  }
0x24e: {  	v1 =	vand.u32 $0xFFFF, v1  }
0x24f: {  	v40 =	vadd.s32 $0x1, v2;
	_ =	sdelay $0x1  }
0x250: {  	v4 =	vmul.f32 v4, v3;
	_ =	sdelay $0x1  }
0x251: {  	[tilespmem:v1+s18+$0x0] =	vst.idx.add.f32.msk $0xffff, v4  }
0x252: {  	v4 =	vld.idx.msk [tilespmem:v40+s3+$0x0], $0xffff;
	_ =	sdelay $0x1  }
0x253: {  	v41 =	vadd.s32 $0x1, v1  }
0x254: {  	v42 =	vadd.s32 $0x2, v2;
	_ =	sdelay $0x1  }
0x255: {  	v4 =	vmul.f32 v4, v3;
	_ =	sdelay $0x1  }
0x256: {  	[tilespmem:v41+s18+$0x0] =	vst.idx.add.f32.msk $0xffff, v4  }
0x257: {  	v4 =	vld.idx.msk [tilespmem:v42+s3+$0x0], $0xffff;
	_ =	sdelay $0x1  }
0x258: {  	v43 =	vadd.s32 $0x2, v1  }
0x259: {  	v2 =	vadd.s32 $0x3, v2;
	_ =	sdelay $0x1  }
0x25a: {  	v4 =	vmul.f32 v4, v3;
	_ =	sdelay $0x1  }
0x25b: {  	[tilespmem:v43+s18+$0x0] =	vst.idx.add.f32.msk $0xffff, v4  }
0x25c: {  	v2 =	vld.idx.msk [tilespmem:v2+s3+$0x0], $0xffff;
	_ =	sdelay $0x1  }
0x25d: {  	v1 =	vadd.s32 $0x3, v1;
	_ =	sdelay $0x2  }
0x25e: {  	v2 =	vmul.f32 v2, v3;
	_ =	sdelay $0x1  }
0x25f: {  	[tilespmem:v1+s18+$0x0] =	vst.idx.add.f32.msk $0xffff, v2  }
0x260: {  	v1 =	vld [tilespmem:s23+$0xFFFFFFF0];
	_ =	sdelay $0x4  }
0x261: {  	v2 =	vshrl.u32 v1, $0x10;
	_ =	sdelay $0x3  }
0x262: {  	v3 =	vld [tilespmem:s24+$0xFFFFFFF0]  }
0x263: {  	v4 =	vld.idx.msk [tilespmem:v2+s3+$0x0], $0xffff;
	_ =	sdelay $0x1  }
0x264: {  	v1 =	vand.u32 $0xFFFF, v1  }
0x265: {  	v44 =	vadd.s32 $0x1, v2;
	_ =	sdelay $0x1  }
0x266: {  	v4 =	vmul.f32 v4, v3;
	_ =	sdelay $0x1  }
0x267: {  	[tilespmem:v1+s18+$0x0] =	vst.idx.add.f32.msk $0xffff, v4  }
0x268: {  	v4 =	vld.idx.msk [tilespmem:v44+s3+$0x0], $0xffff;
	_ =	sdelay $0x1  }
0x269: {  	v45 =	vadd.s32 $0x1, v1  }
0x26a: {  	v46 =	vadd.s32 $0x2, v2;
	_ =	sdelay $0x1  }
0x26b: {  	v4 =	vmul.f32 v4, v3;
	_ =	sdelay $0x1  }
0x26c: {  	[tilespmem:v45+s18+$0x0] =	vst.idx.add.f32.msk $0xffff, v4  }
0x26d: {  	v4 =	vld.idx.msk [tilespmem:v46+s3+$0x0], $0xffff;
	_ =	sdelay $0x1  }
0x26e: {  	v47 =	vadd.s32 $0x2, v1  }
0x26f: {  	v2 =	vadd.s32 $0x3, v2;
	_ =	sdelay $0x1  }
0x270: {  	v4 =	vmul.f32 v4, v3;
	_ =	sdelay $0x1  }
0x271: {  	[tilespmem:v47+s18+$0x0] =	vst.idx.add.f32.msk $0xffff, v4  }
0x272: {  	v2 =	vld.idx.msk [tilespmem:v2+s3+$0x0], $0xffff;
	_ =	sdelay $0x1  }
0x273: {  	v1 =	vadd.s32 $0x3, v1;
	_ =	sdelay $0x2  }
0x274: {  	v2 =	vmul.f32 v2, v3;
	_ =	sdelay $0x1  }
0x275: {  	[tilespmem:v1+s18+$0x0] =	vst.idx.add.f32.msk $0xffff, v2  }
0x276: {  	v1 =	vld [tilespmem:s23+$0x0];
	_ =	sdelay $0x4  }
0x277: {  	v2 =	vshrl.u32 v1, $0x10;
	_ =	sdelay $0x3  }
0x278: {  	v3 =	vld [tilespmem:s24+$0x0]  }
0x279: {  	v4 =	vld.idx.msk [tilespmem:v2+s3+$0x0], $0xffff;
	_ =	sdelay $0x1  }
0x27a: {  	v1 =	vand.u32 $0xFFFF, v1  }
0x27b: {  	v48 =	vadd.s32 $0x1, v2;
	_ =	sdelay $0x1  }
0x27c: {  	v4 =	vmul.f32 v4, v3;
	_ =	sdelay $0x1  }
0x27d: {  	[tilespmem:v1+s18+$0x0] =	vst.idx.add.f32.msk $0xffff, v4  }
0x27e: {  	v4 =	vld.idx.msk [tilespmem:v48+s3+$0x0], $0xffff;
	_ =	sdelay $0x1  }
0x27f: {  	v49 =	vadd.s32 $0x1, v1  }
0x280: {  	v50 =	vadd.s32 $0x2, v2;
	_ =	sdelay $0x1  }
0x281: {  	v4 =	vmul.f32 v4, v3;
	_ =	sdelay $0x1  }
0x282: {  	[tilespmem:v49+s18+$0x0] =	vst.idx.add.f32.msk $0xffff, v4  }
0x283: {  	v4 =	vld.idx.msk [tilespmem:v50+s3+$0x0], $0xffff;
	_ =	sdelay $0x1  }
0x284: {  	v51 =	vadd.s32 $0x2, v1  }
0x285: {  	v2 =	vadd.s32 $0x3, v2;
	_ =	sdelay $0x1  }
0x286: {  	v4 =	vmul.f32 v4, v3;
	_ =	sdelay $0x1  }
0x287: {  	[tilespmem:v51+s18+$0x0] =	vst.idx.add.f32.msk $0xffff, v4  }
0x288: {  	v2 =	vld.idx.msk [tilespmem:v2+s3+$0x0], $0xffff;
	_ =	sdelay $0x1  }
0x289: {  	v1 =	vadd.s32 $0x3, v1;
	_ =	sdelay $0x2  }
0x28a: {  	v2 =	vmul.f32 v2, v3;
	_ =	sdelay $0x1  }
0x28b: {  	[tilespmem:v1+s18+$0x0] =	vst.idx.add.f32.msk $0xffff, v2  }
0x28c: {  	v1 =	vld [tilespmem:s23+$0x10];
	_ =	sdelay $0x4  }
0x28d: {  	v2 =	vshrl.u32 v1, $0x10;
	_ =	sdelay $0x3  }
0x28e: {  	v3 =	vld [tilespmem:s24+$0x10]  }
0x28f: {  	v4 =	vld.idx.msk [tilespmem:v2+s3+$0x0], $0xffff;
	_ =	sdelay $0x1  }
0x290: {  	v1 =	vand.u32 $0xFFFF, v1  }
0x291: {  	v52 =	vadd.s32 $0x1, v2;
	_ =	sdelay $0x1  }
0x292: {  	v4 =	vmul.f32 v4, v3;
	_ =	sdelay $0x1  }
0x293: {  	[tilespmem:v1+s18+$0x0] =	vst.idx.add.f32.msk $0xffff, v4  }
0x294: {  	v4 =	vld.idx.msk [tilespmem:v52+s3+$0x0], $0xffff;
	_ =	sdelay $0x1  }
0x295: {  	v53 =	vadd.s32 $0x1, v1  }
0x296: {  	v54 =	vadd.s32 $0x2, v2;
	_ =	sdelay $0x1  }
0x297: {  	v4 =	vmul.f32 v4, v3;
	_ =	sdelay $0x1  }
0x298: {  	[tilespmem:v53+s18+$0x0] =	vst.idx.add.f32.msk $0xffff, v4  }
0x299: {  	v4 =	vld.idx.msk [tilespmem:v54+s3+$0x0], $0xffff;
	_ =	sdelay $0x1  }
0x29a: {  	v55 =	vadd.s32 $0x2, v1  }
0x29b: {  	v2 =	vadd.s32 $0x3, v2;
	_ =	sdelay $0x1  }
0x29c: {  	v4 =	vmul.f32 v4, v3;
	_ =	sdelay $0x1  }
0x29d: {  	[tilespmem:v55+s18+$0x0] =	vst.idx.add.f32.msk $0xffff, v4  }
0x29e: {  	v2 =	vld.idx.msk [tilespmem:v2+s3+$0x0], $0xffff;
	_ =	sdelay $0x1  }
0x29f: {  	v1 =	vadd.s32 $0x3, v1;
	_ =	sdelay $0x2  }
0x2a0: {  	v2 =	vmul.f32 v2, v3;
	_ =	sdelay $0x1  }
0x2a1: {  	[tilespmem:v1+s18+$0x0] =	vst.idx.add.f32.msk $0xffff, v2  }
0x2a2: {  	v1 =	vld [tilespmem:s23+$0x20];
	_ =	sdelay $0x4  }
0x2a3: {  	v2 =	vshrl.u32 v1, $0x10;
	_ =	sdelay $0x3  }
0x2a4: {  	v3 =	vld [tilespmem:s24+$0x20]  }
0x2a5: {  	v4 =	vld.idx.msk [tilespmem:v2+s3+$0x0], $0xffff;
	_ =	sdelay $0x1  }
0x2a6: {  	v1 =	vand.u32 $0xFFFF, v1  }
0x2a7: {  	v56 =	vadd.s32 $0x1, v2;
	_ =	sdelay $0x1  }
0x2a8: {  	v4 =	vmul.f32 v4, v3;
	_ =	sdelay $0x1  }
0x2a9: {  	[tilespmem:v1+s18+$0x0] =	vst.idx.add.f32.msk $0xffff, v4  }
0x2aa: {  	v4 =	vld.idx.msk [tilespmem:v56+s3+$0x0], $0xffff;
	_ =	sdelay $0x1  }
0x2ab: {  	v57 =	vadd.s32 $0x1, v1  }
0x2ac: {  	v58 =	vadd.s32 $0x2, v2;
	_ =	sdelay $0x1  }
0x2ad: {  	v4 =	vmul.f32 v4, v3;
	_ =	sdelay $0x1  }
0x2ae: {  	[tilespmem:v57+s18+$0x0] =	vst.idx.add.f32.msk $0xffff, v4  }
0x2af: {  	v4 =	vld.idx.msk [tilespmem:v58+s3+$0x0], $0xffff;
	_ =	sdelay $0x1  }
0x2b0: {  	v59 =	vadd.s32 $0x2, v1  }
0x2b1: {  	v2 =	vadd.s32 $0x3, v2;
	_ =	sdelay $0x1  }
0x2b2: {  	v4 =	vmul.f32 v4, v3;
	_ =	sdelay $0x1  }
0x2b3: {  	[tilespmem:v59+s18+$0x0] =	vst.idx.add.f32.msk $0xffff, v4  }
0x2b4: {  	v2 =	vld.idx.msk [tilespmem:v2+s3+$0x0], $0xffff;
	_ =	sdelay $0x1  }
0x2b5: {  	v1 =	vadd.s32 $0x3, v1;
	_ =	sdelay $0x2  }
0x2b6: {  	v2 =	vmul.f32 v2, v3;
	_ =	sdelay $0x1  }
0x2b7: {  	[tilespmem:v1+s18+$0x0] =	vst.idx.add.f32.msk $0xffff, v2  }
0x2b8: {  	v1 =	vld [tilespmem:s23+$0x30];
	_ =	sdelay $0x4  }
0x2b9: {  	v2 =	vshrl.u32 v1, $0x10;
	_ =	sdelay $0x3  }
0x2ba: {  	v3 =	vld [tilespmem:s24+$0x30]  }
0x2bb: {  	v4 =	vld.idx.msk [tilespmem:v2+s3+$0x0], $0xffff;
	_ =	sdelay $0x1  }
0x2bc: {  	v1 =	vand.u32 $0xFFFF, v1  }
0x2bd: {  	v60 =	vadd.s32 $0x1, v2;
	_ =	sdelay $0x1  }
0x2be: {  	v4 =	vmul.f32 v4, v3;
	_ =	sdelay $0x1  }
0x2bf: {  	[tilespmem:v1+s18+$0x0] =	vst.idx.add.f32.msk $0xffff, v4  }
0x2c0: {  	v4 =	vld.idx.msk [tilespmem:v60+s3+$0x0], $0xffff;
	_ =	sdelay $0x1  }
0x2c1: {  	v61 =	vadd.s32 $0x1, v1  }
0x2c2: {  	v62 =	vadd.s32 $0x2, v2;
	_ =	sdelay $0x1  }
0x2c3: {  	v4 =	vmul.f32 v4, v3;
	_ =	sdelay $0x1  }
0x2c4: {  	[tilespmem:v61+s18+$0x0] =	vst.idx.add.f32.msk $0xffff, v4  }
0x2c5: {  	v4 =	vld.idx.msk [tilespmem:v62+s3+$0x0], $0xffff;
	_ =	sdelay $0x1  }
0x2c6: {  	v63 =	vadd.s32 $0x2, v1  }
0x2c7: {  	v2 =	vadd.s32 $0x3, v2;
	_ =	sdelay $0x1  }
0x2c8: {  	v4 =	vmul.f32 v4, v3;
	_ =	sdelay $0x1  }
0x2c9: {  	[tilespmem:v63+s18+$0x0] =	vst.idx.add.f32.msk $0xffff, v4  }
0x2ca: {  	v2 =	vld.idx.msk [tilespmem:v2+s3+$0x0], $0xffff  }
0x2cb: {  	s22 =	sadd.s32 $0x8, s22  }
0x2cc: {  	p0 =	slt.u32 s22, $0x188;
	v1 =	vadd.s32 $0x3, v1  }
.Ltmp5:
0x2cd: {  	_ = 	snop;
	(pc) =	sbr.rel @p0 .LBB2_13-.Ltmp5, $3  }
0x2ce: {  	_ = 	snop  }
0x2cf: {  	v2 =	vmul.f32 v2, v3;
	_ =	sdelay $0x1  }
0x2d0: {  	s23 =	sadd.s32 $0x80, s23;
	s24 =	sadd.s32 $0x80, s24;
	[tilespmem:v1+s18+$0x0] =	vst.idx.add.f32.msk $0xffff, v2  }
0x2d1: {  	p0 =	seq.s32 s21, $0x31  }
0x2d2: {  	s22 =	smul.u32 @!p0 $0x3200, s21;
	_ =	sdelay $0x1  }
0x2d3: {  	s22 =	sshrl.u32 @!p0 s22, $0x3  }
0x2d4: {  	s22 =	sadd.s32 @!p0 $0x640, s22  }
0x2d5: {  	s24 =	simm.s32 @!p0 $0x0;
	s25 =	simm.s32 @!p0 $0x13900;
	s23 =	sadd.s32 @!p0 s2, s22  }
0x2d6: {  	[tilespmem:s25], [sflag:$0x1] =	stream.linear.gather @!p0 [hbm4b:s23+s24], $0x1900, $0x38;
	[tilespmem:$0x19D00] =	vst v63  }
0x2d7: {  	s22 =	sadd.s32 @!p0 s4, s22;
	s23 =	simm.s32 @!p0 $0x16B00  }
0x2d8: {  	[tilespmem:s23], [sflag:$0x1] =	stream.linear.gather @!p0 [hbm4b:s22+s24], $0x1900, $0x38;
	[tilespmem:$0x19D00] =	vst v63  }
0x2d9: {  	_ =	swait.ge [sflag:s19], $0x1900  }
0x2da: {  	[sflag:s19] =	ssyncset.done $0x0  }
0x2db: {  	[sflag:s19] =	ssyncadd.s32 $0xFFFFE700  }
0x2dc: {  	_ =	swait.ge [sflag:s19], $0x1900  }
0x2dd: {  	s22 =	simm.s32 $0xFFFFFFF8;
	[sflag:s19] =	ssyncset.done $0x0  }
0x2de: {  	s23 =	simm.s32 $0x15240;
	s24 =	simm.s32 $0x18440;
	[sflag:s19] =	ssyncadd.s32 $0xFFFFE700  }
.LBB2_15:
0x2df: {  	v1 =	vld [tilespmem:s23+$0xFFFFFFC0];
	_ =	sdelay $0x4  }
0x2e0: {  	v2 =	vshrl.u32 v1, $0x10;
	_ =	sdelay $0x3  }
0x2e1: {  	v3 =	vld [tilespmem:s24+$0xFFFFFFC0]  }
0x2e2: {  	v4 =	vld.idx.msk [tilespmem:v2+s3+$0x0], $0xffff;
	_ =	sdelay $0x1  }
0x2e3: {  	v1 =	vand.u32 $0xFFFF, v1  }
0x2e4: {  	v5 =	vadd.s32 $0x1, v2;
	_ =	sdelay $0x1  }
0x2e5: {  	v4 =	vmul.f32 v4, v3;
	_ =	sdelay $0x1  }
0x2e6: {  	[tilespmem:v1+s18+$0x0] =	vst.idx.add.f32.msk $0xffff, v4  }
0x2e7: {  	v4 =	vld.idx.msk [tilespmem:v5+s3+$0x0], $0xffff;
	_ =	sdelay $0x1  }
0x2e8: {  	v34 =	vadd.s32 $0x1, v1  }
0x2e9: {  	v6 =	vadd.s32 $0x2, v2;
	_ =	sdelay $0x1  }
0x2ea: {  	v4 =	vmul.f32 v4, v3;
	_ =	sdelay $0x1  }
0x2eb: {  	[tilespmem:v34+s18+$0x0] =	vst.idx.add.f32.msk $0xffff, v4  }
0x2ec: {  	v4 =	vld.idx.msk [tilespmem:v6+s3+$0x0], $0xffff;
	_ =	sdelay $0x1  }
0x2ed: {  	v35 =	vadd.s32 $0x2, v1  }
0x2ee: {  	v2 =	vadd.s32 $0x3, v2;
	_ =	sdelay $0x1  }
0x2ef: {  	v4 =	vmul.f32 v4, v3;
	_ =	sdelay $0x1  }
0x2f0: {  	[tilespmem:v35+s18+$0x0] =	vst.idx.add.f32.msk $0xffff, v4  }
0x2f1: {  	v2 =	vld.idx.msk [tilespmem:v2+s3+$0x0], $0xffff;
	_ =	sdelay $0x1  }
0x2f2: {  	v1 =	vadd.s32 $0x3, v1;
	_ =	sdelay $0x2  }
0x2f3: {  	v2 =	vmul.f32 v2, v3;
	_ =	sdelay $0x1  }
0x2f4: {  	[tilespmem:v1+s18+$0x0] =	vst.idx.add.f32.msk $0xffff, v2  }
0x2f5: {  	v1 =	vld [tilespmem:s23+$0xFFFFFFD0];
	_ =	sdelay $0x4  }
0x2f6: {  	v2 =	vshrl.u32 v1, $0x10;
	_ =	sdelay $0x3  }
0x2f7: {  	v3 =	vld [tilespmem:s24+$0xFFFFFFD0]  }
0x2f8: {  	v4 =	vld.idx.msk [tilespmem:v2+s3+$0x0], $0xffff;
	_ =	sdelay $0x1  }
0x2f9: {  	v1 =	vand.u32 $0xFFFF, v1  }
0x2fa: {  	v36 =	vadd.s32 $0x1, v2;
	_ =	sdelay $0x1  }
0x2fb: {  	v4 =	vmul.f32 v4, v3;
	_ =	sdelay $0x1  }
0x2fc: {  	[tilespmem:v1+s18+$0x0] =	vst.idx.add.f32.msk $0xffff, v4  }
0x2fd: {  	v4 =	vld.idx.msk [tilespmem:v36+s3+$0x0], $0xffff;
	_ =	sdelay $0x1  }
0x2fe: {  	v37 =	vadd.s32 $0x1, v1  }
0x2ff: {  	v38 =	vadd.s32 $0x2, v2;
	_ =	sdelay $0x1  }
0x300: {  	v4 =	vmul.f32 v4, v3;
	_ =	sdelay $0x1  }
0x301: {  	[tilespmem:v37+s18+$0x0] =	vst.idx.add.f32.msk $0xffff, v4  }
0x302: {  	v4 =	vld.idx.msk [tilespmem:v38+s3+$0x0], $0xffff;
	_ =	sdelay $0x1  }
0x303: {  	v39 =	vadd.s32 $0x2, v1  }
0x304: {  	v2 =	vadd.s32 $0x3, v2;
	_ =	sdelay $0x1  }
0x305: {  	v4 =	vmul.f32 v4, v3;
	_ =	sdelay $0x1  }
0x306: {  	[tilespmem:v39+s18+$0x0] =	vst.idx.add.f32.msk $0xffff, v4  }
0x307: {  	v2 =	vld.idx.msk [tilespmem:v2+s3+$0x0], $0xffff;
	_ =	sdelay $0x1  }
0x308: {  	v1 =	vadd.s32 $0x3, v1;
	_ =	sdelay $0x2  }
0x309: {  	v2 =	vmul.f32 v2, v3;
	_ =	sdelay $0x1  }
0x30a: {  	[tilespmem:v1+s18+$0x0] =	vst.idx.add.f32.msk $0xffff, v2  }
0x30b: {  	v1 =	vld [tilespmem:s23+$0xFFFFFFE0];
	_ =	sdelay $0x4  }
0x30c: {  	v2 =	vshrl.u32 v1, $0x10;
	_ =	sdelay $0x3  }
0x30d: {  	v3 =	vld [tilespmem:s24+$0xFFFFFFE0]  }
0x30e: {  	v4 =	vld.idx.msk [tilespmem:v2+s3+$0x0], $0xffff;
	_ =	sdelay $0x1  }
0x30f: {  	v1 =	vand.u32 $0xFFFF, v1  }
0x310: {  	v40 =	vadd.s32 $0x1, v2;
	_ =	sdelay $0x1  }
0x311: {  	v4 =	vmul.f32 v4, v3;
	_ =	sdelay $0x1  }
0x312: {  	[tilespmem:v1+s18+$0x0] =	vst.idx.add.f32.msk $0xffff, v4  }
0x313: {  	v4 =	vld.idx.msk [tilespmem:v40+s3+$0x0], $0xffff;
	_ =	sdelay $0x1  }
0x314: {  	v41 =	vadd.s32 $0x1, v1  }
0x315: {  	v42 =	vadd.s32 $0x2, v2;
	_ =	sdelay $0x1  }
0x316: {  	v4 =	vmul.f32 v4, v3;
	_ =	sdelay $0x1  }
0x317: {  	[tilespmem:v41+s18+$0x0] =	vst.idx.add.f32.msk $0xffff, v4  }
0x318: {  	v4 =	vld.idx.msk [tilespmem:v42+s3+$0x0], $0xffff;
	_ =	sdelay $0x1  }
0x319: {  	v43 =	vadd.s32 $0x2, v1  }
0x31a: {  	v2 =	vadd.s32 $0x3, v2;
	_ =	sdelay $0x1  }
0x31b: {  	v4 =	vmul.f32 v4, v3;
	_ =	sdelay $0x1  }
0x31c: {  	[tilespmem:v43+s18+$0x0] =	vst.idx.add.f32.msk $0xffff, v4  }
0x31d: {  	v2 =	vld.idx.msk [tilespmem:v2+s3+$0x0], $0xffff;
	_ =	sdelay $0x1  }
0x31e: {  	v1 =	vadd.s32 $0x3, v1;
	_ =	sdelay $0x2  }
0x31f: {  	v2 =	vmul.f32 v2, v3;
	_ =	sdelay $0x1  }
0x320: {  	[tilespmem:v1+s18+$0x0] =	vst.idx.add.f32.msk $0xffff, v2  }
0x321: {  	v1 =	vld [tilespmem:s23+$0xFFFFFFF0];
	_ =	sdelay $0x4  }
0x322: {  	v2 =	vshrl.u32 v1, $0x10;
	_ =	sdelay $0x3  }
0x323: {  	v3 =	vld [tilespmem:s24+$0xFFFFFFF0]  }
0x324: {  	v4 =	vld.idx.msk [tilespmem:v2+s3+$0x0], $0xffff;
	_ =	sdelay $0x1  }
0x325: {  	v1 =	vand.u32 $0xFFFF, v1  }
0x326: {  	v44 =	vadd.s32 $0x1, v2;
	_ =	sdelay $0x1  }
0x327: {  	v4 =	vmul.f32 v4, v3;
	_ =	sdelay $0x1  }
0x328: {  	[tilespmem:v1+s18+$0x0] =	vst.idx.add.f32.msk $0xffff, v4  }
0x329: {  	v4 =	vld.idx.msk [tilespmem:v44+s3+$0x0], $0xffff;
	_ =	sdelay $0x1  }
0x32a: {  	v45 =	vadd.s32 $0x1, v1  }
0x32b: {  	v46 =	vadd.s32 $0x2, v2;
	_ =	sdelay $0x1  }
0x32c: {  	v4 =	vmul.f32 v4, v3;
	_ =	sdelay $0x1  }
0x32d: {  	[tilespmem:v45+s18+$0x0] =	vst.idx.add.f32.msk $0xffff, v4  }
0x32e: {  	v4 =	vld.idx.msk [tilespmem:v46+s3+$0x0], $0xffff;
	_ =	sdelay $0x1  }
0x32f: {  	v47 =	vadd.s32 $0x2, v1  }
0x330: {  	v2 =	vadd.s32 $0x3, v2;
	_ =	sdelay $0x1  }
0x331: {  	v4 =	vmul.f32 v4, v3;
	_ =	sdelay $0x1  }
0x332: {  	[tilespmem:v47+s18+$0x0] =	vst.idx.add.f32.msk $0xffff, v4  }
0x333: {  	v2 =	vld.idx.msk [tilespmem:v2+s3+$0x0], $0xffff;
	_ =	sdelay $0x1  }
0x334: {  	v1 =	vadd.s32 $0x3, v1;
	_ =	sdelay $0x2  }
0x335: {  	v2 =	vmul.f32 v2, v3;
	_ =	sdelay $0x1  }
0x336: {  	[tilespmem:v1+s18+$0x0] =	vst.idx.add.f32.msk $0xffff, v2  }
0x337: {  	v1 =	vld [tilespmem:s23+$0x0];
	_ =	sdelay $0x4  }
0x338: {  	v2 =	vshrl.u32 v1, $0x10;
	_ =	sdelay $0x3  }
0x339: {  	v3 =	vld [tilespmem:s24+$0x0]  }
0x33a: {  	v4 =	vld.idx.msk [tilespmem:v2+s3+$0x0], $0xffff;
	_ =	sdelay $0x1  }
0x33b: {  	v1 =	vand.u32 $0xFFFF, v1  }
0x33c: {  	v48 =	vadd.s32 $0x1, v2;
	_ =	sdelay $0x1  }
0x33d: {  	v4 =	vmul.f32 v4, v3;
	_ =	sdelay $0x1  }
0x33e: {  	[tilespmem:v1+s18+$0x0] =	vst.idx.add.f32.msk $0xffff, v4  }
0x33f: {  	v4 =	vld.idx.msk [tilespmem:v48+s3+$0x0], $0xffff;
	_ =	sdelay $0x1  }
0x340: {  	v49 =	vadd.s32 $0x1, v1  }
0x341: {  	v50 =	vadd.s32 $0x2, v2;
	_ =	sdelay $0x1  }
0x342: {  	v4 =	vmul.f32 v4, v3;
	_ =	sdelay $0x1  }
0x343: {  	[tilespmem:v49+s18+$0x0] =	vst.idx.add.f32.msk $0xffff, v4  }
0x344: {  	v4 =	vld.idx.msk [tilespmem:v50+s3+$0x0], $0xffff;
	_ =	sdelay $0x1  }
0x345: {  	v51 =	vadd.s32 $0x2, v1  }
0x346: {  	v2 =	vadd.s32 $0x3, v2;
	_ =	sdelay $0x1  }
0x347: {  	v4 =	vmul.f32 v4, v3;
	_ =	sdelay $0x1  }
0x348: {  	[tilespmem:v51+s18+$0x0] =	vst.idx.add.f32.msk $0xffff, v4  }
0x349: {  	v2 =	vld.idx.msk [tilespmem:v2+s3+$0x0], $0xffff;
	_ =	sdelay $0x1  }
0x34a: {  	v1 =	vadd.s32 $0x3, v1;
	_ =	sdelay $0x2  }
0x34b: {  	v2 =	vmul.f32 v2, v3;
	_ =	sdelay $0x1  }
0x34c: {  	[tilespmem:v1+s18+$0x0] =	vst.idx.add.f32.msk $0xffff, v2  }
0x34d: {  	v1 =	vld [tilespmem:s23+$0x10];
	_ =	sdelay $0x4  }
0x34e: {  	v2 =	vshrl.u32 v1, $0x10;
	_ =	sdelay $0x3  }
0x34f: {  	v3 =	vld [tilespmem:s24+$0x10]  }
0x350: {  	v4 =	vld.idx.msk [tilespmem:v2+s3+$0x0], $0xffff;
	_ =	sdelay $0x1  }
0x351: {  	v1 =	vand.u32 $0xFFFF, v1  }
0x352: {  	v52 =	vadd.s32 $0x1, v2;
	_ =	sdelay $0x1  }
0x353: {  	v4 =	vmul.f32 v4, v3;
	_ =	sdelay $0x1  }
0x354: {  	[tilespmem:v1+s18+$0x0] =	vst.idx.add.f32.msk $0xffff, v4  }
0x355: {  	v4 =	vld.idx.msk [tilespmem:v52+s3+$0x0], $0xffff;
	_ =	sdelay $0x1  }
0x356: {  	v53 =	vadd.s32 $0x1, v1  }
0x357: {  	v54 =	vadd.s32 $0x2, v2;
	_ =	sdelay $0x1  }
0x358: {  	v4 =	vmul.f32 v4, v3;
	_ =	sdelay $0x1  }
0x359: {  	[tilespmem:v53+s18+$0x0] =	vst.idx.add.f32.msk $0xffff, v4  }
0x35a: {  	v4 =	vld.idx.msk [tilespmem:v54+s3+$0x0], $0xffff;
	_ =	sdelay $0x1  }
0x35b: {  	v55 =	vadd.s32 $0x2, v1  }
0x35c: {  	v2 =	vadd.s32 $0x3, v2;
	_ =	sdelay $0x1  }
0x35d: {  	v4 =	vmul.f32 v4, v3;
	_ =	sdelay $0x1  }
0x35e: {  	[tilespmem:v55+s18+$0x0] =	vst.idx.add.f32.msk $0xffff, v4  }
0x35f: {  	v2 =	vld.idx.msk [tilespmem:v2+s3+$0x0], $0xffff;
	_ =	sdelay $0x1  }
0x360: {  	v1 =	vadd.s32 $0x3, v1;
	_ =	sdelay $0x2  }
0x361: {  	v2 =	vmul.f32 v2, v3;
	_ =	sdelay $0x1  }
0x362: {  	[tilespmem:v1+s18+$0x0] =	vst.idx.add.f32.msk $0xffff, v2  }
0x363: {  	v1 =	vld [tilespmem:s23+$0x20];
	_ =	sdelay $0x4  }
0x364: {  	v2 =	vshrl.u32 v1, $0x10;
	_ =	sdelay $0x3  }
0x365: {  	v3 =	vld [tilespmem:s24+$0x20]  }
0x366: {  	v4 =	vld.idx.msk [tilespmem:v2+s3+$0x0], $0xffff;
	_ =	sdelay $0x1  }
0x367: {  	v1 =	vand.u32 $0xFFFF, v1  }
0x368: {  	v56 =	vadd.s32 $0x1, v2;
	_ =	sdelay $0x1  }
0x369: {  	v4 =	vmul.f32 v4, v3;
	_ =	sdelay $0x1  }
0x36a: {  	[tilespmem:v1+s18+$0x0] =	vst.idx.add.f32.msk $0xffff, v4  }
0x36b: {  	v4 =	vld.idx.msk [tilespmem:v56+s3+$0x0], $0xffff;
	_ =	sdelay $0x1  }
0x36c: {  	v57 =	vadd.s32 $0x1, v1  }
0x36d: {  	v58 =	vadd.s32 $0x2, v2;
	_ =	sdelay $0x1  }
0x36e: {  	v4 =	vmul.f32 v4, v3;
	_ =	sdelay $0x1  }
0x36f: {  	[tilespmem:v57+s18+$0x0] =	vst.idx.add.f32.msk $0xffff, v4  }
0x370: {  	v4 =	vld.idx.msk [tilespmem:v58+s3+$0x0], $0xffff;
	_ =	sdelay $0x1  }
0x371: {  	v59 =	vadd.s32 $0x2, v1  }
0x372: {  	v2 =	vadd.s32 $0x3, v2;
	_ =	sdelay $0x1  }
0x373: {  	v4 =	vmul.f32 v4, v3;
	_ =	sdelay $0x1  }
0x374: {  	[tilespmem:v59+s18+$0x0] =	vst.idx.add.f32.msk $0xffff, v4  }
0x375: {  	v2 =	vld.idx.msk [tilespmem:v2+s3+$0x0], $0xffff;
	_ =	sdelay $0x1  }
0x376: {  	v1 =	vadd.s32 $0x3, v1;
	_ =	sdelay $0x2  }
0x377: {  	v2 =	vmul.f32 v2, v3;
	_ =	sdelay $0x1  }
0x378: {  	[tilespmem:v1+s18+$0x0] =	vst.idx.add.f32.msk $0xffff, v2  }
0x379: {  	v1 =	vld [tilespmem:s23+$0x30];
	_ =	sdelay $0x4  }
0x37a: {  	v2 =	vshrl.u32 v1, $0x10;
	_ =	sdelay $0x3  }
0x37b: {  	v3 =	vld [tilespmem:s24+$0x30]  }
0x37c: {  	v4 =	vld.idx.msk [tilespmem:v2+s3+$0x0], $0xffff;
	_ =	sdelay $0x1  }
0x37d: {  	v1 =	vand.u32 $0xFFFF, v1  }
0x37e: {  	v60 =	vadd.s32 $0x1, v2;
	_ =	sdelay $0x1  }
0x37f: {  	v4 =	vmul.f32 v4, v3;
	_ =	sdelay $0x1  }
0x380: {  	[tilespmem:v1+s18+$0x0] =	vst.idx.add.f32.msk $0xffff, v4  }
0x381: {  	v4 =	vld.idx.msk [tilespmem:v60+s3+$0x0], $0xffff;
	_ =	sdelay $0x1  }
0x382: {  	v61 =	vadd.s32 $0x1, v1  }
0x383: {  	v62 =	vadd.s32 $0x2, v2;
	_ =	sdelay $0x1  }
0x384: {  	v4 =	vmul.f32 v4, v3;
	_ =	sdelay $0x1  }
0x385: {  	[tilespmem:v61+s18+$0x0] =	vst.idx.add.f32.msk $0xffff, v4  }
0x386: {  	v4 =	vld.idx.msk [tilespmem:v62+s3+$0x0], $0xffff;
	_ =	sdelay $0x1  }
0x387: {  	v63 =	vadd.s32 $0x2, v1  }
0x388: {  	v2 =	vadd.s32 $0x3, v2;
	_ =	sdelay $0x1  }
0x389: {  	v4 =	vmul.f32 v4, v3;
	_ =	sdelay $0x1  }
0x38a: {  	[tilespmem:v63+s18+$0x0] =	vst.idx.add.f32.msk $0xffff, v4  }
0x38b: {  	v2 =	vld.idx.msk [tilespmem:v2+s3+$0x0], $0xffff  }
0x38c: {  	s22 =	sadd.s32 $0x8, s22  }
0x38d: {  	p1 =	slt.u32 s22, $0x188;
	v1 =	vadd.s32 $0x3, v1  }
.Ltmp6:
0x38e: {  	_ = 	snop;
	(pc) =	sbr.rel @p1 .LBB2_15-.Ltmp6, $3  }
0x38f: {  	_ = 	snop  }
0x390: {  	v2 =	vmul.f32 v2, v3;
	_ =	sdelay $0x1  }
0x391: {  	s23 =	sadd.s32 $0x80, s23;
	s24 =	sadd.s32 $0x80, s24;
	[tilespmem:v1+s18+$0x0] =	vst.idx.add.f32.msk $0xffff, v2  }
.Ltmp7:
0x392: {  	(pc) =	sbr.rel @p0 .LBB2_17-.Ltmp7, $1  }
0x393: {  	_ =	sdelay $0x3  }
0x394: {  	s22 =	smul.u32 $0x3200, s21;
	_ =	sdelay $0x1  }
0x395: {  	s22 =	sshrl.u32 s22, $0x3  }
.Ltmp8:
0x396: {  	s22 =	sadd.s32 $0x960, s22;
	(pc) =	sbr.rel .LBB2_12-.Ltmp8, $4  }
0x397: {  	s23 =	sadd.s32 s2, s22  }
0x398: {  	[tilespmem:s12], [sflag:$0x2] =	stream.linear.gather [hbm4b:s23+s3], $0x1900, $0x38;
	[tilespmem:$0x19D00] =	vst v63  }
0x399: {  	s21 =	sadd.s32 $0x1, s21;
	s22 =	sadd.s32 s4, s22  }
0x39a: {  	[tilespmem:s13], [sflag:$0x2] =	stream.linear.gather [hbm4b:s22+s3], $0x1900, $0x38;
	[tilespmem:$0x19D00] =	vst v63  }
.LBB2_17:
0x39b: {  	s21 =	simm.s32 $0x40  }
0x39c: {  	s22 =	simm.s32 $0x9CC0;
	v1 =	vld [tilespmem:s21+$0xFFFFFFC0]  }
0x39d: {  	v2 =	vld [tilespmem:s22+$0xFFFFFFC0];
	_ =	sdelay $0x4  }
0x39e: {  	v1 =	vadd.f32 v2, v1;
	_ =	sdelay $0x1  }
0x39f: {  	v1 =	vmul.f32 $5.000000000e-01, v1;
	_ =	sdelay $0x1  }
0x3a0: {  	[tilespmem:s21+$0xFFFFFFC0] =	vst v1;
	v1 =	vld [tilespmem:s21+$0xFFFFFFD0]  }
0x3a1: {  	v2 =	vld [tilespmem:s22+$0xFFFFFFD0];
	_ =	sdelay $0x4  }
0x3a2: {  	v1 =	vadd.f32 v2, v1;
	_ =	sdelay $0x1  }
0x3a3: {  	v1 =	vmul.f32 $5.000000000e-01, v1;
	_ =	sdelay $0x1  }
0x3a4: {  	[tilespmem:s21+$0xFFFFFFD0] =	vst v1;
	v1 =	vld [tilespmem:s21+$0xFFFFFFE0]  }
0x3a5: {  	v2 =	vld [tilespmem:s22+$0xFFFFFFE0];
	_ =	sdelay $0x4  }
0x3a6: {  	v1 =	vadd.f32 v2, v1;
	_ =	sdelay $0x1  }
0x3a7: {  	v1 =	vmul.f32 $5.000000000e-01, v1;
	_ =	sdelay $0x1  }
0x3a8: {  	[tilespmem:s21+$0xFFFFFFE0] =	vst v1;
	v1 =	vld [tilespmem:s21+$0xFFFFFFF0]  }
0x3a9: {  	v2 =	vld [tilespmem:s22+$0xFFFFFFF0];
	_ =	sdelay $0x4  }
0x3aa: {  	v1 =	vadd.f32 v2, v1;
	_ =	sdelay $0x1  }
0x3ab: {  	v1 =	vmul.f32 $5.000000000e-01, v1;
	_ =	sdelay $0x1  }
0x3ac: {  	[tilespmem:s21+$0xFFFFFFF0] =	vst v1;
	v1 =	vld [tilespmem:s21+$0x0]  }
0x3ad: {  	v2 =	vld [tilespmem:s22+$0x0];
	_ =	sdelay $0x4  }
0x3ae: {  	v1 =	vadd.f32 v2, v1;
	_ =	sdelay $0x1  }
0x3af: {  	v1 =	vmul.f32 $5.000000000e-01, v1;
	_ =	sdelay $0x1  }
0x3b0: {  	[tilespmem:s21+$0x0] =	vst v1;
	v1 =	vld [tilespmem:s21+$0x10]  }
0x3b1: {  	v2 =	vld [tilespmem:s22+$0x10];
	_ =	sdelay $0x4  }
0x3b2: {  	v1 =	vadd.f32 v2, v1;
	_ =	sdelay $0x1  }
0x3b3: {  	v1 =	vmul.f32 $5.000000000e-01, v1;
	_ =	sdelay $0x1  }
0x3b4: {  	[tilespmem:s21+$0x10] =	vst v1;
	v1 =	vld [tilespmem:s21+$0x20]  }
0x3b5: {  	v2 =	vld [tilespmem:s22+$0x20];
	_ =	sdelay $0x4  }
0x3b6: {  	v1 =	vadd.f32 v2, v1;
	_ =	sdelay $0x1  }
0x3b7: {  	v1 =	vmul.f32 $5.000000000e-01, v1;
	_ =	sdelay $0x1  }
0x3b8: {  	[tilespmem:s21+$0x20] =	vst v1;
	v1 =	vld [tilespmem:s21+$0x30]  }
0x3b9: {  	v2 =	vld [tilespmem:s22+$0x30];
	_ =	sdelay $0x4  }
0x3ba: {  	v1 =	vadd.f32 v2, v1;
	_ =	sdelay $0x1  }
0x3bb: {  	v1 =	vmul.f32 $5.000000000e-01, v1  }
0x3bc: {  	s23 =	simm.s32 $0x0;
	s24 =	simm.s32 $0xC0  }
.LBB2_18:
0x3bd: {  	v2 =	vld [tilespmem:s24+$0xFFFFFFC0];
	[tilespmem:s21+$0x30] =	vst v1;
	s22 =	sadd.s32 $0x80, s22;
	s21 =	smov.u32 s24  }
0x3be: {  	s23 =	sadd.s32 $0x8, s23;
	v1 =	vld [tilespmem:s22+$0xFFFFFFC0]  }
0x3bf: {  	p0 =	slt.u32 s23, $0x9B8;
	_ =	sdelay $0x3  }
0x3c0: {  	v1 =	vadd.f32 v1, v2;
	_ =	sdelay $0x1  }
0x3c1: {  	v1 =	vmul.f32 $5.000000000e-01, v1;
	_ =	sdelay $0x1  }
0x3c2: {  	[tilespmem:s24+$0xFFFFFFC0] =	vst v1;
	v1 =	vld [tilespmem:s24+$0xFFFFFFD0]  }
0x3c3: {  	v2 =	vld [tilespmem:s22+$0xFFFFFFD0];
	_ =	sdelay $0x4  }
0x3c4: {  	v1 =	vadd.f32 v2, v1;
	_ =	sdelay $0x1  }
0x3c5: {  	v1 =	vmul.f32 $5.000000000e-01, v1;
	_ =	sdelay $0x1  }
0x3c6: {  	[tilespmem:s24+$0xFFFFFFD0] =	vst v1;
	v1 =	vld [tilespmem:s24+$0xFFFFFFE0]  }
0x3c7: {  	v2 =	vld [tilespmem:s22+$0xFFFFFFE0];
	_ =	sdelay $0x4  }
0x3c8: {  	v1 =	vadd.f32 v2, v1;
	_ =	sdelay $0x1  }
0x3c9: {  	v1 =	vmul.f32 $5.000000000e-01, v1;
	_ =	sdelay $0x1  }
0x3ca: {  	[tilespmem:s24+$0xFFFFFFE0] =	vst v1;
	v1 =	vld [tilespmem:s24+$0xFFFFFFF0]  }
0x3cb: {  	v2 =	vld [tilespmem:s22+$0xFFFFFFF0];
	_ =	sdelay $0x4  }
0x3cc: {  	v1 =	vadd.f32 v2, v1;
	_ =	sdelay $0x1  }
0x3cd: {  	v1 =	vmul.f32 $5.000000000e-01, v1;
	_ =	sdelay $0x1  }
0x3ce: {  	[tilespmem:s24+$0xFFFFFFF0] =	vst v1;
	v1 =	vld [tilespmem:s24+$0x0]  }
0x3cf: {  	v2 =	vld [tilespmem:s22+$0x0];
	_ =	sdelay $0x4  }
0x3d0: {  	v1 =	vadd.f32 v2, v1;
	_ =	sdelay $0x1  }
0x3d1: {  	v1 =	vmul.f32 $5.000000000e-01, v1;
	_ =	sdelay $0x1  }
0x3d2: {  	[tilespmem:s24+$0x0] =	vst v1;
	v1 =	vld [tilespmem:s24+$0x10]  }
0x3d3: {  	v2 =	vld [tilespmem:s22+$0x10];
	_ =	sdelay $0x4  }
0x3d4: {  	v1 =	vadd.f32 v2, v1;
	_ =	sdelay $0x1  }
0x3d5: {  	v1 =	vmul.f32 $5.000000000e-01, v1;
	_ =	sdelay $0x1  }
0x3d6: {  	[tilespmem:s24+$0x10] =	vst v1;
	v1 =	vld [tilespmem:s24+$0x20]  }
0x3d7: {  	v2 =	vld [tilespmem:s22+$0x20];
	_ =	sdelay $0x4  }
0x3d8: {  	v1 =	vadd.f32 v2, v1;
	_ =	sdelay $0x1  }
0x3d9: {  	v1 =	vmul.f32 $5.000000000e-01, v1;
	_ =	sdelay $0x1  }
0x3da: {  	[tilespmem:s24+$0x20] =	vst v1;
	v1 =	vld [tilespmem:s24+$0x30]  }
0x3db: {  	v2 =	vld [tilespmem:s22+$0x30];
	_ =	sdelay $0x3  }
.Ltmp9:
0x3dc: {  	(pc) =	sbr.rel @p0 .LBB2_18-.Ltmp9, $3  }
0x3dd: {  	v1 =	vadd.f32 v2, v1;
	_ =	sdelay $0x1  }
0x3de: {  	v1 =	vmul.f32 $5.000000000e-01, v1  }
0x3df: {  	s24 =	sadd.s32 $0x80, s24  }
0x3e0: {  	[tilespmem:s21+$0x30] =	vst v1  }
0x3e1: {  	v1 =	vld [tilespmem:$0x9C00]  }
0x3e2: {  	v2 =	vld [tilespmem:$0x13880]  }
0x3e3: {  	v3 =	vld [tilespmem:$0x9C10]  }
0x3e4: {  	v4 =	vld [tilespmem:$0x13890]  }
0x3e5: {  	v5 =	vld [tilespmem:$0x9C20]  }
0x3e6: {  	v6 =	vld [tilespmem:$0x138A0]  }
0x3e7: {  	v7 =	vld [tilespmem:$0x9C30]  }
0x3e8: {  	v8 =	vld [tilespmem:$0x138B0];
	_ =	sdelay $0x1  }
0x3e9: {  	v1 =	vadd.f32 v2, v1  }
0x3ea: {  	v2 =	vadd.f32 v4, v3  }
0x3eb: {  	v3 =	vadd.f32 v6, v5;
	v1 =	vmul.f32 $5.000000000e-01, v1  }
0x3ec: {  	v63 =	vadd.f32 v8, v7;
	v2 =	vmul.f32 $5.000000000e-01, v2  }
0x3ed: {  	[tilespmem:$0x9C00] =	vst v1;
	v1 =	vmul.f32 $5.000000000e-01, v3  }
0x3ee: {  	s20 =	sadd.s32 $0x1, s20;
	[tilespmem:$0x9C10] =	vst v2;
	v2 =	vmul.f32 $5.000000000e-01, v63  }
0x3ef: {  	p0 =	sne.s32 s20, s9;
	[tilespmem:$0x9C20] =	vst v1  }
.Ltmp10:
0x3f0: {  	[tilespmem:$0x9C30] =	vst v2;
	(pc) =	sbr.rel @p0 .LBB2_1-.Ltmp10, $4  }
0x3f1: {  	[hbm4b:s8+s14] =	stream.strided.scatter [tilespmem:s3], [sflag:$0x3], $0x9C80, s15, s14, $0x38;
	[tilespmem:$0x19D00] =	vst v63  }
0x3f2: {  	_ =	swait.ge [sflag:s16], $0x9C80  }
0x3f3: {  	[sflag:s16] =	ssyncset.done $0x0  }
0x3f4: {  	[sflag:s16] =	ssyncadd.s32 $0xFFFF6380  }
0x3f5: {  	_ =	sfence.sel $0x180000  }
0x3f6: {  	[bflag:$0x0] =	sbarrier.arrive $0xFFFF  }
0x3f7: {  	p0 =	sne.s32 s0, $0x0;
	_ =	strace $0x90000047  }
0x3f8: {  	s0 =	sadd.s32 @!p0 $0x100000, s1;
	[bflag:$0x2] =	sbarrier.arrive $0xFFFF  }
0x3f9: {  	[sflag:s0] =	ssyncadd.tile.s32 @!p0 $0x1;
	_ =	shalt  }
.Lfunc_end2:
_tile_overlayer_lowered:
.L_overlay_start_2:
0x3fa: {  	(tag) =	ssettag $0x2  }
0x3fb: {  	s0 =	rddreg [dreg:$0x0];
	s2 =	stileid.u32  }
0x3fc: {  	s1 =	rddreg [dreg:$0x1];
	p0 =	sne.s32 s2, $0x0  }
0x3fd: {  	s3 =	rddreg [dreg:$0x2];
	[bflag:$0x3] =	sbarrier.arrive $0xFFFF;
	s2 =	simm.s32 @!p0 $0x1C03  }
0x3fe: {  	[timem:s3], [sflag:s2] =	dma.local @!p0 [hbm:s0], s1  }
0x3ff: {  	s0 =	simm.s32 @!p0 $0x3  }
0x400: {  	_ =	swait.ge @!p0 [sflag:s0], s1  }
0x401: {  	s1 =	ssub.s32 @!p0 $0x0, s1;
	[sflag:s0] =	ssyncset.done @!p0 $0x0  }
0x402: {  	[sflag:s0] =	ssyncadd.s32 @!p0 s1  }
0x403: {  	[bflag:$0x3] =	sbarrier.arrive $0xFFFF  }
0x404: {  	_ =	shalt  }

</sc_bundles>
